<compile_context>
chip_gen: v7x
topology: tpu7x:2x2x1
jax: 0.10.2.dev20260603
libtpu: 0.0.44.dev20260713+nightly
codegen_flags: <defaults>
</compile_context>

<pallas_src>
import functools

import jax
import jax.numpy as jnp
from jax import lax
from jax.experimental import pallas as pl
from jax.experimental.pallas import tpu as pltpu
from jax.experimental.pallas import tpu_sc as plsc


@functools.lru_cache(maxsize=None)
def _make_lookup(V, D, B, L):
    info = plsc.get_sparse_core_info()
    NC, NS, NL = info.num_cores, info.num_subcores, info.num_lanes
    NW = NC * NS
    assert D == 32 and NL == 16 and B % (NW * 128) == 0
    BBLK = 128
    NLCHUNK = 5
    assert L % (2 * NLCHUNK) == 0
    n_blocks = L // NLCHUNK
    DI, DR = D // 8, 8
    OCOL = DI * (B // BBLK) * DR * BBLK
    mesh = plsc.VectorSubcoreMesh(core_axis_name="c", subcore_axis_name="s")

    @functools.partial(
        pl.kernel,
        mesh=mesh,
        out_type=jax.ShapeDtypeStruct((L, OCOL), jnp.float32),
        compiler_params=pltpu.CompilerParams(
            use_tc_tiling_on_sc=False, needs_layout_passes=False),
        scratch_types=[
            pltpu.VMEM((2, 1, NLCHUNK * BBLK), jnp.int32),
            pltpu.VMEM((2, NLCHUNK * BBLK, D), jnp.float32),
            pltpu.VMEM((2, NLCHUNK, DR * BBLK * DI), jnp.float32),
            pltpu.SemaphoreType.DMA((2,)),
            pltpu.SemaphoreType.DMA((2,)),
        ],
    )
    def lookup_kernel(table_hbm, wordsT_hbm, out_hbm, idx_v, rows_v, buf_v,
                      gsem, ssem):
        wid = lax.axis_index("s") * NC + lax.axis_index("c")
        c0 = wid * BBLK
        iota16 = lax.iota(jnp.int32, NL)

        def load_idx(k, p):
            pltpu.sync_copy(
                wordsT_hbm.at[pl.ds(wid, 1),
                              pl.ds(k * NLCHUNK * BBLK, NLCHUNK * BBLK)],
                idx_v.at[p],
            )

        def start_gathers(p):
            for lp in range(NLCHUNK):
                pltpu.async_copy(
                    table_hbm.at[idx_v.at[p, 0, pl.ds(lp * BBLK, BBLK)]],
                    rows_v.at[p, pl.ds(lp * BBLK, BBLK)],
                    gsem.at[p],
                )

        def wait_gathers(p):
            pltpu.make_async_copy(
                table_hbm.at[pl.ds(0, NLCHUNK * BBLK)],
                rows_v.at[p],
                gsem.at[p],
            ).wait()

        def transpose_block(p):
            rows2d = rows_v.at[p]
            bufs = [buf_v.at[p, lp] for lp in range(NLCHUNK)]
            iotaD = iota16 * BBLK

            def cbody(cc, dst0):
                d0 = dst0
                for u in range(2):
                    c = cc * 2 + u
                    dst1 = d0 + (NL * BBLK)
                    for lp in range(NLCHUNK):
                        j = lp * BBLK + c
                        v0 = rows2d[j, pl.ds(0, NL)]
                        v1 = rows2d[j, pl.ds(NL, NL)]
                        plsc.store_scatter(bufs[lp], [d0], v0)
                        plsc.store_scatter(bufs[lp], [dst1], v1)
                    d0 = d0 + 1
                return d0

            lax.fori_loop(0, BBLK // 2, cbody, iotaD)

        def store_descs(k, p):
            descs = []
            for di in range(DI):
                descs.append((
                    buf_v.at[p, :, pl.ds(di * DR * BBLK, DR * BBLK)],
                    out_hbm.at[pl.ds(k * NLCHUNK, NLCHUNK),
                               pl.ds(di * (OCOL // DI) + wid * DR * BBLK,
                                     DR * BBLK)],
                ))
            return descs

        def start_store(k, p):
            for src, dst in store_descs(k, p):
                pltpu.async_copy(src, dst, ssem.at[p])

        def wait_store(k, p):
            for src, dst in store_descs(k, p):
                pltpu.make_async_copy(src, dst, ssem.at[p]).wait()

        load_idx(0, 0)
        start_gathers(0)

        def step(k, p):
            q = 1 - p

            @pl.when(k + 1 < n_blocks)
            def _():
                load_idx(k + 1, q)
                start_gathers(q)

            wait_gathers(p)

            @pl.when(k >= 2)
            def _():
                wait_store(k - 2, p)

            transpose_block(p)
            start_store(k, p)

        def pair(kk, carry):
            step(2 * kk, 0)
            step(2 * kk + 1, 1)
            return carry

        lax.fori_loop(0, n_blocks // 2, pair, 0)
        wait_store(n_blocks - 2, 0)
        wait_store(n_blocks - 1, 1)

    return lookup_kernel


def kernel(words, word_seq_lens, context_emb, chars, char_seq_lens, word_embedding):
    B, L = words.shape
    V, D = word_embedding.shape
    NW = 32
    wordsB = (words.T.reshape(L, NW, B // NW)
              .transpose(1, 0, 2).reshape(NW, L * (B // NW)))
    out2 = _make_lookup(V, D, B, L)(word_embedding, wordsB)
    out5 = out2.reshape(L, D // 8, B // 128, 8, 128)
    return out5.transpose(2, 4, 0, 1, 3).reshape(B, L, D)

# --- scband reference (transcript-rebuilt; emitter-appended) ---
"""Pipeline reference for scband-word-embedder-28741921145202 (READ-ONLY COPY).

The authoritative reference and input builder live on the scoring server;
editing this copy changes nothing except your own understanding.
"""

import jax, jax.numpy as jnp
import numpy as np

VOCAB = 1000000
DIM = 32
B = 4096
L = 200


def setup_inputs(seed: int = 0) -> dict:
    key = jax.random.key(seed)
    k1, k2 = jax.random.split(key, 2)
    words = jax.random.randint(k1, (B, L), 0, VOCAB, dtype=jnp.int32)
    word_seq_lens = jnp.full((B,), L, dtype=jnp.int32)
    context_emb = jnp.zeros((1, 1, 1), dtype=jnp.float32)
    chars = jnp.zeros((1, 1, 1), dtype=jnp.int32)
    char_seq_lens = jnp.ones((1, 1), dtype=jnp.int32)
    # learned parameter: pretrained word embedding table (frozen=False, i.e. trainable)
    word_embedding = jax.random.normal(k2, (VOCAB, DIM), dtype=jnp.float32) * 0.02
    return {
        "words": words,
        "word_seq_lens": word_seq_lens,
        "context_emb": context_emb,
        "chars": chars,
        "char_seq_lens": char_seq_lens,
        "word_embedding": word_embedding,
    }


def reference(words, word_seq_lens, context_emb, chars, char_seq_lens, word_embedding):
    # WordEmbedder.forward with static_context_emb == ContextEmb.none and use_char == False:
    #   word_emb = self.word_embedding(words)
    #   (no context_emb concat, no char features)
    #   word_rep = self.word_drop(word_emb)  # dropout is identity in eval mode
    word_emb = jnp.take(word_embedding, words, axis=0)
    word_rep = word_emb  # dropout identity at inference
    return word_rep

if __name__ == "__main__":
    import jax
    _d = setup_inputs()
    print(jax.jit(kernel)(*tuple(_d.values())))

</pallas_src>

<mosaic_0001>
#map = affine_map<(d0, d1) -> (0, 0)>
module attributes {stable_mosaic.version = 14 : i64} {
  func.func @lookup_kernel(%arg0: i32, %arg1: i32, %arg2: memref<1000000x32xf32, #tpu.memory_space<hbm>>, %arg3: memref<32x25600xi32, #tpu.memory_space<hbm>>, %arg4: memref<200x131072xf32, #tpu.memory_space<hbm>>, %arg5: memref<2x1x640xi32, #tpu.memory_space<vmem>>, %arg6: memref<2x640x32xf32, #tpu.memory_space<vmem>>, %arg7: memref<2x5x4096xf32, #tpu.memory_space<vmem>>, %arg8: memref<2x!tpu.dma_semaphore, #tpu.memory_space<semaphore_mem>>, %arg9: memref<2x!tpu.dma_semaphore, #tpu.memory_space<semaphore_mem>>) attributes {dimension_semantics = [#tpu.dimension_semantics<core_parallel>, #tpu.dimension_semantics<subcore_parallel>], iteration_bounds = array<i64: 2, 16>, scalar_prefetch = 0 : i64, scratch_operands = 5 : i64, tpu.core_type = #tpu.core_type<sc_vector_subcore>, window_params = [{transform_indices = #map}, {transform_indices = #map}, {transform_indices = #map}]} {
    %mul3A = arith.constant 2 : i32
    %mul3A_0 = arith.muli %arg1, %mul3A : i32
    %add3A = arith.addi %mul3A_0, %arg0 : i32
    %mul3A_1 = arith.constant 128 : i32
    %mul3A_2 = arith.muli %add3A, %mul3A_1 : i32
    %iota3A = tpu.iota {dimensions = array<i32: 0>} : vector<16xi32>
    %run_scoped3A = arith.constant 0 : i32
    "tpu.region"() ({
      %run_scoped3A_262 = tpu.sem_alloc : memref<!tpu.dma_semaphore, #tpu.memory_space<semaphore_mem>>
      %dma_start3A_263 = arith.constant 0 : i32
      %dma_start3A_264 = arith.constant 0 : i32
      %dma_start3A_265 = tpu.memref_slice %arg5[%run_scoped3A, %dma_start3A_263, %dma_start3A_264] : memref<2x1x640xi32, #tpu.memory_space<vmem>> -> memref<1x1x640xi32, #tpu.memory_space<vmem>>
      %dma_start3A_266 = tpu.memref_squeeze %dma_start3A_265 : memref<1x1x640xi32, #tpu.memory_space<vmem>> -> memref<1x640xi32, #tpu.memory_space<vmem>>
      %dma_start3A_267 = arith.constant 0 : i32
      %dma_start3A_268 = tpu.memref_slice %arg3[%add3A, %dma_start3A_267] : memref<32x25600xi32, #tpu.memory_space<hbm>> -> memref<1x640xi32, #tpu.memory_space<hbm>>
      %dma_start3A_269 = arith.constant 0 : i32
      %dma_start3A_270 = arith.constant 0 : i32
      %dma_start3A_271 = tpu.memref_slice %arg5[%run_scoped3A, %dma_start3A_269, %dma_start3A_270] : memref<2x1x640xi32, #tpu.memory_space<vmem>> -> memref<1x1x640xi32, #tpu.memory_space<vmem>>
      %dma_start3A_272 = tpu.memref_squeeze %dma_start3A_271 : memref<1x1x640xi32, #tpu.memory_space<vmem>> -> memref<1x640xi32, #tpu.memory_space<vmem>>
      %dma_start3A_273 = arith.constant 0 : i32
      %dma_start3A_274 = tpu.memref_slice %arg3[%add3A, %dma_start3A_273] : memref<32x25600xi32, #tpu.memory_space<hbm>> -> memref<1x640xi32, #tpu.memory_space<hbm>>
      tpu.enqueue_dma source(%dma_start3A_274 : memref<1x640xi32, #tpu.memory_space<hbm>>) target(%dma_start3A_272 : memref<1x640xi32, #tpu.memory_space<vmem>>) target_semaphore(%run_scoped3A_262 : memref<!tpu.dma_semaphore, #tpu.memory_space<semaphore_mem>>)
      %dma_wait3A_275 = arith.constant 0 : i32
      %dma_wait3A_276 = arith.constant 0 : i32
      %dma_wait3A_277 = tpu.memref_slice %arg5[%run_scoped3A, %dma_wait3A_275, %dma_wait3A_276] : memref<2x1x640xi32, #tpu.memory_space<vmem>> -> memref<1x1x640xi32, #tpu.memory_space<vmem>>
      %dma_wait3A_278 = tpu.memref_squeeze %dma_wait3A_277 : memref<1x1x640xi32, #tpu.memory_space<vmem>> -> memref<1x640xi32, #tpu.memory_space<vmem>>
      %dma_wait3A_279 = arith.constant 0 : i32
      %dma_wait3A_280 = tpu.memref_slice %arg3[%add3A, %dma_wait3A_279] : memref<32x25600xi32, #tpu.memory_space<hbm>> -> memref<1x640xi32, #tpu.memory_space<hbm>>
      %dma_wait3A_281 = arith.constant 0 : i32
      %dma_wait3A_282 = arith.constant 0 : i32
      %dma_wait3A_283 = tpu.memref_slice %arg5[%run_scoped3A, %dma_wait3A_281, %dma_wait3A_282] : memref<2x1x640xi32, #tpu.memory_space<vmem>> -> memref<1x1x640xi32, #tpu.memory_space<vmem>>
      %dma_wait3A_284 = tpu.memref_squeeze %dma_wait3A_283 : memref<1x1x640xi32, #tpu.memory_space<vmem>> -> memref<1x640xi32, #tpu.memory_space<vmem>>
      %dma_wait3A_285 = arith.constant 0 : i32
      %dma_wait3A_286 = tpu.memref_slice %arg3[%add3A, %dma_wait3A_285] : memref<32x25600xi32, #tpu.memory_space<hbm>> -> memref<1x640xi32, #tpu.memory_space<hbm>>
      tpu.wait_dma2 semaphore(%run_scoped3A_262 : memref<!tpu.dma_semaphore, #tpu.memory_space<semaphore_mem>>) src(%dma_wait3A_286 : memref<1x640xi32, #tpu.memory_space<hbm>>) dst(%dma_wait3A_284 : memref<1x640xi32, #tpu.memory_space<vmem>>)
      tpu.yield
    }) : () -> ()
    %dma_start3A = arith.constant 0 : i32
    %dma_start3A_3 = arith.constant 0 : i32
    %dma_start3A_4 = arith.constant 0 : i32
    %dma_start3A_5 = arith.constant 0 : i32
    %dma_start3A_6 = arith.constant 0 : i32
    %dma_start3A_7 = arith.constant 0 : i32
    %dma_start3A_8 = tpu.memref_slice %arg6[%dma_start3A_4, %dma_start3A_6, %dma_start3A_7] : memref<2x640x32xf32, #tpu.memory_space<vmem>> -> memref<1x128x32xf32, #tpu.memory_space<vmem>>
    %dma_start3A_9 = tpu.memref_squeeze %dma_start3A_8 : memref<1x128x32xf32, #tpu.memory_space<vmem>> -> memref<128x32xf32, #tpu.memory_space<vmem>>
    %dma_start3A_10 = arith.constant 0 : i32
    %dma_start3A_11 = tpu.memref_slice %arg5[%dma_start3A, %dma_start3A_3, %dma_start3A_10] : memref<2x1x640xi32, #tpu.memory_space<vmem>> -> memref<1x1x128xi32, #tpu.memory_space<vmem>>
    %dma_start3A_12 = tpu.memref_squeeze %dma_start3A_11 : memref<1x1x128xi32, #tpu.memory_space<vmem>> -> memref<128xi32, #tpu.memory_space<vmem>>
    %dma_start3A_13 = arith.constant 0 : i32
    %dma_start3A_14 = arith.constant 0 : i32
    %dma_start3A_15 = tpu.memref_slice %arg2[%dma_start3A_13, %dma_start3A_14] : memref<1000000x32xf32, #tpu.memory_space<hbm>> -> memref<1000000x32xf32, #tpu.memory_space<hbm>>
    %dma_start3A_16 = tpu.memref_slice %arg8[%dma_start3A_5] : memref<2x!tpu.dma_semaphore, #tpu.memory_space<semaphore_mem>> -> memref<1x!tpu.dma_semaphore, #tpu.memory_space<semaphore_mem>>
    %dma_start3A_17 = tpu.memref_squeeze %dma_start3A_16 : memref<1x!tpu.dma_semaphore, #tpu.memory_space<semaphore_mem>> -> memref<!tpu.dma_semaphore, #tpu.memory_space<semaphore_mem>>
    tpu.enqueue_indirect_dma source(%dma_start3A_15 : memref<1000000x32xf32, #tpu.memory_space<hbm>>) target(%dma_start3A_9 : memref<128x32xf32, #tpu.memory_space<vmem>>) offsets(%dma_start3A_12 : memref<128xi32, #tpu.memory_space<vmem>>) semaphore(%dma_start3A_17 : memref<!tpu.dma_semaphore, #tpu.memory_space<semaphore_mem>>)
    %dma_start3A_18 = arith.constant 0 : i32
    %dma_start3A_19 = arith.constant 0 : i32
    %dma_start3A_20 = arith.constant 0 : i32
    %dma_start3A_21 = arith.constant 0 : i32
    %dma_start3A_22 = arith.constant 128 : i32
    %dma_start3A_23 = arith.constant 0 : i32
    %dma_start3A_24 = tpu.memref_slice %arg6[%dma_start3A_20, %dma_start3A_22, %dma_start3A_23] : memref<2x640x32xf32, #tpu.memory_space<vmem>> -> memref<1x128x32xf32, #tpu.memory_space<vmem>>
    %dma_start3A_25 = tpu.memref_squeeze %dma_start3A_24 : memref<1x128x32xf32, #tpu.memory_space<vmem>> -> memref<128x32xf32, #tpu.memory_space<vmem>>
    %dma_start3A_26 = arith.constant 128 : i32
    %dma_start3A_27 = tpu.memref_slice %arg5[%dma_start3A_18, %dma_start3A_19, %dma_start3A_26] : memref<2x1x640xi32, #tpu.memory_space<vmem>> -> memref<1x1x128xi32, #tpu.memory_space<vmem>>
    %dma_start3A_28 = tpu.memref_squeeze %dma_start3A_27 : memref<1x1x128xi32, #tpu.memory_space<vmem>> -> memref<128xi32, #tpu.memory_space<vmem>>
    %dma_start3A_29 = arith.constant 0 : i32
    %dma_start3A_30 = arith.constant 0 : i32
    %dma_start3A_31 = tpu.memref_slice %arg2[%dma_start3A_29, %dma_start3A_30] : memref<1000000x32xf32, #tpu.memory_space<hbm>> -> memref<1000000x32xf32, #tpu.memory_space<hbm>>
    %dma_start3A_32 = tpu.memref_slice %arg8[%dma_start3A_21] : memref<2x!tpu.dma_semaphore, #tpu.memory_space<semaphore_mem>> -> memref<1x!tpu.dma_semaphore, #tpu.memory_space<semaphore_mem>>
    %dma_start3A_33 = tpu.memref_squeeze %dma_start3A_32 : memref<1x!tpu.dma_semaphore, #tpu.memory_space<semaphore_mem>> -> memref<!tpu.dma_semaphore, #tpu.memory_space<semaphore_mem>>
    tpu.enqueue_indirect_dma source(%dma_start3A_31 : memref<1000000x32xf32, #tpu.memory_space<hbm>>) target(%dma_start3A_25 : memref<128x32xf32, #tpu.memory_space<vmem>>) offsets(%dma_start3A_28 : memref<128xi32, #tpu.memory_space<vmem>>) semaphore(%dma_start3A_33 : memref<!tpu.dma_semaphore, #tpu.memory_space<semaphore_mem>>)
    %dma_start3A_34 = arith.constant 0 : i32
    %dma_start3A_35 = arith.constant 0 : i32
    %dma_start3A_36 = arith.constant 0 : i32
    %dma_start3A_37 = arith.constant 0 : i32
    %dma_start3A_38 = arith.constant 256 : i32
    %dma_start3A_39 = arith.constant 0 : i32
    %dma_start3A_40 = tpu.memref_slice %arg6[%dma_start3A_36, %dma_start3A_38, %dma_start3A_39] : memref<2x640x32xf32, #tpu.memory_space<vmem>> -> memref<1x128x32xf32, #tpu.memory_space<vmem>>
    %dma_start3A_41 = tpu.memref_squeeze %dma_start3A_40 : memref<1x128x32xf32, #tpu.memory_space<vmem>> -> memref<128x32xf32, #tpu.memory_space<vmem>>
    %dma_start3A_42 = arith.constant 256 : i32
    %dma_start3A_43 = tpu.memref_slice %arg5[%dma_start3A_34, %dma_start3A_35, %dma_start3A_42] : memref<2x1x640xi32, #tpu.memory_space<vmem>> -> memref<1x1x128xi32, #tpu.memory_space<vmem>>
    %dma_start3A_44 = tpu.memref_squeeze %dma_start3A_43 : memref<1x1x128xi32, #tpu.memory_space<vmem>> -> memref<128xi32, #tpu.memory_space<vmem>>
    %dma_start3A_45 = arith.constant 0 : i32
    %dma_start3A_46 = arith.constant 0 : i32
    %dma_start3A_47 = tpu.memref_slice %arg2[%dma_start3A_45, %dma_start3A_46] : memref<1000000x32xf32, #tpu.memory_space<hbm>> -> memref<1000000x32xf32, #tpu.memory_space<hbm>>
    %dma_start3A_48 = tpu.memref_slice %arg8[%dma_start3A_37] : memref<2x!tpu.dma_semaphore, #tpu.memory_space<semaphore_mem>> -> memref<1x!tpu.dma_semaphore, #tpu.memory_space<semaphore_mem>>
    %dma_start3A_49 = tpu.memref_squeeze %dma_start3A_48 : memref<1x!tpu.dma_semaphore, #tpu.memory_space<semaphore_mem>> -> memref<!tpu.dma_semaphore, #tpu.memory_space<semaphore_mem>>
    tpu.enqueue_indirect_dma source(%dma_start3A_47 : memref<1000000x32xf32, #tpu.memory_space<hbm>>) target(%dma_start3A_41 : memref<128x32xf32, #tpu.memory_space<vmem>>) offsets(%dma_start3A_44 : memref<128xi32, #tpu.memory_space<vmem>>) semaphore(%dma_start3A_49 : memref<!tpu.dma_semaphore, #tpu.memory_space<semaphore_mem>>)
    %dma_start3A_50 = arith.constant 0 : i32
    %dma_start3A_51 = arith.constant 0 : i32
    %dma_start3A_52 = arith.constant 0 : i32
    %dma_start3A_53 = arith.constant 0 : i32
    %dma_start3A_54 = arith.constant 384 : i32
    %dma_start3A_55 = arith.constant 0 : i32
    %dma_start3A_56 = tpu.memref_slice %arg6[%dma_start3A_52, %dma_start3A_54, %dma_start3A_55] : memref<2x640x32xf32, #tpu.memory_space<vmem>> -> memref<1x128x32xf32, #tpu.memory_space<vmem>>
    %dma_start3A_57 = tpu.memref_squeeze %dma_start3A_56 : memref<1x128x32xf32, #tpu.memory_space<vmem>> -> memref<128x32xf32, #tpu.memory_space<vmem>>
    %dma_start3A_58 = arith.constant 384 : i32
    %dma_start3A_59 = tpu.memref_slice %arg5[%dma_start3A_50, %dma_start3A_51, %dma_start3A_58] : memref<2x1x640xi32, #tpu.memory_space<vmem>> -> memref<1x1x128xi32, #tpu.memory_space<vmem>>
    %dma_start3A_60 = tpu.memref_squeeze %dma_start3A_59 : memref<1x1x128xi32, #tpu.memory_space<vmem>> -> memref<128xi32, #tpu.memory_space<vmem>>
    %dma_start3A_61 = arith.constant 0 : i32
    %dma_start3A_62 = arith.constant 0 : i32
    %dma_start3A_63 = tpu.memref_slice %arg2[%dma_start3A_61, %dma_start3A_62] : memref<1000000x32xf32, #tpu.memory_space<hbm>> -> memref<1000000x32xf32, #tpu.memory_space<hbm>>
    %dma_start3A_64 = tpu.memref_slice %arg8[%dma_start3A_53] : memref<2x!tpu.dma_semaphore, #tpu.memory_space<semaphore_mem>> -> memref<1x!tpu.dma_semaphore, #tpu.memory_space<semaphore_mem>>
    %dma_start3A_65 = tpu.memref_squeeze %dma_start3A_64 : memref<1x!tpu.dma_semaphore, #tpu.memory_space<semaphore_mem>> -> memref<!tpu.dma_semaphore, #tpu.memory_space<semaphore_mem>>
    tpu.enqueue_indirect_dma source(%dma_start3A_63 : memref<1000000x32xf32, #tpu.memory_space<hbm>>) target(%dma_start3A_57 : memref<128x32xf32, #tpu.memory_space<vmem>>) offsets(%dma_start3A_60 : memref<128xi32, #tpu.memory_space<vmem>>) semaphore(%dma_start3A_65 : memref<!tpu.dma_semaphore, #tpu.memory_space<semaphore_mem>>)
    %dma_start3A_66 = arith.constant 0 : i32
    %dma_start3A_67 = arith.constant 0 : i32
    %dma_start3A_68 = arith.constant 0 : i32
    %dma_start3A_69 = arith.constant 0 : i32
    %dma_start3A_70 = arith.constant 512 : i32
    %dma_start3A_71 = arith.constant 0 : i32
    %dma_start3A_72 = tpu.memref_slice %arg6[%dma_start3A_68, %dma_start3A_70, %dma_start3A_71] : memref<2x640x32xf32, #tpu.memory_space<vmem>> -> memref<1x128x32xf32, #tpu.memory_space<vmem>>
    %dma_start3A_73 = tpu.memref_squeeze %dma_start3A_72 : memref<1x128x32xf32, #tpu.memory_space<vmem>> -> memref<128x32xf32, #tpu.memory_space<vmem>>
    %dma_start3A_74 = arith.constant 512 : i32
    %dma_start3A_75 = tpu.memref_slice %arg5[%dma_start3A_66, %dma_start3A_67, %dma_start3A_74] : memref<2x1x640xi32, #tpu.memory_space<vmem>> -> memref<1x1x128xi32, #tpu.memory_space<vmem>>
    %dma_start3A_76 = tpu.memref_squeeze %dma_start3A_75 : memref<1x1x128xi32, #tpu.memory_space<vmem>> -> memref<128xi32, #tpu.memory_space<vmem>>
    %dma_start3A_77 = arith.constant 0 : i32
    %dma_start3A_78 = arith.constant 0 : i32
    %dma_start3A_79 = tpu.memref_slice %arg2[%dma_start3A_77, %dma_start3A_78] : memref<1000000x32xf32, #tpu.memory_space<hbm>> -> memref<1000000x32xf32, #tpu.memory_space<hbm>>
    %dma_start3A_80 = tpu.memref_slice %arg8[%dma_start3A_69] : memref<2x!tpu.dma_semaphore, #tpu.memory_space<semaphore_mem>> -> memref<1x!tpu.dma_semaphore, #tpu.memory_space<semaphore_mem>>
    %dma_start3A_81 = tpu.memref_squeeze %dma_start3A_80 : memref<1x!tpu.dma_semaphore, #tpu.memory_space<semaphore_mem>> -> memref<!tpu.dma_semaphore, #tpu.memory_space<semaphore_mem>>
    tpu.enqueue_indirect_dma source(%dma_start3A_79 : memref<1000000x32xf32, #tpu.memory_space<hbm>>) target(%dma_start3A_73 : memref<128x32xf32, #tpu.memory_space<vmem>>) offsets(%dma_start3A_76 : memref<128xi32, #tpu.memory_space<vmem>>) semaphore(%dma_start3A_81 : memref<!tpu.dma_semaphore, #tpu.memory_space<semaphore_mem>>)
    %scan3A = arith.constant 0 : i32
    %scan3A_82 = arith.constant 0 : i32
    %scan3A_83 = arith.constant 20 : i32
    %scan3A_84 = arith.addi %scan3A_82, %scan3A_83 : i32
    %scan3A_85 = arith.constant 1 : i32
    scf.for %scan3A_262 = %scan3A_82 to %scan3A_84 step %scan3A_85  : i32 {
      %mul3A_263 = arith.constant 2 : i32
      %mul3A_264 = arith.muli %mul3A_263, %scan3A_262 : i32
      %add3A_265 = arith.constant 1 : i32
      %add3A_266 = arith.addi %mul3A_264, %add3A_265 : i32
      %lt3A = arith.constant 40 : i32
      %lt3A_267 = arith.cmpi slt, %add3A_266, %lt3A : i32
      %convert_element_type3A = arith.extui %lt3A_267 : i1 to i32
      %cond3A = arith.constant 0 : i32
      %cond3A_268 = arith.cmpi ne, %convert_element_type3A, %cond3A : i32
      scf.if %cond3A_268 {
        %add3A_541 = arith.constant 1 : i32
        %add3A_542 = arith.addi %mul3A_264, %add3A_541 : i32
        %mul3A_543 = arith.constant 5 : i32
        %mul3A_544 = arith.muli %add3A_542, %mul3A_543 : i32
        %mul3A_545 = arith.constant 128 : i32
        %mul3A_546 = arith.muli %mul3A_544, %mul3A_545 : i32
        %run_scoped3A_547 = arith.constant 1 : i32
        "tpu.region"() ({
          %run_scoped3A_628 = tpu.sem_alloc : memref<!tpu.dma_semaphore, #tpu.memory_space<semaphore_mem>>
          %dma_start3A_629 = arith.constant 0 : i32
          %dma_start3A_630 = arith.constant 0 : i32
          %dma_start3A_631 = tpu.memref_slice %arg5[%run_scoped3A_547, %dma_start3A_629, %dma_start3A_630] : memref<2x1x640xi32, #tpu.memory_space<vmem>> -> memref<1x1x640xi32, #tpu.memory_space<vmem>>
          %dma_start3A_632 = tpu.memref_squeeze %dma_start3A_631 : memref<1x1x640xi32, #tpu.memory_space<vmem>> -> memref<1x640xi32, #tpu.memory_space<vmem>>
          %dma_start3A_633 = tpu.memref_slice %arg3[%add3A, %mul3A_546] : memref<32x25600xi32, #tpu.memory_space<hbm>> -> memref<1x640xi32, #tpu.memory_space<hbm>>
          %dma_start3A_634 = arith.constant 0 : i32
          %dma_start3A_635 = arith.constant 0 : i32
          %dma_start3A_636 = tpu.memref_slice %arg5[%run_scoped3A_547, %dma_start3A_634, %dma_start3A_635] : memref<2x1x640xi32, #tpu.memory_space<vmem>> -> memref<1x1x640xi32, #tpu.memory_space<vmem>>
          %dma_start3A_637 = tpu.memref_squeeze %dma_start3A_636 : memref<1x1x640xi32, #tpu.memory_space<vmem>> -> memref<1x640xi32, #tpu.memory_space<vmem>>
          %dma_start3A_638 = tpu.memref_slice %arg3[%add3A, %mul3A_546] : memref<32x25600xi32, #tpu.memory_space<hbm>> -> memref<1x640xi32, #tpu.memory_space<hbm>>
          tpu.enqueue_dma source(%dma_start3A_638 : memref<1x640xi32, #tpu.memory_space<hbm>>) target(%dma_start3A_637 : memref<1x640xi32, #tpu.memory_space<vmem>>) target_semaphore(%run_scoped3A_628 : memref<!tpu.dma_semaphore, #tpu.memory_space<semaphore_mem>>)
          %dma_wait3A_639 = arith.constant 0 : i32
          %dma_wait3A_640 = arith.constant 0 : i32
          %dma_wait3A_641 = tpu.memref_slice %arg5[%run_scoped3A_547, %dma_wait3A_639, %dma_wait3A_640] : memref<2x1x640xi32, #tpu.memory_space<vmem>> -> memref<1x1x640xi32, #tpu.memory_space<vmem>>
          %dma_wait3A_642 = tpu.memref_squeeze %dma_wait3A_641 : memref<1x1x640xi32, #tpu.memory_space<vmem>> -> memref<1x640xi32, #tpu.memory_space<vmem>>
          %dma_wait3A_643 = tpu.memref_slice %arg3[%add3A, %mul3A_546] : memref<32x25600xi32, #tpu.memory_space<hbm>> -> memref<1x640xi32, #tpu.memory_space<hbm>>
          %dma_wait3A_644 = arith.constant 0 : i32
          %dma_wait3A_645 = arith.constant 0 : i32
          %dma_wait3A_646 = tpu.memref_slice %arg5[%run_scoped3A_547, %dma_wait3A_644, %dma_wait3A_645] : memref<2x1x640xi32, #tpu.memory_space<vmem>> -> memref<1x1x640xi32, #tpu.memory_space<vmem>>
          %dma_wait3A_647 = tpu.memref_squeeze %dma_wait3A_646 : memref<1x1x640xi32, #tpu.memory_space<vmem>> -> memref<1x640xi32, #tpu.memory_space<vmem>>
          %dma_wait3A_648 = tpu.memref_slice %arg3[%add3A, %mul3A_546] : memref<32x25600xi32, #tpu.memory_space<hbm>> -> memref<1x640xi32, #tpu.memory_space<hbm>>
          tpu.wait_dma2 semaphore(%run_scoped3A_628 : memref<!tpu.dma_semaphore, #tpu.memory_space<semaphore_mem>>) src(%dma_wait3A_648 : memref<1x640xi32, #tpu.memory_space<hbm>>) dst(%dma_wait3A_647 : memref<1x640xi32, #tpu.memory_space<vmem>>)
          tpu.yield
        }) : () -> ()
        %dma_start3A_548 = arith.constant 1 : i32
        %dma_start3A_549 = arith.constant 0 : i32
        %dma_start3A_550 = arith.constant 1 : i32
        %dma_start3A_551 = arith.constant 1 : i32
        %dma_start3A_552 = arith.constant 0 : i32
        %dma_start3A_553 = arith.constant 0 : i32
        %dma_start3A_554 = tpu.memref_slice %arg6[%dma_start3A_550, %dma_start3A_552, %dma_start3A_553] : memref<2x640x32xf32, #tpu.memory_space<vmem>> -> memref<1x128x32xf32, #tpu.memory_space<vmem>>
        %dma_start3A_555 = tpu.memref_squeeze %dma_start3A_554 : memref<1x128x32xf32, #tpu.memory_space<vmem>> -> memref<128x32xf32, #tpu.memory_space<vmem>>
        %dma_start3A_556 = arith.constant 0 : i32
        %dma_start3A_557 = tpu.memref_slice %arg5[%dma_start3A_548, %dma_start3A_549, %dma_start3A_556] : memref<2x1x640xi32, #tpu.memory_space<vmem>> -> memref<1x1x128xi32, #tpu.memory_space<vmem>>
        %dma_start3A_558 = tpu.memref_squeeze %dma_start3A_557 : memref<1x1x128xi32, #tpu.memory_space<vmem>> -> memref<128xi32, #tpu.memory_space<vmem>>
        %dma_start3A_559 = arith.constant 0 : i32
        %dma_start3A_560 = arith.constant 0 : i32
        %dma_start3A_561 = tpu.memref_slice %arg2[%dma_start3A_559, %dma_start3A_560] : memref<1000000x32xf32, #tpu.memory_space<hbm>> -> memref<1000000x32xf32, #tpu.memory_space<hbm>>
        %dma_start3A_562 = tpu.memref_slice %arg8[%dma_start3A_551] : memref<2x!tpu.dma_semaphore, #tpu.memory_space<semaphore_mem>> -> memref<1x!tpu.dma_semaphore, #tpu.memory_space<semaphore_mem>>
        %dma_start3A_563 = tpu.memref_squeeze %dma_start3A_562 : memref<1x!tpu.dma_semaphore, #tpu.memory_space<semaphore_mem>> -> memref<!tpu.dma_semaphore, #tpu.memory_space<semaphore_mem>>
        tpu.enqueue_indirect_dma source(%dma_start3A_561 : memref<1000000x32xf32, #tpu.memory_space<hbm>>) target(%dma_start3A_555 : memref<128x32xf32, #tpu.memory_space<vmem>>) offsets(%dma_start3A_558 : memref<128xi32, #tpu.memory_space<vmem>>) semaphore(%dma_start3A_563 : memref<!tpu.dma_semaphore, #tpu.memory_space<semaphore_mem>>)
        %dma_start3A_564 = arith.constant 1 : i32
        %dma_start3A_565 = arith.constant 0 : i32
        %dma_start3A_566 = arith.constant 1 : i32
        %dma_start3A_567 = arith.constant 1 : i32
        %dma_start3A_568 = arith.constant 128 : i32
        %dma_start3A_569 = arith.constant 0 : i32
        %dma_start3A_570 = tpu.memref_slice %arg6[%dma_start3A_566, %dma_start3A_568, %dma_start3A_569] : memref<2x640x32xf32, #tpu.memory_space<vmem>> -> memref<1x128x32xf32, #tpu.memory_space<vmem>>
        %dma_start3A_571 = tpu.memref_squeeze %dma_start3A_570 : memref<1x128x32xf32, #tpu.memory_space<vmem>> -> memref<128x32xf32, #tpu.memory_space<vmem>>
        %dma_start3A_572 = arith.constant 128 : i32
        %dma_start3A_573 = tpu.memref_slice %arg5[%dma_start3A_564, %dma_start3A_565, %dma_start3A_572] : memref<2x1x640xi32, #tpu.memory_space<vmem>> -> memref<1x1x128xi32, #tpu.memory_space<vmem>>
        %dma_start3A_574 = tpu.memref_squeeze %dma_start3A_573 : memref<1x1x128xi32, #tpu.memory_space<vmem>> -> memref<128xi32, #tpu.memory_space<vmem>>
        %dma_start3A_575 = arith.constant 0 : i32
        %dma_start3A_576 = arith.constant 0 : i32
        %dma_start3A_577 = tpu.memref_slice %arg2[%dma_start3A_575, %dma_start3A_576] : memref<1000000x32xf32, #tpu.memory_space<hbm>> -> memref<1000000x32xf32, #tpu.memory_space<hbm>>
        %dma_start3A_578 = tpu.memref_slice %arg8[%dma_start3A_567] : memref<2x!tpu.dma_semaphore, #tpu.memory_space<semaphore_mem>> -> memref<1x!tpu.dma_semaphore, #tpu.memory_space<semaphore_mem>>
        %dma_start3A_579 = tpu.memref_squeeze %dma_start3A_578 : memref<1x!tpu.dma_semaphore, #tpu.memory_space<semaphore_mem>> -> memref<!tpu.dma_semaphore, #tpu.memory_space<semaphore_mem>>
        tpu.enqueue_indirect_dma source(%dma_start3A_577 : memref<1000000x32xf32, #tpu.memory_space<hbm>>) target(%dma_start3A_571 : memref<128x32xf32, #tpu.memory_space<vmem>>) offsets(%dma_start3A_574 : memref<128xi32, #tpu.memory_space<vmem>>) semaphore(%dma_start3A_579 : memref<!tpu.dma_semaphore, #tpu.memory_space<semaphore_mem>>)
        %dma_start3A_580 = arith.constant 1 : i32
        %dma_start3A_581 = arith.constant 0 : i32
        %dma_start3A_582 = arith.constant 1 : i32
        %dma_start3A_583 = arith.constant 1 : i32
        %dma_start3A_584 = arith.constant 256 : i32
        %dma_start3A_585 = arith.constant 0 : i32
        %dma_start3A_586 = tpu.memref_slice %arg6[%dma_start3A_582, %dma_start3A_584, %dma_start3A_585] : memref<2x640x32xf32, #tpu.memory_space<vmem>> -> memref<1x128x32xf32, #tpu.memory_space<vmem>>
        %dma_start3A_587 = tpu.memref_squeeze %dma_start3A_586 : memref<1x128x32xf32, #tpu.memory_space<vmem>> -> memref<128x32xf32, #tpu.memory_space<vmem>>
        %dma_start3A_588 = arith.constant 256 : i32
        %dma_start3A_589 = tpu.memref_slice %arg5[%dma_start3A_580, %dma_start3A_581, %dma_start3A_588] : memref<2x1x640xi32, #tpu.memory_space<vmem>> -> memref<1x1x128xi32, #tpu.memory_space<vmem>>
        %dma_start3A_590 = tpu.memref_squeeze %dma_start3A_589 : memref<1x1x128xi32, #tpu.memory_space<vmem>> -> memref<128xi32, #tpu.memory_space<vmem>>
        %dma_start3A_591 = arith.constant 0 : i32
        %dma_start3A_592 = arith.constant 0 : i32
        %dma_start3A_593 = tpu.memref_slice %arg2[%dma_start3A_591, %dma_start3A_592] : memref<1000000x32xf32, #tpu.memory_space<hbm>> -> memref<1000000x32xf32, #tpu.memory_space<hbm>>
        %dma_start3A_594 = tpu.memref_slice %arg8[%dma_start3A_583] : memref<2x!tpu.dma_semaphore, #tpu.memory_space<semaphore_mem>> -> memref<1x!tpu.dma_semaphore, #tpu.memory_space<semaphore_mem>>
        %dma_start3A_595 = tpu.memref_squeeze %dma_start3A_594 : memref<1x!tpu.dma_semaphore, #tpu.memory_space<semaphore_mem>> -> memref<!tpu.dma_semaphore, #tpu.memory_space<semaphore_mem>>
        tpu.enqueue_indirect_dma source(%dma_start3A_593 : memref<1000000x32xf32, #tpu.memory_space<hbm>>) target(%dma_start3A_587 : memref<128x32xf32, #tpu.memory_space<vmem>>) offsets(%dma_start3A_590 : memref<128xi32, #tpu.memory_space<vmem>>) semaphore(%dma_start3A_595 : memref<!tpu.dma_semaphore, #tpu.memory_space<semaphore_mem>>)
        %dma_start3A_596 = arith.constant 1 : i32
        %dma_start3A_597 = arith.constant 0 : i32
        %dma_start3A_598 = arith.constant 1 : i32
        %dma_start3A_599 = arith.constant 1 : i32
        %dma_start3A_600 = arith.constant 384 : i32
        %dma_start3A_601 = arith.constant 0 : i32
        %dma_start3A_602 = tpu.memref_slice %arg6[%dma_start3A_598, %dma_start3A_600, %dma_start3A_601] : memref<2x640x32xf32, #tpu.memory_space<vmem>> -> memref<1x128x32xf32, #tpu.memory_space<vmem>>
        %dma_start3A_603 = tpu.memref_squeeze %dma_start3A_602 : memref<1x128x32xf32, #tpu.memory_space<vmem>> -> memref<128x32xf32, #tpu.memory_space<vmem>>
        %dma_start3A_604 = arith.constant 384 : i32
        %dma_start3A_605 = tpu.memref_slice %arg5[%dma_start3A_596, %dma_start3A_597, %dma_start3A_604] : memref<2x1x640xi32, #tpu.memory_space<vmem>> -> memref<1x1x128xi32, #tpu.memory_space<vmem>>
        %dma_start3A_606 = tpu.memref_squeeze %dma_start3A_605 : memref<1x1x128xi32, #tpu.memory_space<vmem>> -> memref<128xi32, #tpu.memory_space<vmem>>
        %dma_start3A_607 = arith.constant 0 : i32
        %dma_start3A_608 = arith.constant 0 : i32
        %dma_start3A_609 = tpu.memref_slice %arg2[%dma_start3A_607, %dma_start3A_608] : memref<1000000x32xf32, #tpu.memory_space<hbm>> -> memref<1000000x32xf32, #tpu.memory_space<hbm>>
        %dma_start3A_610 = tpu.memref_slice %arg8[%dma_start3A_599] : memref<2x!tpu.dma_semaphore, #tpu.memory_space<semaphore_mem>> -> memref<1x!tpu.dma_semaphore, #tpu.memory_space<semaphore_mem>>
        %dma_start3A_611 = tpu.memref_squeeze %dma_start3A_610 : memref<1x!tpu.dma_semaphore, #tpu.memory_space<semaphore_mem>> -> memref<!tpu.dma_semaphore, #tpu.memory_space<semaphore_mem>>
        tpu.enqueue_indirect_dma source(%dma_start3A_609 : memref<1000000x32xf32, #tpu.memory_space<hbm>>) target(%dma_start3A_603 : memref<128x32xf32, #tpu.memory_space<vmem>>) offsets(%dma_start3A_606 : memref<128xi32, #tpu.memory_space<vmem>>) semaphore(%dma_start3A_611 : memref<!tpu.dma_semaphore, #tpu.memory_space<semaphore_mem>>)
        %dma_start3A_612 = arith.constant 1 : i32
        %dma_start3A_613 = arith.constant 0 : i32
        %dma_start3A_614 = arith.constant 1 : i32
        %dma_start3A_615 = arith.constant 1 : i32
        %dma_start3A_616 = arith.constant 512 : i32
        %dma_start3A_617 = arith.constant 0 : i32
        %dma_start3A_618 = tpu.memref_slice %arg6[%dma_start3A_614, %dma_start3A_616, %dma_start3A_617] : memref<2x640x32xf32, #tpu.memory_space<vmem>> -> memref<1x128x32xf32, #tpu.memory_space<vmem>>
        %dma_start3A_619 = tpu.memref_squeeze %dma_start3A_618 : memref<1x128x32xf32, #tpu.memory_space<vmem>> -> memref<128x32xf32, #tpu.memory_space<vmem>>
        %dma_start3A_620 = arith.constant 512 : i32
        %dma_start3A_621 = tpu.memref_slice %arg5[%dma_start3A_612, %dma_start3A_613, %dma_start3A_620] : memref<2x1x640xi32, #tpu.memory_space<vmem>> -> memref<1x1x128xi32, #tpu.memory_space<vmem>>
        %dma_start3A_622 = tpu.memref_squeeze %dma_start3A_621 : memref<1x1x128xi32, #tpu.memory_space<vmem>> -> memref<128xi32, #tpu.memory_space<vmem>>
        %dma_start3A_623 = arith.constant 0 : i32
        %dma_start3A_624 = arith.constant 0 : i32
        %dma_start3A_625 = tpu.memref_slice %arg2[%dma_start3A_623, %dma_start3A_624] : memref<1000000x32xf32, #tpu.memory_space<hbm>> -> memref<1000000x32xf32, #tpu.memory_space<hbm>>
        %dma_start3A_626 = tpu.memref_slice %arg8[%dma_start3A_615] : memref<2x!tpu.dma_semaphore, #tpu.memory_space<semaphore_mem>> -> memref<1x!tpu.dma_semaphore, #tpu.memory_space<semaphore_mem>>
        %dma_start3A_627 = tpu.memref_squeeze %dma_start3A_626 : memref<1x!tpu.dma_semaphore, #tpu.memory_space<semaphore_mem>> -> memref<!tpu.dma_semaphore, #tpu.memory_space<semaphore_mem>>
        tpu.enqueue_indirect_dma source(%dma_start3A_625 : memref<1000000x32xf32, #tpu.memory_space<hbm>>) target(%dma_start3A_619 : memref<128x32xf32, #tpu.memory_space<vmem>>) offsets(%dma_start3A_622 : memref<128xi32, #tpu.memory_space<vmem>>) semaphore(%dma_start3A_627 : memref<!tpu.dma_semaphore, #tpu.memory_space<semaphore_mem>>)
      } else {
      }
      %dma_wait3A_269 = arith.constant 0 : i32
      %dma_wait3A_270 = arith.constant 0 : i32
      %dma_wait3A_271 = arith.constant 0 : i32
      %dma_wait3A_272 = arith.constant 0 : i32
      %dma_wait3A_273 = tpu.memref_slice %arg6[%dma_wait3A_269, %dma_wait3A_271, %dma_wait3A_272] : memref<2x640x32xf32, #tpu.memory_space<vmem>> -> memref<1x640x32xf32, #tpu.memory_space<vmem>>
      %dma_wait3A_274 = tpu.memref_squeeze %dma_wait3A_273 : memref<1x640x32xf32, #tpu.memory_space<vmem>> -> memref<640x32xf32, #tpu.memory_space<vmem>>
      %dma_wait3A_275 = arith.constant 0 : i32
      %dma_wait3A_276 = arith.constant 0 : i32
      %dma_wait3A_277 = tpu.memref_slice %arg2[%dma_wait3A_275, %dma_wait3A_276] : memref<1000000x32xf32, #tpu.memory_space<hbm>> -> memref<640x32xf32, #tpu.memory_space<hbm>>
      %dma_wait3A_278 = tpu.memref_slice %arg8[%dma_wait3A_270] : memref<2x!tpu.dma_semaphore, #tpu.memory_space<semaphore_mem>> -> memref<1x!tpu.dma_semaphore, #tpu.memory_space<semaphore_mem>>
      %dma_wait3A_279 = tpu.memref_squeeze %dma_wait3A_278 : memref<1x!tpu.dma_semaphore, #tpu.memory_space<semaphore_mem>> -> memref<!tpu.dma_semaphore, #tpu.memory_space<semaphore_mem>>
      %dma_wait3A_280 = arith.constant 0 : i32
      %dma_wait3A_281 = arith.constant 0 : i32
      %dma_wait3A_282 = tpu.memref_slice %arg6[%dma_wait3A_269, %dma_wait3A_280, %dma_wait3A_281] : memref<2x640x32xf32, #tpu.memory_space<vmem>> -> memref<1x640x32xf32, #tpu.memory_space<vmem>>
      %dma_wait3A_283 = tpu.memref_squeeze %dma_wait3A_282 : memref<1x640x32xf32, #tpu.memory_space<vmem>> -> memref<640x32xf32, #tpu.memory_space<vmem>>
      %dma_wait3A_284 = arith.constant 0 : i32
      %dma_wait3A_285 = arith.constant 0 : i32
      %dma_wait3A_286 = tpu.memref_slice %arg2[%dma_wait3A_284, %dma_wait3A_285] : memref<1000000x32xf32, #tpu.memory_space<hbm>> -> memref<640x32xf32, #tpu.memory_space<hbm>>
      tpu.wait_dma2 semaphore(%dma_wait3A_279 : memref<!tpu.dma_semaphore, #tpu.memory_space<semaphore_mem>>) src(%dma_wait3A_286 : memref<640x32xf32, #tpu.memory_space<hbm>>) dst(%dma_wait3A_283 : memref<640x32xf32, #tpu.memory_space<vmem>>)
      %ge3A = arith.constant 2 : i32
      %ge3A_287 = arith.cmpi sge, %mul3A_264, %ge3A : i32
      %convert_element_type3A_288 = arith.extui %ge3A_287 : i1 to i32
      %cond3A_289 = arith.constant 0 : i32
      %cond3A_290 = arith.cmpi ne, %convert_element_type3A_288, %cond3A_289 : i32
      scf.if %cond3A_290 {
        %sub3A = arith.constant 2 : i32
        %sub3A_541 = arith.subi %mul3A_264, %sub3A : i32
        %mul3A_542 = arith.constant 5 : i32
        %mul3A_543 = arith.muli %sub3A_541, %mul3A_542 : i32
        %mul3A_544 = arith.constant 8 : i32
        %mul3A_545 = arith.muli %add3A, %mul3A_544 : i32
        %mul3A_546 = arith.constant 128 : i32
        %mul3A_547 = arith.muli %mul3A_545, %mul3A_546 : i32
        %add3A_548 = arith.constant 0 : i32
        %add3A_549 = arith.addi %add3A_548, %mul3A_547 : i32
        %mul3A_550 = arith.constant 5 : i32
        %mul3A_551 = arith.muli %sub3A_541, %mul3A_550 : i32
        %mul3A_552 = arith.constant 8 : i32
        %mul3A_553 = arith.muli %add3A, %mul3A_552 : i32
        %mul3A_554 = arith.constant 128 : i32
        %mul3A_555 = arith.muli %mul3A_553, %mul3A_554 : i32
        %add3A_556 = arith.constant 32768 : i32
        %add3A_557 = arith.addi %add3A_556, %mul3A_555 : i32
        %mul3A_558 = arith.constant 5 : i32
        %mul3A_559 = arith.muli %sub3A_541, %mul3A_558 : i32
        %mul3A_560 = arith.constant 8 : i32
        %mul3A_561 = arith.muli %add3A, %mul3A_560 : i32
        %mul3A_562 = arith.constant 128 : i32
        %mul3A_563 = arith.muli %mul3A_561, %mul3A_562 : i32
        %add3A_564 = arith.constant 65536 : i32
        %add3A_565 = arith.addi %add3A_564, %mul3A_563 : i32
        %mul3A_566 = arith.constant 5 : i32
        %mul3A_567 = arith.muli %sub3A_541, %mul3A_566 : i32
        %mul3A_568 = arith.constant 8 : i32
        %mul3A_569 = arith.muli %add3A, %mul3A_568 : i32
        %mul3A_570 = arith.constant 128 : i32
        %mul3A_571 = arith.muli %mul3A_569, %mul3A_570 : i32
        %add3A_572 = arith.constant 98304 : i32
        %add3A_573 = arith.addi %add3A_572, %mul3A_571 : i32
        %dma_wait3A_574 = arith.constant 0 : i32
        %dma_wait3A_575 = arith.constant 0 : i32
        %dma_wait3A_576 = arith.constant 0 : i32
        %dma_wait3A_577 = arith.constant 0 : i32
        %dma_wait3A_578 = tpu.memref_slice %arg7[%dma_wait3A_574, %dma_wait3A_576, %dma_wait3A_577] : memref<2x5x4096xf32, #tpu.memory_space<vmem>> -> memref<1x5x1024xf32, #tpu.memory_space<vmem>>
        %dma_wait3A_579 = tpu.memref_squeeze %dma_wait3A_578 : memref<1x5x1024xf32, #tpu.memory_space<vmem>> -> memref<5x1024xf32, #tpu.memory_space<vmem>>
        %dma_wait3A_580 = tpu.memref_slice %arg4[%mul3A_543, %add3A_549] : memref<200x131072xf32, #tpu.memory_space<hbm>> -> memref<5x1024xf32, #tpu.memory_space<hbm>>
        %dma_wait3A_581 = tpu.memref_slice %arg9[%dma_wait3A_575] : memref<2x!tpu.dma_semaphore, #tpu.memory_space<semaphore_mem>> -> memref<1x!tpu.dma_semaphore, #tpu.memory_space<semaphore_mem>>
        %dma_wait3A_582 = tpu.memref_squeeze %dma_wait3A_581 : memref<1x!tpu.dma_semaphore, #tpu.memory_space<semaphore_mem>> -> memref<!tpu.dma_semaphore, #tpu.memory_space<semaphore_mem>>
        %dma_wait3A_583 = tpu.memref_slice %arg4[%mul3A_543, %add3A_549] : memref<200x131072xf32, #tpu.memory_space<hbm>> -> memref<5x1024xf32, #tpu.memory_space<hbm>>
        %dma_wait3A_584 = arith.constant 0 : i32
        %dma_wait3A_585 = arith.constant 0 : i32
        %dma_wait3A_586 = tpu.memref_slice %arg7[%dma_wait3A_574, %dma_wait3A_584, %dma_wait3A_585] : memref<2x5x4096xf32, #tpu.memory_space<vmem>> -> memref<1x5x1024xf32, #tpu.memory_space<vmem>>
        %dma_wait3A_587 = tpu.memref_squeeze %dma_wait3A_586 : memref<1x5x1024xf32, #tpu.memory_space<vmem>> -> memref<5x1024xf32, #tpu.memory_space<vmem>>
        tpu.wait_dma2 semaphore(%dma_wait3A_582 : memref<!tpu.dma_semaphore, #tpu.memory_space<semaphore_mem>>) src(%dma_wait3A_587 : memref<5x1024xf32, #tpu.memory_space<vmem>>) dst(%dma_wait3A_583 : memref<5x1024xf32, #tpu.memory_space<hbm>>)
        %dma_wait3A_588 = arith.constant 0 : i32
        %dma_wait3A_589 = arith.constant 0 : i32
        %dma_wait3A_590 = arith.constant 0 : i32
        %dma_wait3A_591 = arith.constant 1024 : i32
        %dma_wait3A_592 = tpu.memref_slice %arg7[%dma_wait3A_588, %dma_wait3A_590, %dma_wait3A_591] : memref<2x5x4096xf32, #tpu.memory_space<vmem>> -> memref<1x5x1024xf32, #tpu.memory_space<vmem>>
        %dma_wait3A_593 = tpu.memref_squeeze %dma_wait3A_592 : memref<1x5x1024xf32, #tpu.memory_space<vmem>> -> memref<5x1024xf32, #tpu.memory_space<vmem>>
        %dma_wait3A_594 = tpu.memref_slice %arg4[%mul3A_551, %add3A_557] : memref<200x131072xf32, #tpu.memory_space<hbm>> -> memref<5x1024xf32, #tpu.memory_space<hbm>>
        %dma_wait3A_595 = tpu.memref_slice %arg9[%dma_wait3A_589] : memref<2x!tpu.dma_semaphore, #tpu.memory_space<semaphore_mem>> -> memref<1x!tpu.dma_semaphore, #tpu.memory_space<semaphore_mem>>
        %dma_wait3A_596 = tpu.memref_squeeze %dma_wait3A_595 : memref<1x!tpu.dma_semaphore, #tpu.memory_space<semaphore_mem>> -> memref<!tpu.dma_semaphore, #tpu.memory_space<semaphore_mem>>
        %dma_wait3A_597 = tpu.memref_slice %arg4[%mul3A_551, %add3A_557] : memref<200x131072xf32, #tpu.memory_space<hbm>> -> memref<5x1024xf32, #tpu.memory_space<hbm>>
        %dma_wait3A_598 = arith.constant 0 : i32
        %dma_wait3A_599 = arith.constant 1024 : i32
        %dma_wait3A_600 = tpu.memref_slice %arg7[%dma_wait3A_588, %dma_wait3A_598, %dma_wait3A_599] : memref<2x5x4096xf32, #tpu.memory_space<vmem>> -> memref<1x5x1024xf32, #tpu.memory_space<vmem>>
        %dma_wait3A_601 = tpu.memref_squeeze %dma_wait3A_600 : memref<1x5x1024xf32, #tpu.memory_space<vmem>> -> memref<5x1024xf32, #tpu.memory_space<vmem>>
        tpu.wait_dma2 semaphore(%dma_wait3A_596 : memref<!tpu.dma_semaphore, #tpu.memory_space<semaphore_mem>>) src(%dma_wait3A_601 : memref<5x1024xf32, #tpu.memory_space<vmem>>) dst(%dma_wait3A_597 : memref<5x1024xf32, #tpu.memory_space<hbm>>)
        %dma_wait3A_602 = arith.constant 0 : i32
        %dma_wait3A_603 = arith.constant 0 : i32
        %dma_wait3A_604 = arith.constant 0 : i32
        %dma_wait3A_605 = arith.constant 2048 : i32
        %dma_wait3A_606 = tpu.memref_slice %arg7[%dma_wait3A_602, %dma_wait3A_604, %dma_wait3A_605] : memref<2x5x4096xf32, #tpu.memory_space<vmem>> -> memref<1x5x1024xf32, #tpu.memory_space<vmem>>
        %dma_wait3A_607 = tpu.memref_squeeze %dma_wait3A_606 : memref<1x5x1024xf32, #tpu.memory_space<vmem>> -> memref<5x1024xf32, #tpu.memory_space<vmem>>
        %dma_wait3A_608 = tpu.memref_slice %arg4[%mul3A_559, %add3A_565] : memref<200x131072xf32, #tpu.memory_space<hbm>> -> memref<5x1024xf32, #tpu.memory_space<hbm>>
        %dma_wait3A_609 = tpu.memref_slice %arg9[%dma_wait3A_603] : memref<2x!tpu.dma_semaphore, #tpu.memory_space<semaphore_mem>> -> memref<1x!tpu.dma_semaphore, #tpu.memory_space<semaphore_mem>>
        %dma_wait3A_610 = tpu.memref_squeeze %dma_wait3A_609 : memref<1x!tpu.dma_semaphore, #tpu.memory_space<semaphore_mem>> -> memref<!tpu.dma_semaphore, #tpu.memory_space<semaphore_mem>>
        %dma_wait3A_611 = tpu.memref_slice %arg4[%mul3A_559, %add3A_565] : memref<200x131072xf32, #tpu.memory_space<hbm>> -> memref<5x1024xf32, #tpu.memory_space<hbm>>
        %dma_wait3A_612 = arith.constant 0 : i32
        %dma_wait3A_613 = arith.constant 2048 : i32
        %dma_wait3A_614 = tpu.memref_slice %arg7[%dma_wait3A_602, %dma_wait3A_612, %dma_wait3A_613] : memref<2x5x4096xf32, #tpu.memory_space<vmem>> -> memref<1x5x1024xf32, #tpu.memory_space<vmem>>
        %dma_wait3A_615 = tpu.memref_squeeze %dma_wait3A_614 : memref<1x5x1024xf32, #tpu.memory_space<vmem>> -> memref<5x1024xf32, #tpu.memory_space<vmem>>
        tpu.wait_dma2 semaphore(%dma_wait3A_610 : memref<!tpu.dma_semaphore, #tpu.memory_space<semaphore_mem>>) src(%dma_wait3A_615 : memref<5x1024xf32, #tpu.memory_space<vmem>>) dst(%dma_wait3A_611 : memref<5x1024xf32, #tpu.memory_space<hbm>>)
        %dma_wait3A_616 = arith.constant 0 : i32
        %dma_wait3A_617 = arith.constant 0 : i32
        %dma_wait3A_618 = arith.constant 0 : i32
        %dma_wait3A_619 = arith.constant 3072 : i32
        %dma_wait3A_620 = tpu.memref_slice %arg7[%dma_wait3A_616, %dma_wait3A_618, %dma_wait3A_619] : memref<2x5x4096xf32, #tpu.memory_space<vmem>> -> memref<1x5x1024xf32, #tpu.memory_space<vmem>>
        %dma_wait3A_621 = tpu.memref_squeeze %dma_wait3A_620 : memref<1x5x1024xf32, #tpu.memory_space<vmem>> -> memref<5x1024xf32, #tpu.memory_space<vmem>>
        %dma_wait3A_622 = tpu.memref_slice %arg4[%mul3A_567, %add3A_573] : memref<200x131072xf32, #tpu.memory_space<hbm>> -> memref<5x1024xf32, #tpu.memory_space<hbm>>
        %dma_wait3A_623 = tpu.memref_slice %arg9[%dma_wait3A_617] : memref<2x!tpu.dma_semaphore, #tpu.memory_space<semaphore_mem>> -> memref<1x!tpu.dma_semaphore, #tpu.memory_space<semaphore_mem>>
        %dma_wait3A_624 = tpu.memref_squeeze %dma_wait3A_623 : memref<1x!tpu.dma_semaphore, #tpu.memory_space<semaphore_mem>> -> memref<!tpu.dma_semaphore, #tpu.memory_space<semaphore_mem>>
        %dma_wait3A_625 = tpu.memref_slice %arg4[%mul3A_567, %add3A_573] : memref<200x131072xf32, #tpu.memory_space<hbm>> -> memref<5x1024xf32, #tpu.memory_space<hbm>>
        %dma_wait3A_626 = arith.constant 0 : i32
        %dma_wait3A_627 = arith.constant 3072 : i32
        %dma_wait3A_628 = tpu.memref_slice %arg7[%dma_wait3A_616, %dma_wait3A_626, %dma_wait3A_627] : memref<2x5x4096xf32, #tpu.memory_space<vmem>> -> memref<1x5x1024xf32, #tpu.memory_space<vmem>>
        %dma_wait3A_629 = tpu.memref_squeeze %dma_wait3A_628 : memref<1x5x1024xf32, #tpu.memory_space<vmem>> -> memref<5x1024xf32, #tpu.memory_space<vmem>>
        tpu.wait_dma2 semaphore(%dma_wait3A_624 : memref<!tpu.dma_semaphore, #tpu.memory_space<semaphore_mem>>) src(%dma_wait3A_629 : memref<5x1024xf32, #tpu.memory_space<vmem>>) dst(%dma_wait3A_625 : memref<5x1024xf32, #tpu.memory_space<hbm>>)
      } else {
      }
      %mul3A_291 = arith.constant 128 : i32
      %mul3A_292 = vector.broadcast %mul3A_291 : i32 to vector<16xi32>
      %mul3A_293 = arith.muli %iota3A, %mul3A_292 : vector<16xi32>
      %scan3A_294 = arith.constant 0 : i32
      %scan3A_295 = arith.constant 0 : i32
      %scan3A_296 = arith.constant 0 : i32
      %scan3A_297 = arith.constant 0 : i32
      %scan3A_298 = arith.constant 1 : i32
      %scan3A_299 = arith.constant 0 : i32
      %scan3A_300 = arith.constant 2 : i32
      %scan3A_301 = arith.constant 0 : i32
      %scan3A_302 = arith.constant 3 : i32
      %scan3A_303 = arith.constant 0 : i32
      %scan3A_304 = arith.constant 4 : i32
      %scan3A_305 = arith.constant 0 : i32
      %scan3A_306 = arith.constant 64 : i32
      %scan3A_307 = arith.addi %scan3A_305, %scan3A_306 : i32
      %scan3A_308 = arith.constant 1 : i32
      %scan3A_309 = scf.for %scan3A_541 = %scan3A_305 to %scan3A_307 step %scan3A_308 iter_args(%scan3A_542 = %mul3A_293) -> (vector<16xi32>)  : i32 {
        %mul3A_543 = arith.constant 2 : i32
        %mul3A_544 = arith.muli %scan3A_541, %mul3A_543 : i32
        %add3A_545 = arith.constant 0 : i32
        %add3A_546 = arith.addi %mul3A_544, %add3A_545 : i32
        %add3A_547 = arith.constant 2048 : i32
        %add3A_548 = vector.broadcast %add3A_547 : i32 to vector<16xi32>
        %add3A_549 = arith.addi %scan3A_542, %add3A_548 : vector<16xi32>
        %add3A_550 = arith.constant 0 : i32
        %add3A_551 = arith.addi %add3A_550, %add3A_546 : i32
        %get3A = arith.constant 0 : i32
        %get3A_552 = arith.constant 0 : i32
        %get3A_553 = tpu.memref_slice %arg6[%scan3A_294, %get3A, %get3A_552] : memref<2x640x32xf32, #tpu.memory_space<vmem>> -> memref<1x640x32xf32, #tpu.memory_space<vmem>>
        %get3A_554 = tpu.memref_squeeze %get3A_553 : memref<1x640x32xf32, #tpu.memory_space<vmem>> -> memref<640x32xf32, #tpu.memory_space<vmem>>
        %get3A_555 = arith.index_cast %add3A_551 : i32 to index
        %get3A_556 = arith.constant 0 : index
        %get3A_557 = tpu.vector_load %get3A_554[%get3A_555, %get3A_556] {strides = array<i32>} : memref<640x32xf32, #tpu.memory_space<vmem>>, vector<16xf32>,
        %get3A_558 = arith.constant 0 : i32
        %get3A_559 = arith.constant 0 : i32
        %get3A_560 = tpu.memref_slice %arg6[%scan3A_294, %get3A_558, %get3A_559] : memref<2x640x32xf32, #tpu.memory_space<vmem>> -> memref<1x640x32xf32, #tpu.memory_space<vmem>>
        %get3A_561 = tpu.memref_squeeze %get3A_560 : memref<1x640x32xf32, #tpu.memory_space<vmem>> -> memref<640x32xf32, #tpu.memory_space<vmem>>
        %get3A_562 = arith.index_cast %add3A_551 : i32 to index
        %get3A_563 = arith.constant 16 : index
        %get3A_564 = tpu.vector_load %get3A_561[%get3A_562, %get3A_563] {strides = array<i32>} : memref<640x32xf32, #tpu.memory_space<vmem>>, vector<16xf32>,
        %scatter3A = arith.constant 0 : i32
        %scatter3A_565 = tpu.memref_slice %arg7[%scan3A_295, %scan3A_296, %scatter3A] : memref<2x5x4096xf32, #tpu.memory_space<vmem>> -> memref<1x1x4096xf32, #tpu.memory_space<vmem>>
        %scatter3A_566 = tpu.memref_squeeze %scatter3A_565 : memref<1x1x4096xf32, #tpu.memory_space<vmem>> -> memref<4096xf32, #tpu.memory_space<vmem>>
        tpu.vector_store_idx %scatter3A_566[%scan3A_542], %get3A_557 : memref<4096xf32, #tpu.memory_space<vmem>>[vector<16xi32>], vector<16xf32>,
        %scatter3A_567 = arith.constant 0 : i32
        %scatter3A_568 = tpu.memref_slice %arg7[%scan3A_295, %scan3A_296, %scatter3A_567] : memref<2x5x4096xf32, #tpu.memory_space<vmem>> -> memref<1x1x4096xf32, #tpu.memory_space<vmem>>
        %scatter3A_569 = tpu.memref_squeeze %scatter3A_568 : memref<1x1x4096xf32, #tpu.memory_space<vmem>> -> memref<4096xf32, #tpu.memory_space<vmem>>
        tpu.vector_store_idx %scatter3A_569[%add3A_549], %get3A_564 : memref<4096xf32, #tpu.memory_space<vmem>>[vector<16xi32>], vector<16xf32>,
        %add3A_570 = arith.constant 128 : i32
        %add3A_571 = arith.addi %add3A_570, %add3A_546 : i32
        %get3A_572 = arith.constant 0 : i32
        %get3A_573 = arith.constant 0 : i32
        %get3A_574 = tpu.memref_slice %arg6[%scan3A_294, %get3A_572, %get3A_573] : memref<2x640x32xf32, #tpu.memory_space<vmem>> -> memref<1x640x32xf32, #tpu.memory_space<vmem>>
        %get3A_575 = tpu.memref_squeeze %get3A_574 : memref<1x640x32xf32, #tpu.memory_space<vmem>> -> memref<640x32xf32, #tpu.memory_space<vmem>>
        %get3A_576 = arith.index_cast %add3A_571 : i32 to index
        %get3A_577 = arith.constant 0 : index
        %get3A_578 = tpu.vector_load %get3A_575[%get3A_576, %get3A_577] {strides = array<i32>} : memref<640x32xf32, #tpu.memory_space<vmem>>, vector<16xf32>,
        %get3A_579 = arith.constant 0 : i32
        %get3A_580 = arith.constant 0 : i32
        %get3A_581 = tpu.memref_slice %arg6[%scan3A_294, %get3A_579, %get3A_580] : memref<2x640x32xf32, #tpu.memory_space<vmem>> -> memref<1x640x32xf32, #tpu.memory_space<vmem>>
        %get3A_582 = tpu.memref_squeeze %get3A_581 : memref<1x640x32xf32, #tpu.memory_space<vmem>> -> memref<640x32xf32, #tpu.memory_space<vmem>>
        %get3A_583 = arith.index_cast %add3A_571 : i32 to index
        %get3A_584 = arith.constant 16 : index
        %get3A_585 = tpu.vector_load %get3A_582[%get3A_583, %get3A_584] {strides = array<i32>} : memref<640x32xf32, #tpu.memory_space<vmem>>, vector<16xf32>,
        %scatter3A_586 = arith.constant 0 : i32
        %scatter3A_587 = tpu.memref_slice %arg7[%scan3A_297, %scan3A_298, %scatter3A_586] : memref<2x5x4096xf32, #tpu.memory_space<vmem>> -> memref<1x1x4096xf32, #tpu.memory_space<vmem>>
        %scatter3A_588 = tpu.memref_squeeze %scatter3A_587 : memref<1x1x4096xf32, #tpu.memory_space<vmem>> -> memref<4096xf32, #tpu.memory_space<vmem>>
        tpu.vector_store_idx %scatter3A_588[%scan3A_542], %get3A_578 : memref<4096xf32, #tpu.memory_space<vmem>>[vector<16xi32>], vector<16xf32>,
        %scatter3A_589 = arith.constant 0 : i32
        %scatter3A_590 = tpu.memref_slice %arg7[%scan3A_297, %scan3A_298, %scatter3A_589] : memref<2x5x4096xf32, #tpu.memory_space<vmem>> -> memref<1x1x4096xf32, #tpu.memory_space<vmem>>
        %scatter3A_591 = tpu.memref_squeeze %scatter3A_590 : memref<1x1x4096xf32, #tpu.memory_space<vmem>> -> memref<4096xf32, #tpu.memory_space<vmem>>
        tpu.vector_store_idx %scatter3A_591[%add3A_549], %get3A_585 : memref<4096xf32, #tpu.memory_space<vmem>>[vector<16xi32>], vector<16xf32>,
        %add3A_592 = arith.constant 256 : i32
        %add3A_593 = arith.addi %add3A_592, %add3A_546 : i32
        %get3A_594 = arith.constant 0 : i32
        %get3A_595 = arith.constant 0 : i32
        %get3A_596 = tpu.memref_slice %arg6[%scan3A_294, %get3A_594, %get3A_595] : memref<2x640x32xf32, #tpu.memory_space<vmem>> -> memref<1x640x32xf32, #tpu.memory_space<vmem>>
        %get3A_597 = tpu.memref_squeeze %get3A_596 : memref<1x640x32xf32, #tpu.memory_space<vmem>> -> memref<640x32xf32, #tpu.memory_space<vmem>>
        %get3A_598 = arith.index_cast %add3A_593 : i32 to index
        %get3A_599 = arith.constant 0 : index
        %get3A_600 = tpu.vector_load %get3A_597[%get3A_598, %get3A_599] {strides = array<i32>} : memref<640x32xf32, #tpu.memory_space<vmem>>, vector<16xf32>,
        %get3A_601 = arith.constant 0 : i32
        %get3A_602 = arith.constant 0 : i32
        %get3A_603 = tpu.memref_slice %arg6[%scan3A_294, %get3A_601, %get3A_602] : memref<2x640x32xf32, #tpu.memory_space<vmem>> -> memref<1x640x32xf32, #tpu.memory_space<vmem>>
        %get3A_604 = tpu.memref_squeeze %get3A_603 : memref<1x640x32xf32, #tpu.memory_space<vmem>> -> memref<640x32xf32, #tpu.memory_space<vmem>>
        %get3A_605 = arith.index_cast %add3A_593 : i32 to index
        %get3A_606 = arith.constant 16 : index
        %get3A_607 = tpu.vector_load %get3A_604[%get3A_605, %get3A_606] {strides = array<i32>} : memref<640x32xf32, #tpu.memory_space<vmem>>, vector<16xf32>,
        %scatter3A_608 = arith.constant 0 : i32
        %scatter3A_609 = tpu.memref_slice %arg7[%scan3A_299, %scan3A_300, %scatter3A_608] : memref<2x5x4096xf32, #tpu.memory_space<vmem>> -> memref<1x1x4096xf32, #tpu.memory_space<vmem>>
        %scatter3A_610 = tpu.memref_squeeze %scatter3A_609 : memref<1x1x4096xf32, #tpu.memory_space<vmem>> -> memref<4096xf32, #tpu.memory_space<vmem>>
        tpu.vector_store_idx %scatter3A_610[%scan3A_542], %get3A_600 : memref<4096xf32, #tpu.memory_space<vmem>>[vector<16xi32>], vector<16xf32>,
        %scatter3A_611 = arith.constant 0 : i32
        %scatter3A_612 = tpu.memref_slice %arg7[%scan3A_299, %scan3A_300, %scatter3A_611] : memref<2x5x4096xf32, #tpu.memory_space<vmem>> -> memref<1x1x4096xf32, #tpu.memory_space<vmem>>
        %scatter3A_613 = tpu.memref_squeeze %scatter3A_612 : memref<1x1x4096xf32, #tpu.memory_space<vmem>> -> memref<4096xf32, #tpu.memory_space<vmem>>
        tpu.vector_store_idx %scatter3A_613[%add3A_549], %get3A_607 : memref<4096xf32, #tpu.memory_space<vmem>>[vector<16xi32>], vector<16xf32>,
        %add3A_614 = arith.constant 384 : i32
        %add3A_615 = arith.addi %add3A_614, %add3A_546 : i32
        %get3A_616 = arith.constant 0 : i32
        %get3A_617 = arith.constant 0 : i32
        %get3A_618 = tpu.memref_slice %arg6[%scan3A_294, %get3A_616, %get3A_617] : memref<2x640x32xf32, #tpu.memory_space<vmem>> -> memref<1x640x32xf32, #tpu.memory_space<vmem>>
        %get3A_619 = tpu.memref_squeeze %get3A_618 : memref<1x640x32xf32, #tpu.memory_space<vmem>> -> memref<640x32xf32, #tpu.memory_space<vmem>>
        %get3A_620 = arith.index_cast %add3A_615 : i32 to index
        %get3A_621 = arith.constant 0 : index
        %get3A_622 = tpu.vector_load %get3A_619[%get3A_620, %get3A_621] {strides = array<i32>} : memref<640x32xf32, #tpu.memory_space<vmem>>, vector<16xf32>,
        %get3A_623 = arith.constant 0 : i32
        %get3A_624 = arith.constant 0 : i32
        %get3A_625 = tpu.memref_slice %arg6[%scan3A_294, %get3A_623, %get3A_624] : memref<2x640x32xf32, #tpu.memory_space<vmem>> -> memref<1x640x32xf32, #tpu.memory_space<vmem>>
        %get3A_626 = tpu.memref_squeeze %get3A_625 : memref<1x640x32xf32, #tpu.memory_space<vmem>> -> memref<640x32xf32, #tpu.memory_space<vmem>>
        %get3A_627 = arith.index_cast %add3A_615 : i32 to index
        %get3A_628 = arith.constant 16 : index
        %get3A_629 = tpu.vector_load %get3A_626[%get3A_627, %get3A_628] {strides = array<i32>} : memref<640x32xf32, #tpu.memory_space<vmem>>, vector<16xf32>,
        %scatter3A_630 = arith.constant 0 : i32
        %scatter3A_631 = tpu.memref_slice %arg7[%scan3A_301, %scan3A_302, %scatter3A_630] : memref<2x5x4096xf32, #tpu.memory_space<vmem>> -> memref<1x1x4096xf32, #tpu.memory_space<vmem>>
        %scatter3A_632 = tpu.memref_squeeze %scatter3A_631 : memref<1x1x4096xf32, #tpu.memory_space<vmem>> -> memref<4096xf32, #tpu.memory_space<vmem>>
        tpu.vector_store_idx %scatter3A_632[%scan3A_542], %get3A_622 : memref<4096xf32, #tpu.memory_space<vmem>>[vector<16xi32>], vector<16xf32>,
        %scatter3A_633 = arith.constant 0 : i32
        %scatter3A_634 = tpu.memref_slice %arg7[%scan3A_301, %scan3A_302, %scatter3A_633] : memref<2x5x4096xf32, #tpu.memory_space<vmem>> -> memref<1x1x4096xf32, #tpu.memory_space<vmem>>
        %scatter3A_635 = tpu.memref_squeeze %scatter3A_634 : memref<1x1x4096xf32, #tpu.memory_space<vmem>> -> memref<4096xf32, #tpu.memory_space<vmem>>
        tpu.vector_store_idx %scatter3A_635[%add3A_549], %get3A_629 : memref<4096xf32, #tpu.memory_space<vmem>>[vector<16xi32>], vector<16xf32>,
        %add3A_636 = arith.constant 512 : i32
        %add3A_637 = arith.addi %add3A_636, %add3A_546 : i32
        %get3A_638 = arith.constant 0 : i32
        %get3A_639 = arith.constant 0 : i32
        %get3A_640 = tpu.memref_slice %arg6[%scan3A_294, %get3A_638, %get3A_639] : memref<2x640x32xf32, #tpu.memory_space<vmem>> -> memref<1x640x32xf32, #tpu.memory_space<vmem>>
        %get3A_641 = tpu.memref_squeeze %get3A_640 : memref<1x640x32xf32, #tpu.memory_space<vmem>> -> memref<640x32xf32, #tpu.memory_space<vmem>>
        %get3A_642 = arith.index_cast %add3A_637 : i32 to index
        %get3A_643 = arith.constant 0 : index
        %get3A_644 = tpu.vector_load %get3A_641[%get3A_642, %get3A_643] {strides = array<i32>} : memref<640x32xf32, #tpu.memory_space<vmem>>, vector<16xf32>,
        %get3A_645 = arith.constant 0 : i32
        %get3A_646 = arith.constant 0 : i32
        %get3A_647 = tpu.memref_slice %arg6[%scan3A_294, %get3A_645, %get3A_646] : memref<2x640x32xf32, #tpu.memory_space<vmem>> -> memref<1x640x32xf32, #tpu.memory_space<vmem>>
        %get3A_648 = tpu.memref_squeeze %get3A_647 : memref<1x640x32xf32, #tpu.memory_space<vmem>> -> memref<640x32xf32, #tpu.memory_space<vmem>>
        %get3A_649 = arith.index_cast %add3A_637 : i32 to index
        %get3A_650 = arith.constant 16 : index
        %get3A_651 = tpu.vector_load %get3A_648[%get3A_649, %get3A_650] {strides = array<i32>} : memref<640x32xf32, #tpu.memory_space<vmem>>, vector<16xf32>,
        %scatter3A_652 = arith.constant 0 : i32
        %scatter3A_653 = tpu.memref_slice %arg7[%scan3A_303, %scan3A_304, %scatter3A_652] : memref<2x5x4096xf32, #tpu.memory_space<vmem>> -> memref<1x1x4096xf32, #tpu.memory_space<vmem>>
        %scatter3A_654 = tpu.memref_squeeze %scatter3A_653 : memref<1x1x4096xf32, #tpu.memory_space<vmem>> -> memref<4096xf32, #tpu.memory_space<vmem>>
        tpu.vector_store_idx %scatter3A_654[%scan3A_542], %get3A_644 : memref<4096xf32, #tpu.memory_space<vmem>>[vector<16xi32>], vector<16xf32>,
        %scatter3A_655 = arith.constant 0 : i32
        %scatter3A_656 = tpu.memref_slice %arg7[%scan3A_303, %scan3A_304, %scatter3A_655] : memref<2x5x4096xf32, #tpu.memory_space<vmem>> -> memref<1x1x4096xf32, #tpu.memory_space<vmem>>
        %scatter3A_657 = tpu.memref_squeeze %scatter3A_656 : memref<1x1x4096xf32, #tpu.memory_space<vmem>> -> memref<4096xf32, #tpu.memory_space<vmem>>
        tpu.vector_store_idx %scatter3A_657[%add3A_549], %get3A_651 : memref<4096xf32, #tpu.memory_space<vmem>>[vector<16xi32>], vector<16xf32>,
        %add3A_658 = arith.constant 1 : i32
        %add3A_659 = vector.broadcast %add3A_658 : i32 to vector<16xi32>
        %add3A_660 = arith.addi %scan3A_542, %add3A_659 : vector<16xi32>
        %mul3A_661 = arith.constant 2 : i32
        %mul3A_662 = arith.muli %scan3A_541, %mul3A_661 : i32
        %add3A_663 = arith.constant 1 : i32
        %add3A_664 = arith.addi %mul3A_662, %add3A_663 : i32
        %add3A_665 = arith.constant 2048 : i32
        %add3A_666 = vector.broadcast %add3A_665 : i32 to vector<16xi32>
        %add3A_667 = arith.addi %add3A_660, %add3A_666 : vector<16xi32>
        %add3A_668 = arith.constant 0 : i32
        %add3A_669 = arith.addi %add3A_668, %add3A_664 : i32
        %get3A_670 = arith.constant 0 : i32
        %get3A_671 = arith.constant 0 : i32
        %get3A_672 = tpu.memref_slice %arg6[%scan3A_294, %get3A_670, %get3A_671] : memref<2x640x32xf32, #tpu.memory_space<vmem>> -> memref<1x640x32xf32, #tpu.memory_space<vmem>>
        %get3A_673 = tpu.memref_squeeze %get3A_672 : memref<1x640x32xf32, #tpu.memory_space<vmem>> -> memref<640x32xf32, #tpu.memory_space<vmem>>
        %get3A_674 = arith.index_cast %add3A_669 : i32 to index
        %get3A_675 = arith.constant 0 : index
        %get3A_676 = tpu.vector_load %get3A_673[%get3A_674, %get3A_675] {strides = array<i32>} : memref<640x32xf32, #tpu.memory_space<vmem>>, vector<16xf32>,
        %get3A_677 = arith.constant 0 : i32
        %get3A_678 = arith.constant 0 : i32
        %get3A_679 = tpu.memref_slice %arg6[%scan3A_294, %get3A_677, %get3A_678] : memref<2x640x32xf32, #tpu.memory_space<vmem>> -> memref<1x640x32xf32, #tpu.memory_space<vmem>>
        %get3A_680 = tpu.memref_squeeze %get3A_679 : memref<1x640x32xf32, #tpu.memory_space<vmem>> -> memref<640x32xf32, #tpu.memory_space<vmem>>
        %get3A_681 = arith.index_cast %add3A_669 : i32 to index
        %get3A_682 = arith.constant 16 : index
        %get3A_683 = tpu.vector_load %get3A_680[%get3A_681, %get3A_682] {strides = array<i32>} : memref<640x32xf32, #tpu.memory_space<vmem>>, vector<16xf32>,
        %scatter3A_684 = arith.constant 0 : i32
        %scatter3A_685 = tpu.memref_slice %arg7[%scan3A_295, %scan3A_296, %scatter3A_684] : memref<2x5x4096xf32, #tpu.memory_space<vmem>> -> memref<1x1x4096xf32, #tpu.memory_space<vmem>>
        %scatter3A_686 = tpu.memref_squeeze %scatter3A_685 : memref<1x1x4096xf32, #tpu.memory_space<vmem>> -> memref<4096xf32, #tpu.memory_space<vmem>>
        tpu.vector_store_idx %scatter3A_686[%add3A_660], %get3A_676 : memref<4096xf32, #tpu.memory_space<vmem>>[vector<16xi32>], vector<16xf32>,
        %scatter3A_687 = arith.constant 0 : i32
        %scatter3A_688 = tpu.memref_slice %arg7[%scan3A_295, %scan3A_296, %scatter3A_687] : memref<2x5x4096xf32, #tpu.memory_space<vmem>> -> memref<1x1x4096xf32, #tpu.memory_space<vmem>>
        %scatter3A_689 = tpu.memref_squeeze %scatter3A_688 : memref<1x1x4096xf32, #tpu.memory_space<vmem>> -> memref<4096xf32, #tpu.memory_space<vmem>>
        tpu.vector_store_idx %scatter3A_689[%add3A_667], %get3A_683 : memref<4096xf32, #tpu.memory_space<vmem>>[vector<16xi32>], vector<16xf32>,
        %add3A_690 = arith.constant 128 : i32
        %add3A_691 = arith.addi %add3A_690, %add3A_664 : i32
        %get3A_692 = arith.constant 0 : i32
        %get3A_693 = arith.constant 0 : i32
        %get3A_694 = tpu.memref_slice %arg6[%scan3A_294, %get3A_692, %get3A_693] : memref<2x640x32xf32, #tpu.memory_space<vmem>> -> memref<1x640x32xf32, #tpu.memory_space<vmem>>
        %get3A_695 = tpu.memref_squeeze %get3A_694 : memref<1x640x32xf32, #tpu.memory_space<vmem>> -> memref<640x32xf32, #tpu.memory_space<vmem>>
        %get3A_696 = arith.index_cast %add3A_691 : i32 to index
        %get3A_697 = arith.constant 0 : index
        %get3A_698 = tpu.vector_load %get3A_695[%get3A_696, %get3A_697] {strides = array<i32>} : memref<640x32xf32, #tpu.memory_space<vmem>>, vector<16xf32>,
        %get3A_699 = arith.constant 0 : i32
        %get3A_700 = arith.constant 0 : i32
        %get3A_701 = tpu.memref_slice %arg6[%scan3A_294, %get3A_699, %get3A_700] : memref<2x640x32xf32, #tpu.memory_space<vmem>> -> memref<1x640x32xf32, #tpu.memory_space<vmem>>
        %get3A_702 = tpu.memref_squeeze %get3A_701 : memref<1x640x32xf32, #tpu.memory_space<vmem>> -> memref<640x32xf32, #tpu.memory_space<vmem>>
        %get3A_703 = arith.index_cast %add3A_691 : i32 to index
        %get3A_704 = arith.constant 16 : index
        %get3A_705 = tpu.vector_load %get3A_702[%get3A_703, %get3A_704] {strides = array<i32>} : memref<640x32xf32, #tpu.memory_space<vmem>>, vector<16xf32>,
        %scatter3A_706 = arith.constant 0 : i32
        %scatter3A_707 = tpu.memref_slice %arg7[%scan3A_297, %scan3A_298, %scatter3A_706] : memref<2x5x4096xf32, #tpu.memory_space<vmem>> -> memref<1x1x4096xf32, #tpu.memory_space<vmem>>
        %scatter3A_708 = tpu.memref_squeeze %scatter3A_707 : memref<1x1x4096xf32, #tpu.memory_space<vmem>> -> memref<4096xf32, #tpu.memory_space<vmem>>
        tpu.vector_store_idx %scatter3A_708[%add3A_660], %get3A_698 : memref<4096xf32, #tpu.memory_space<vmem>>[vector<16xi32>], vector<16xf32>,
        %scatter3A_709 = arith.constant 0 : i32
        %scatter3A_710 = tpu.memref_slice %arg7[%scan3A_297, %scan3A_298, %scatter3A_709] : memref<2x5x4096xf32, #tpu.memory_space<vmem>> -> memref<1x1x4096xf32, #tpu.memory_space<vmem>>
        %scatter3A_711 = tpu.memref_squeeze %scatter3A_710 : memref<1x1x4096xf32, #tpu.memory_space<vmem>> -> memref<4096xf32, #tpu.memory_space<vmem>>
        tpu.vector_store_idx %scatter3A_711[%add3A_667], %get3A_705 : memref<4096xf32, #tpu.memory_space<vmem>>[vector<16xi32>], vector<16xf32>,
        %add3A_712 = arith.constant 256 : i32
        %add3A_713 = arith.addi %add3A_712, %add3A_664 : i32
        %get3A_714 = arith.constant 0 : i32
        %get3A_715 = arith.constant 0 : i32
        %get3A_716 = tpu.memref_slice %arg6[%scan3A_294, %get3A_714, %get3A_715] : memref<2x640x32xf32, #tpu.memory_space<vmem>> -> memref<1x640x32xf32, #tpu.memory_space<vmem>>
        %get3A_717 = tpu.memref_squeeze %get3A_716 : memref<1x640x32xf32, #tpu.memory_space<vmem>> -> memref<640x32xf32, #tpu.memory_space<vmem>>
        %get3A_718 = arith.index_cast %add3A_713 : i32 to index
        %get3A_719 = arith.constant 0 : index
        %get3A_720 = tpu.vector_load %get3A_717[%get3A_718, %get3A_719] {strides = array<i32>} : memref<640x32xf32, #tpu.memory_space<vmem>>, vector<16xf32>,
        %get3A_721 = arith.constant 0 : i32
        %get3A_722 = arith.constant 0 : i32
        %get3A_723 = tpu.memref_slice %arg6[%scan3A_294, %get3A_721, %get3A_722] : memref<2x640x32xf32, #tpu.memory_space<vmem>> -> memref<1x640x32xf32, #tpu.memory_space<vmem>>
        %get3A_724 = tpu.memref_squeeze %get3A_723 : memref<1x640x32xf32, #tpu.memory_space<vmem>> -> memref<640x32xf32, #tpu.memory_space<vmem>>
        %get3A_725 = arith.index_cast %add3A_713 : i32 to index
        %get3A_726 = arith.constant 16 : index
        %get3A_727 = tpu.vector_load %get3A_724[%get3A_725, %get3A_726] {strides = array<i32>} : memref<640x32xf32, #tpu.memory_space<vmem>>, vector<16xf32>,
        %scatter3A_728 = arith.constant 0 : i32
        %scatter3A_729 = tpu.memref_slice %arg7[%scan3A_299, %scan3A_300, %scatter3A_728] : memref<2x5x4096xf32, #tpu.memory_space<vmem>> -> memref<1x1x4096xf32, #tpu.memory_space<vmem>>
        %scatter3A_730 = tpu.memref_squeeze %scatter3A_729 : memref<1x1x4096xf32, #tpu.memory_space<vmem>> -> memref<4096xf32, #tpu.memory_space<vmem>>
        tpu.vector_store_idx %scatter3A_730[%add3A_660], %get3A_720 : memref<4096xf32, #tpu.memory_space<vmem>>[vector<16xi32>], vector<16xf32>,
        %scatter3A_731 = arith.constant 0 : i32
        %scatter3A_732 = tpu.memref_slice %arg7[%scan3A_299, %scan3A_300, %scatter3A_731] : memref<2x5x4096xf32, #tpu.memory_space<vmem>> -> memref<1x1x4096xf32, #tpu.memory_space<vmem>>
        %scatter3A_733 = tpu.memref_squeeze %scatter3A_732 : memref<1x1x4096xf32, #tpu.memory_space<vmem>> -> memref<4096xf32, #tpu.memory_space<vmem>>
        tpu.vector_store_idx %scatter3A_733[%add3A_667], %get3A_727 : memref<4096xf32, #tpu.memory_space<vmem>>[vector<16xi32>], vector<16xf32>,
        %add3A_734 = arith.constant 384 : i32
        %add3A_735 = arith.addi %add3A_734, %add3A_664 : i32
        %get3A_736 = arith.constant 0 : i32
        %get3A_737 = arith.constant 0 : i32
        %get3A_738 = tpu.memref_slice %arg6[%scan3A_294, %get3A_736, %get3A_737] : memref<2x640x32xf32, #tpu.memory_space<vmem>> -> memref<1x640x32xf32, #tpu.memory_space<vmem>>
        %get3A_739 = tpu.memref_squeeze %get3A_738 : memref<1x640x32xf32, #tpu.memory_space<vmem>> -> memref<640x32xf32, #tpu.memory_space<vmem>>
        %get3A_740 = arith.index_cast %add3A_735 : i32 to index
        %get3A_741 = arith.constant 0 : index
        %get3A_742 = tpu.vector_load %get3A_739[%get3A_740, %get3A_741] {strides = array<i32>} : memref<640x32xf32, #tpu.memory_space<vmem>>, vector<16xf32>,
        %get3A_743 = arith.constant 0 : i32
        %get3A_744 = arith.constant 0 : i32
        %get3A_745 = tpu.memref_slice %arg6[%scan3A_294, %get3A_743, %get3A_744] : memref<2x640x32xf32, #tpu.memory_space<vmem>> -> memref<1x640x32xf32, #tpu.memory_space<vmem>>
        %get3A_746 = tpu.memref_squeeze %get3A_745 : memref<1x640x32xf32, #tpu.memory_space<vmem>> -> memref<640x32xf32, #tpu.memory_space<vmem>>
        %get3A_747 = arith.index_cast %add3A_735 : i32 to index
        %get3A_748 = arith.constant 16 : index
        %get3A_749 = tpu.vector_load %get3A_746[%get3A_747, %get3A_748] {strides = array<i32>} : memref<640x32xf32, #tpu.memory_space<vmem>>, vector<16xf32>,
        %scatter3A_750 = arith.constant 0 : i32
        %scatter3A_751 = tpu.memref_slice %arg7[%scan3A_301, %scan3A_302, %scatter3A_750] : memref<2x5x4096xf32, #tpu.memory_space<vmem>> -> memref<1x1x4096xf32, #tpu.memory_space<vmem>>
        %scatter3A_752 = tpu.memref_squeeze %scatter3A_751 : memref<1x1x4096xf32, #tpu.memory_space<vmem>> -> memref<4096xf32, #tpu.memory_space<vmem>>
        tpu.vector_store_idx %scatter3A_752[%add3A_660], %get3A_742 : memref<4096xf32, #tpu.memory_space<vmem>>[vector<16xi32>], vector<16xf32>,
        %scatter3A_753 = arith.constant 0 : i32
        %scatter3A_754 = tpu.memref_slice %arg7[%scan3A_301, %scan3A_302, %scatter3A_753] : memref<2x5x4096xf32, #tpu.memory_space<vmem>> -> memref<1x1x4096xf32, #tpu.memory_space<vmem>>
        %scatter3A_755 = tpu.memref_squeeze %scatter3A_754 : memref<1x1x4096xf32, #tpu.memory_space<vmem>> -> memref<4096xf32, #tpu.memory_space<vmem>>
        tpu.vector_store_idx %scatter3A_755[%add3A_667], %get3A_749 : memref<4096xf32, #tpu.memory_space<vmem>>[vector<16xi32>], vector<16xf32>,
        %add3A_756 = arith.constant 512 : i32
        %add3A_757 = arith.addi %add3A_756, %add3A_664 : i32
        %get3A_758 = arith.constant 0 : i32
        %get3A_759 = arith.constant 0 : i32
        %get3A_760 = tpu.memref_slice %arg6[%scan3A_294, %get3A_758, %get3A_759] : memref<2x640x32xf32, #tpu.memory_space<vmem>> -> memref<1x640x32xf32, #tpu.memory_space<vmem>>
        %get3A_761 = tpu.memref_squeeze %get3A_760 : memref<1x640x32xf32, #tpu.memory_space<vmem>> -> memref<640x32xf32, #tpu.memory_space<vmem>>
        %get3A_762 = arith.index_cast %add3A_757 : i32 to index
        %get3A_763 = arith.constant 0 : index
        %get3A_764 = tpu.vector_load %get3A_761[%get3A_762, %get3A_763] {strides = array<i32>} : memref<640x32xf32, #tpu.memory_space<vmem>>, vector<16xf32>,
        %get3A_765 = arith.constant 0 : i32
        %get3A_766 = arith.constant 0 : i32
        %get3A_767 = tpu.memref_slice %arg6[%scan3A_294, %get3A_765, %get3A_766] : memref<2x640x32xf32, #tpu.memory_space<vmem>> -> memref<1x640x32xf32, #tpu.memory_space<vmem>>
        %get3A_768 = tpu.memref_squeeze %get3A_767 : memref<1x640x32xf32, #tpu.memory_space<vmem>> -> memref<640x32xf32, #tpu.memory_space<vmem>>
        %get3A_769 = arith.index_cast %add3A_757 : i32 to index
        %get3A_770 = arith.constant 16 : index
        %get3A_771 = tpu.vector_load %get3A_768[%get3A_769, %get3A_770] {strides = array<i32>} : memref<640x32xf32, #tpu.memory_space<vmem>>, vector<16xf32>,
        %scatter3A_772 = arith.constant 0 : i32
        %scatter3A_773 = tpu.memref_slice %arg7[%scan3A_303, %scan3A_304, %scatter3A_772] : memref<2x5x4096xf32, #tpu.memory_space<vmem>> -> memref<1x1x4096xf32, #tpu.memory_space<vmem>>
        %scatter3A_774 = tpu.memref_squeeze %scatter3A_773 : memref<1x1x4096xf32, #tpu.memory_space<vmem>> -> memref<4096xf32, #tpu.memory_space<vmem>>
        tpu.vector_store_idx %scatter3A_774[%add3A_660], %get3A_764 : memref<4096xf32, #tpu.memory_space<vmem>>[vector<16xi32>], vector<16xf32>,
        %scatter3A_775 = arith.constant 0 : i32
        %scatter3A_776 = tpu.memref_slice %arg7[%scan3A_303, %scan3A_304, %scatter3A_775] : memref<2x5x4096xf32, #tpu.memory_space<vmem>> -> memref<1x1x4096xf32, #tpu.memory_space<vmem>>
        %scatter3A_777 = tpu.memref_squeeze %scatter3A_776 : memref<1x1x4096xf32, #tpu.memory_space<vmem>> -> memref<4096xf32, #tpu.memory_space<vmem>>
        tpu.vector_store_idx %scatter3A_777[%add3A_667], %get3A_771 : memref<4096xf32, #tpu.memory_space<vmem>>[vector<16xi32>], vector<16xf32>,
        %add3A_778 = arith.constant 1 : i32
        %add3A_779 = vector.broadcast %add3A_778 : i32 to vector<16xi32>
        %add3A_780 = arith.addi %add3A_660, %add3A_779 : vector<16xi32>
        scf.yield %add3A_780 : vector<16xi32>
      }
      %scan3A_310 = arith.constant 64 : i32
      %mul3A_311 = arith.constant 5 : i32
      %mul3A_312 = arith.muli %mul3A_264, %mul3A_311 : i32
      %mul3A_313 = arith.constant 8 : i32
      %mul3A_314 = arith.muli %add3A, %mul3A_313 : i32
      %mul3A_315 = arith.constant 128 : i32
      %mul3A_316 = arith.muli %mul3A_314, %mul3A_315 : i32
      %add3A_317 = arith.constant 0 : i32
      %add3A_318 = arith.addi %add3A_317, %mul3A_316 : i32
      %mul3A_319 = arith.constant 5 : i32
      %mul3A_320 = arith.muli %mul3A_264, %mul3A_319 : i32
      %mul3A_321 = arith.constant 8 : i32
      %mul3A_322 = arith.muli %add3A, %mul3A_321 : i32
      %mul3A_323 = arith.constant 128 : i32
      %mul3A_324 = arith.muli %mul3A_322, %mul3A_323 : i32
      %add3A_325 = arith.constant 32768 : i32
      %add3A_326 = arith.addi %add3A_325, %mul3A_324 : i32
      %mul3A_327 = arith.constant 5 : i32
      %mul3A_328 = arith.muli %mul3A_264, %mul3A_327 : i32
      %mul3A_329 = arith.constant 8 : i32
      %mul3A_330 = arith.muli %add3A, %mul3A_329 : i32
      %mul3A_331 = arith.constant 128 : i32
      %mul3A_332 = arith.muli %mul3A_330, %mul3A_331 : i32
      %add3A_333 = arith.constant 65536 : i32
      %add3A_334 = arith.addi %add3A_333, %mul3A_332 : i32
      %mul3A_335 = arith.constant 5 : i32
      %mul3A_336 = arith.muli %mul3A_264, %mul3A_335 : i32
      %mul3A_337 = arith.constant 8 : i32
      %mul3A_338 = arith.muli %add3A, %mul3A_337 : i32
      %mul3A_339 = arith.constant 128 : i32
      %mul3A_340 = arith.muli %mul3A_338, %mul3A_339 : i32
      %add3A_341 = arith.constant 98304 : i32
      %add3A_342 = arith.addi %add3A_341, %mul3A_340 : i32
      %dma_start3A_343 = arith.constant 0 : i32
      %dma_start3A_344 = arith.constant 0 : i32
      %dma_start3A_345 = arith.constant 0 : i32
      %dma_start3A_346 = arith.constant 0 : i32
      %dma_start3A_347 = tpu.memref_slice %arg7[%dma_start3A_343, %dma_start3A_345, %dma_start3A_346] : memref<2x5x4096xf32, #tpu.memory_space<vmem>> -> memref<1x5x1024xf32, #tpu.memory_space<vmem>>
      %dma_start3A_348 = tpu.memref_squeeze %dma_start3A_347 : memref<1x5x1024xf32, #tpu.memory_space<vmem>> -> memref<5x1024xf32, #tpu.memory_space<vmem>>
      %dma_start3A_349 = tpu.memref_slice %arg4[%mul3A_312, %add3A_318] : memref<200x131072xf32, #tpu.memory_space<hbm>> -> memref<5x1024xf32, #tpu.memory_space<hbm>>
      %dma_start3A_350 = tpu.memref_slice %arg9[%dma_start3A_344] : memref<2x!tpu.dma_semaphore, #tpu.memory_space<semaphore_mem>> -> memref<1x!tpu.dma_semaphore, #tpu.memory_space<semaphore_mem>>
      %dma_start3A_351 = tpu.memref_squeeze %dma_start3A_350 : memref<1x!tpu.dma_semaphore, #tpu.memory_space<semaphore_mem>> -> memref<!tpu.dma_semaphore, #tpu.memory_space<semaphore_mem>>
      %dma_start3A_352 = tpu.memref_slice %arg4[%mul3A_312, %add3A_318] : memref<200x131072xf32, #tpu.memory_space<hbm>> -> memref<5x1024xf32, #tpu.memory_space<hbm>>
      %dma_start3A_353 = arith.constant 0 : i32
      %dma_start3A_354 = arith.constant 0 : i32
      %dma_start3A_355 = tpu.memref_slice %arg7[%dma_start3A_343, %dma_start3A_353, %dma_start3A_354] : memref<2x5x4096xf32, #tpu.memory_space<vmem>> -> memref<1x5x1024xf32, #tpu.memory_space<vmem>>
      %dma_start3A_356 = tpu.memref_squeeze %dma_start3A_355 : memref<1x5x1024xf32, #tpu.memory_space<vmem>> -> memref<5x1024xf32, #tpu.memory_space<vmem>>
      tpu.enqueue_dma source(%dma_start3A_356 : memref<5x1024xf32, #tpu.memory_space<vmem>>) target(%dma_start3A_352 : memref<5x1024xf32, #tpu.memory_space<hbm>>) target_semaphore(%dma_start3A_351 : memref<!tpu.dma_semaphore, #tpu.memory_space<semaphore_mem>>)
      %dma_start3A_357 = arith.constant 0 : i32
      %dma_start3A_358 = arith.constant 0 : i32
      %dma_start3A_359 = arith.constant 0 : i32
      %dma_start3A_360 = arith.constant 1024 : i32
      %dma_start3A_361 = tpu.memref_slice %arg7[%dma_start3A_357, %dma_start3A_359, %dma_start3A_360] : memref<2x5x4096xf32, #tpu.memory_space<vmem>> -> memref<1x5x1024xf32, #tpu.memory_space<vmem>>
      %dma_start3A_362 = tpu.memref_squeeze %dma_start3A_361 : memref<1x5x1024xf32, #tpu.memory_space<vmem>> -> memref<5x1024xf32, #tpu.memory_space<vmem>>
      %dma_start3A_363 = tpu.memref_slice %arg4[%mul3A_320, %add3A_326] : memref<200x131072xf32, #tpu.memory_space<hbm>> -> memref<5x1024xf32, #tpu.memory_space<hbm>>
      %dma_start3A_364 = tpu.memref_slice %arg9[%dma_start3A_358] : memref<2x!tpu.dma_semaphore, #tpu.memory_space<semaphore_mem>> -> memref<1x!tpu.dma_semaphore, #tpu.memory_space<semaphore_mem>>
      %dma_start3A_365 = tpu.memref_squeeze %dma_start3A_364 : memref<1x!tpu.dma_semaphore, #tpu.memory_space<semaphore_mem>> -> memref<!tpu.dma_semaphore, #tpu.memory_space<semaphore_mem>>
      %dma_start3A_366 = tpu.memref_slice %arg4[%mul3A_320, %add3A_326] : memref<200x131072xf32, #tpu.memory_space<hbm>> -> memref<5x1024xf32, #tpu.memory_space<hbm>>
      %dma_start3A_367 = arith.constant 0 : i32
      %dma_start3A_368 = arith.constant 1024 : i32
      %dma_start3A_369 = tpu.memref_slice %arg7[%dma_start3A_357, %dma_start3A_367, %dma_start3A_368] : memref<2x5x4096xf32, #tpu.memory_space<vmem>> -> memref<1x5x1024xf32, #tpu.memory_space<vmem>>
      %dma_start3A_370 = tpu.memref_squeeze %dma_start3A_369 : memref<1x5x1024xf32, #tpu.memory_space<vmem>> -> memref<5x1024xf32, #tpu.memory_space<vmem>>
      tpu.enqueue_dma source(%dma_start3A_370 : memref<5x1024xf32, #tpu.memory_space<vmem>>) target(%dma_start3A_366 : memref<5x1024xf32, #tpu.memory_space<hbm>>) target_semaphore(%dma_start3A_365 : memref<!tpu.dma_semaphore, #tpu.memory_space<semaphore_mem>>)
      %dma_start3A_371 = arith.constant 0 : i32
      %dma_start3A_372 = arith.constant 0 : i32
      %dma_start3A_373 = arith.constant 0 : i32
      %dma_start3A_374 = arith.constant 2048 : i32
      %dma_start3A_375 = tpu.memref_slice %arg7[%dma_start3A_371, %dma_start3A_373, %dma_start3A_374] : memref<2x5x4096xf32, #tpu.memory_space<vmem>> -> memref<1x5x1024xf32, #tpu.memory_space<vmem>>
      %dma_start3A_376 = tpu.memref_squeeze %dma_start3A_375 : memref<1x5x1024xf32, #tpu.memory_space<vmem>> -> memref<5x1024xf32, #tpu.memory_space<vmem>>
      %dma_start3A_377 = tpu.memref_slice %arg4[%mul3A_328, %add3A_334] : memref<200x131072xf32, #tpu.memory_space<hbm>> -> memref<5x1024xf32, #tpu.memory_space<hbm>>
      %dma_start3A_378 = tpu.memref_slice %arg9[%dma_start3A_372] : memref<2x!tpu.dma_semaphore, #tpu.memory_space<semaphore_mem>> -> memref<1x!tpu.dma_semaphore, #tpu.memory_space<semaphore_mem>>
      %dma_start3A_379 = tpu.memref_squeeze %dma_start3A_378 : memref<1x!tpu.dma_semaphore, #tpu.memory_space<semaphore_mem>> -> memref<!tpu.dma_semaphore, #tpu.memory_space<semaphore_mem>>
      %dma_start3A_380 = tpu.memref_slice %arg4[%mul3A_328, %add3A_334] : memref<200x131072xf32, #tpu.memory_space<hbm>> -> memref<5x1024xf32, #tpu.memory_space<hbm>>
      %dma_start3A_381 = arith.constant 0 : i32
      %dma_start3A_382 = arith.constant 2048 : i32
      %dma_start3A_383 = tpu.memref_slice %arg7[%dma_start3A_371, %dma_start3A_381, %dma_start3A_382] : memref<2x5x4096xf32, #tpu.memory_space<vmem>> -> memref<1x5x1024xf32, #tpu.memory_space<vmem>>
      %dma_start3A_384 = tpu.memref_squeeze %dma_start3A_383 : memref<1x5x1024xf32, #tpu.memory_space<vmem>> -> memref<5x1024xf32, #tpu.memory_space<vmem>>
      tpu.enqueue_dma source(%dma_start3A_384 : memref<5x1024xf32, #tpu.memory_space<vmem>>) target(%dma_start3A_380 : memref<5x1024xf32, #tpu.memory_space<hbm>>) target_semaphore(%dma_start3A_379 : memref<!tpu.dma_semaphore, #tpu.memory_space<semaphore_mem>>)
      %dma_start3A_385 = arith.constant 0 : i32
      %dma_start3A_386 = arith.constant 0 : i32
      %dma_start3A_387 = arith.constant 0 : i32
      %dma_start3A_388 = arith.constant 3072 : i32
      %dma_start3A_389 = tpu.memref_slice %arg7[%dma_start3A_385, %dma_start3A_387, %dma_start3A_388] : memref<2x5x4096xf32, #tpu.memory_space<vmem>> -> memref<1x5x1024xf32, #tpu.memory_space<vmem>>
      %dma_start3A_390 = tpu.memref_squeeze %dma_start3A_389 : memref<1x5x1024xf32, #tpu.memory_space<vmem>> -> memref<5x1024xf32, #tpu.memory_space<vmem>>
      %dma_start3A_391 = tpu.memref_slice %arg4[%mul3A_336, %add3A_342] : memref<200x131072xf32, #tpu.memory_space<hbm>> -> memref<5x1024xf32, #tpu.memory_space<hbm>>
      %dma_start3A_392 = tpu.memref_slice %arg9[%dma_start3A_386] : memref<2x!tpu.dma_semaphore, #tpu.memory_space<semaphore_mem>> -> memref<1x!tpu.dma_semaphore, #tpu.memory_space<semaphore_mem>>
      %dma_start3A_393 = tpu.memref_squeeze %dma_start3A_392 : memref<1x!tpu.dma_semaphore, #tpu.memory_space<semaphore_mem>> -> memref<!tpu.dma_semaphore, #tpu.memory_space<semaphore_mem>>
      %dma_start3A_394 = tpu.memref_slice %arg4[%mul3A_336, %add3A_342] : memref<200x131072xf32, #tpu.memory_space<hbm>> -> memref<5x1024xf32, #tpu.memory_space<hbm>>
      %dma_start3A_395 = arith.constant 0 : i32
      %dma_start3A_396 = arith.constant 3072 : i32
      %dma_start3A_397 = tpu.memref_slice %arg7[%dma_start3A_385, %dma_start3A_395, %dma_start3A_396] : memref<2x5x4096xf32, #tpu.memory_space<vmem>> -> memref<1x5x1024xf32, #tpu.memory_space<vmem>>
      %dma_start3A_398 = tpu.memref_squeeze %dma_start3A_397 : memref<1x5x1024xf32, #tpu.memory_space<vmem>> -> memref<5x1024xf32, #tpu.memory_space<vmem>>
      tpu.enqueue_dma source(%dma_start3A_398 : memref<5x1024xf32, #tpu.memory_space<vmem>>) target(%dma_start3A_394 : memref<5x1024xf32, #tpu.memory_space<hbm>>) target_semaphore(%dma_start3A_393 : memref<!tpu.dma_semaphore, #tpu.memory_space<semaphore_mem>>)
      %mul3A_399 = arith.constant 2 : i32
      %mul3A_400 = arith.muli %mul3A_399, %scan3A_262 : i32
      %add3A_401 = arith.constant 1 : i32
      %add3A_402 = arith.addi %mul3A_400, %add3A_401 : i32
      %add3A_403 = arith.constant 1 : i32
      %add3A_404 = arith.addi %add3A_402, %add3A_403 : i32
      %lt3A_405 = arith.constant 40 : i32
      %lt3A_406 = arith.cmpi slt, %add3A_404, %lt3A_405 : i32
      %convert_element_type3A_407 = arith.extui %lt3A_406 : i1 to i32
      %cond3A_408 = arith.constant 0 : i32
      %cond3A_409 = arith.cmpi ne, %convert_element_type3A_407, %cond3A_408 : i32
      scf.if %cond3A_409 {
        %add3A_541 = arith.constant 1 : i32
        %add3A_542 = arith.addi %add3A_402, %add3A_541 : i32
        %mul3A_543 = arith.constant 5 : i32
        %mul3A_544 = arith.muli %add3A_542, %mul3A_543 : i32
        %mul3A_545 = arith.constant 128 : i32
        %mul3A_546 = arith.muli %mul3A_544, %mul3A_545 : i32
        %run_scoped3A_547 = arith.constant 0 : i32
        "tpu.region"() ({
          %run_scoped3A_628 = tpu.sem_alloc : memref<!tpu.dma_semaphore, #tpu.memory_space<semaphore_mem>>
          %dma_start3A_629 = arith.constant 0 : i32
          %dma_start3A_630 = arith.constant 0 : i32
          %dma_start3A_631 = tpu.memref_slice %arg5[%run_scoped3A_547, %dma_start3A_629, %dma_start3A_630] : memref<2x1x640xi32, #tpu.memory_space<vmem>> -> memref<1x1x640xi32, #tpu.memory_space<vmem>>
          %dma_start3A_632 = tpu.memref_squeeze %dma_start3A_631 : memref<1x1x640xi32, #tpu.memory_space<vmem>> -> memref<1x640xi32, #tpu.memory_space<vmem>>
          %dma_start3A_633 = tpu.memref_slice %arg3[%add3A, %mul3A_546] : memref<32x25600xi32, #tpu.memory_space<hbm>> -> memref<1x640xi32, #tpu.memory_space<hbm>>
          %dma_start3A_634 = arith.constant 0 : i32
          %dma_start3A_635 = arith.constant 0 : i32
          %dma_start3A_636 = tpu.memref_slice %arg5[%run_scoped3A_547, %dma_start3A_634, %dma_start3A_635] : memref<2x1x640xi32, #tpu.memory_space<vmem>> -> memref<1x1x640xi32, #tpu.memory_space<vmem>>
          %dma_start3A_637 = tpu.memref_squeeze %dma_start3A_636 : memref<1x1x640xi32, #tpu.memory_space<vmem>> -> memref<1x640xi32, #tpu.memory_space<vmem>>
          %dma_start3A_638 = tpu.memref_slice %arg3[%add3A, %mul3A_546] : memref<32x25600xi32, #tpu.memory_space<hbm>> -> memref<1x640xi32, #tpu.memory_space<hbm>>
          tpu.enqueue_dma source(%dma_start3A_638 : memref<1x640xi32, #tpu.memory_space<hbm>>) target(%dma_start3A_637 : memref<1x640xi32, #tpu.memory_space<vmem>>) target_semaphore(%run_scoped3A_628 : memref<!tpu.dma_semaphore, #tpu.memory_space<semaphore_mem>>)
          %dma_wait3A_639 = arith.constant 0 : i32
          %dma_wait3A_640 = arith.constant 0 : i32
          %dma_wait3A_641 = tpu.memref_slice %arg5[%run_scoped3A_547, %dma_wait3A_639, %dma_wait3A_640] : memref<2x1x640xi32, #tpu.memory_space<vmem>> -> memref<1x1x640xi32, #tpu.memory_space<vmem>>
          %dma_wait3A_642 = tpu.memref_squeeze %dma_wait3A_641 : memref<1x1x640xi32, #tpu.memory_space<vmem>> -> memref<1x640xi32, #tpu.memory_space<vmem>>
          %dma_wait3A_643 = tpu.memref_slice %arg3[%add3A, %mul3A_546] : memref<32x25600xi32, #tpu.memory_space<hbm>> -> memref<1x640xi32, #tpu.memory_space<hbm>>
          %dma_wait3A_644 = arith.constant 0 : i32
          %dma_wait3A_645 = arith.constant 0 : i32
          %dma_wait3A_646 = tpu.memref_slice %arg5[%run_scoped3A_547, %dma_wait3A_644, %dma_wait3A_645] : memref<2x1x640xi32, #tpu.memory_space<vmem>> -> memref<1x1x640xi32, #tpu.memory_space<vmem>>
          %dma_wait3A_647 = tpu.memref_squeeze %dma_wait3A_646 : memref<1x1x640xi32, #tpu.memory_space<vmem>> -> memref<1x640xi32, #tpu.memory_space<vmem>>
          %dma_wait3A_648 = tpu.memref_slice %arg3[%add3A, %mul3A_546] : memref<32x25600xi32, #tpu.memory_space<hbm>> -> memref<1x640xi32, #tpu.memory_space<hbm>>
          tpu.wait_dma2 semaphore(%run_scoped3A_628 : memref<!tpu.dma_semaphore, #tpu.memory_space<semaphore_mem>>) src(%dma_wait3A_648 : memref<1x640xi32, #tpu.memory_space<hbm>>) dst(%dma_wait3A_647 : memref<1x640xi32, #tpu.memory_space<vmem>>)
          tpu.yield
        }) : () -> ()
        %dma_start3A_548 = arith.constant 0 : i32
        %dma_start3A_549 = arith.constant 0 : i32
        %dma_start3A_550 = arith.constant 0 : i32
        %dma_start3A_551 = arith.constant 0 : i32
        %dma_start3A_552 = arith.constant 0 : i32
        %dma_start3A_553 = arith.constant 0 : i32
        %dma_start3A_554 = tpu.memref_slice %arg6[%dma_start3A_550, %dma_start3A_552, %dma_start3A_553] : memref<2x640x32xf32, #tpu.memory_space<vmem>> -> memref<1x128x32xf32, #tpu.memory_space<vmem>>
        %dma_start3A_555 = tpu.memref_squeeze %dma_start3A_554 : memref<1x128x32xf32, #tpu.memory_space<vmem>> -> memref<128x32xf32, #tpu.memory_space<vmem>>
        %dma_start3A_556 = arith.constant 0 : i32
        %dma_start3A_557 = tpu.memref_slice %arg5[%dma_start3A_548, %dma_start3A_549, %dma_start3A_556] : memref<2x1x640xi32, #tpu.memory_space<vmem>> -> memref<1x1x128xi32, #tpu.memory_space<vmem>>
        %dma_start3A_558 = tpu.memref_squeeze %dma_start3A_557 : memref<1x1x128xi32, #tpu.memory_space<vmem>> -> memref<128xi32, #tpu.memory_space<vmem>>
        %dma_start3A_559 = arith.constant 0 : i32
        %dma_start3A_560 = arith.constant 0 : i32
        %dma_start3A_561 = tpu.memref_slice %arg2[%dma_start3A_559, %dma_start3A_560] : memref<1000000x32xf32, #tpu.memory_space<hbm>> -> memref<1000000x32xf32, #tpu.memory_space<hbm>>
        %dma_start3A_562 = tpu.memref_slice %arg8[%dma_start3A_551] : memref<2x!tpu.dma_semaphore, #tpu.memory_space<semaphore_mem>> -> memref<1x!tpu.dma_semaphore, #tpu.memory_space<semaphore_mem>>
        %dma_start3A_563 = tpu.memref_squeeze %dma_start3A_562 : memref<1x!tpu.dma_semaphore, #tpu.memory_space<semaphore_mem>> -> memref<!tpu.dma_semaphore, #tpu.memory_space<semaphore_mem>>
        tpu.enqueue_indirect_dma source(%dma_start3A_561 : memref<1000000x32xf32, #tpu.memory_space<hbm>>) target(%dma_start3A_555 : memref<128x32xf32, #tpu.memory_space<vmem>>) offsets(%dma_start3A_558 : memref<128xi32, #tpu.memory_space<vmem>>) semaphore(%dma_start3A_563 : memref<!tpu.dma_semaphore, #tpu.memory_space<semaphore_mem>>)
        %dma_start3A_564 = arith.constant 0 : i32
        %dma_start3A_565 = arith.constant 0 : i32
        %dma_start3A_566 = arith.constant 0 : i32
        %dma_start3A_567 = arith.constant 0 : i32
        %dma_start3A_568 = arith.constant 128 : i32
        %dma_start3A_569 = arith.constant 0 : i32
        %dma_start3A_570 = tpu.memref_slice %arg6[%dma_start3A_566, %dma_start3A_568, %dma_start3A_569] : memref<2x640x32xf32, #tpu.memory_space<vmem>> -> memref<1x128x32xf32, #tpu.memory_space<vmem>>
        %dma_start3A_571 = tpu.memref_squeeze %dma_start3A_570 : memref<1x128x32xf32, #tpu.memory_space<vmem>> -> memref<128x32xf32, #tpu.memory_space<vmem>>
        %dma_start3A_572 = arith.constant 128 : i32
        %dma_start3A_573 = tpu.memref_slice %arg5[%dma_start3A_564, %dma_start3A_565, %dma_start3A_572] : memref<2x1x640xi32, #tpu.memory_space<vmem>> -> memref<1x1x128xi32, #tpu.memory_space<vmem>>
        %dma_start3A_574 = tpu.memref_squeeze %dma_start3A_573 : memref<1x1x128xi32, #tpu.memory_space<vmem>> -> memref<128xi32, #tpu.memory_space<vmem>>
        %dma_start3A_575 = arith.constant 0 : i32
        %dma_start3A_576 = arith.constant 0 : i32
        %dma_start3A_577 = tpu.memref_slice %arg2[%dma_start3A_575, %dma_start3A_576] : memref<1000000x32xf32, #tpu.memory_space<hbm>> -> memref<1000000x32xf32, #tpu.memory_space<hbm>>
        %dma_start3A_578 = tpu.memref_slice %arg8[%dma_start3A_567] : memref<2x!tpu.dma_semaphore, #tpu.memory_space<semaphore_mem>> -> memref<1x!tpu.dma_semaphore, #tpu.memory_space<semaphore_mem>>
        %dma_start3A_579 = tpu.memref_squeeze %dma_start3A_578 : memref<1x!tpu.dma_semaphore, #tpu.memory_space<semaphore_mem>> -> memref<!tpu.dma_semaphore, #tpu.memory_space<semaphore_mem>>
        tpu.enqueue_indirect_dma source(%dma_start3A_577 : memref<1000000x32xf32, #tpu.memory_space<hbm>>) target(%dma_start3A_571 : memref<128x32xf32, #tpu.memory_space<vmem>>) offsets(%dma_start3A_574 : memref<128xi32, #tpu.memory_space<vmem>>) semaphore(%dma_start3A_579 : memref<!tpu.dma_semaphore, #tpu.memory_space<semaphore_mem>>)
        %dma_start3A_580 = arith.constant 0 : i32
        %dma_start3A_581 = arith.constant 0 : i32
        %dma_start3A_582 = arith.constant 0 : i32
        %dma_start3A_583 = arith.constant 0 : i32
        %dma_start3A_584 = arith.constant 256 : i32
        %dma_start3A_585 = arith.constant 0 : i32
        %dma_start3A_586 = tpu.memref_slice %arg6[%dma_start3A_582, %dma_start3A_584, %dma_start3A_585] : memref<2x640x32xf32, #tpu.memory_space<vmem>> -> memref<1x128x32xf32, #tpu.memory_space<vmem>>
        %dma_start3A_587 = tpu.memref_squeeze %dma_start3A_586 : memref<1x128x32xf32, #tpu.memory_space<vmem>> -> memref<128x32xf32, #tpu.memory_space<vmem>>
        %dma_start3A_588 = arith.constant 256 : i32
        %dma_start3A_589 = tpu.memref_slice %arg5[%dma_start3A_580, %dma_start3A_581, %dma_start3A_588] : memref<2x1x640xi32, #tpu.memory_space<vmem>> -> memref<1x1x128xi32, #tpu.memory_space<vmem>>
        %dma_start3A_590 = tpu.memref_squeeze %dma_start3A_589 : memref<1x1x128xi32, #tpu.memory_space<vmem>> -> memref<128xi32, #tpu.memory_space<vmem>>
        %dma_start3A_591 = arith.constant 0 : i32
        %dma_start3A_592 = arith.constant 0 : i32
        %dma_start3A_593 = tpu.memref_slice %arg2[%dma_start3A_591, %dma_start3A_592] : memref<1000000x32xf32, #tpu.memory_space<hbm>> -> memref<1000000x32xf32, #tpu.memory_space<hbm>>
        %dma_start3A_594 = tpu.memref_slice %arg8[%dma_start3A_583] : memref<2x!tpu.dma_semaphore, #tpu.memory_space<semaphore_mem>> -> memref<1x!tpu.dma_semaphore, #tpu.memory_space<semaphore_mem>>
        %dma_start3A_595 = tpu.memref_squeeze %dma_start3A_594 : memref<1x!tpu.dma_semaphore, #tpu.memory_space<semaphore_mem>> -> memref<!tpu.dma_semaphore, #tpu.memory_space<semaphore_mem>>
        tpu.enqueue_indirect_dma source(%dma_start3A_593 : memref<1000000x32xf32, #tpu.memory_space<hbm>>) target(%dma_start3A_587 : memref<128x32xf32, #tpu.memory_space<vmem>>) offsets(%dma_start3A_590 : memref<128xi32, #tpu.memory_space<vmem>>) semaphore(%dma_start3A_595 : memref<!tpu.dma_semaphore, #tpu.memory_space<semaphore_mem>>)
        %dma_start3A_596 = arith.constant 0 : i32
        %dma_start3A_597 = arith.constant 0 : i32
        %dma_start3A_598 = arith.constant 0 : i32
        %dma_start3A_599 = arith.constant 0 : i32
        %dma_start3A_600 = arith.constant 384 : i32
        %dma_start3A_601 = arith.constant 0 : i32
        %dma_start3A_602 = tpu.memref_slice %arg6[%dma_start3A_598, %dma_start3A_600, %dma_start3A_601] : memref<2x640x32xf32, #tpu.memory_space<vmem>> -> memref<1x128x32xf32, #tpu.memory_space<vmem>>
        %dma_start3A_603 = tpu.memref_squeeze %dma_start3A_602 : memref<1x128x32xf32, #tpu.memory_space<vmem>> -> memref<128x32xf32, #tpu.memory_space<vmem>>
        %dma_start3A_604 = arith.constant 384 : i32
        %dma_start3A_605 = tpu.memref_slice %arg5[%dma_start3A_596, %dma_start3A_597, %dma_start3A_604] : memref<2x1x640xi32, #tpu.memory_space<vmem>> -> memref<1x1x128xi32, #tpu.memory_space<vmem>>
        %dma_start3A_606 = tpu.memref_squeeze %dma_start3A_605 : memref<1x1x128xi32, #tpu.memory_space<vmem>> -> memref<128xi32, #tpu.memory_space<vmem>>
        %dma_start3A_607 = arith.constant 0 : i32
        %dma_start3A_608 = arith.constant 0 : i32
        %dma_start3A_609 = tpu.memref_slice %arg2[%dma_start3A_607, %dma_start3A_608] : memref<1000000x32xf32, #tpu.memory_space<hbm>> -> memref<1000000x32xf32, #tpu.memory_space<hbm>>
        %dma_start3A_610 = tpu.memref_slice %arg8[%dma_start3A_599] : memref<2x!tpu.dma_semaphore, #tpu.memory_space<semaphore_mem>> -> memref<1x!tpu.dma_semaphore, #tpu.memory_space<semaphore_mem>>
        %dma_start3A_611 = tpu.memref_squeeze %dma_start3A_610 : memref<1x!tpu.dma_semaphore, #tpu.memory_space<semaphore_mem>> -> memref<!tpu.dma_semaphore, #tpu.memory_space<semaphore_mem>>
        tpu.enqueue_indirect_dma source(%dma_start3A_609 : memref<1000000x32xf32, #tpu.memory_space<hbm>>) target(%dma_start3A_603 : memref<128x32xf32, #tpu.memory_space<vmem>>) offsets(%dma_start3A_606 : memref<128xi32, #tpu.memory_space<vmem>>) semaphore(%dma_start3A_611 : memref<!tpu.dma_semaphore, #tpu.memory_space<semaphore_mem>>)
        %dma_start3A_612 = arith.constant 0 : i32
        %dma_start3A_613 = arith.constant 0 : i32
        %dma_start3A_614 = arith.constant 0 : i32
        %dma_start3A_615 = arith.constant 0 : i32
        %dma_start3A_616 = arith.constant 512 : i32
        %dma_start3A_617 = arith.constant 0 : i32
        %dma_start3A_618 = tpu.memref_slice %arg6[%dma_start3A_614, %dma_start3A_616, %dma_start3A_617] : memref<2x640x32xf32, #tpu.memory_space<vmem>> -> memref<1x128x32xf32, #tpu.memory_space<vmem>>
        %dma_start3A_619 = tpu.memref_squeeze %dma_start3A_618 : memref<1x128x32xf32, #tpu.memory_space<vmem>> -> memref<128x32xf32, #tpu.memory_space<vmem>>
        %dma_start3A_620 = arith.constant 512 : i32
        %dma_start3A_621 = tpu.memref_slice %arg5[%dma_start3A_612, %dma_start3A_613, %dma_start3A_620] : memref<2x1x640xi32, #tpu.memory_space<vmem>> -> memref<1x1x128xi32, #tpu.memory_space<vmem>>
        %dma_start3A_622 = tpu.memref_squeeze %dma_start3A_621 : memref<1x1x128xi32, #tpu.memory_space<vmem>> -> memref<128xi32, #tpu.memory_space<vmem>>
        %dma_start3A_623 = arith.constant 0 : i32
        %dma_start3A_624 = arith.constant 0 : i32
        %dma_start3A_625 = tpu.memref_slice %arg2[%dma_start3A_623, %dma_start3A_624] : memref<1000000x32xf32, #tpu.memory_space<hbm>> -> memref<1000000x32xf32, #tpu.memory_space<hbm>>
        %dma_start3A_626 = tpu.memref_slice %arg8[%dma_start3A_615] : memref<2x!tpu.dma_semaphore, #tpu.memory_space<semaphore_mem>> -> memref<1x!tpu.dma_semaphore, #tpu.memory_space<semaphore_mem>>
        %dma_start3A_627 = tpu.memref_squeeze %dma_start3A_626 : memref<1x!tpu.dma_semaphore, #tpu.memory_space<semaphore_mem>> -> memref<!tpu.dma_semaphore, #tpu.memory_space<semaphore_mem>>
        tpu.enqueue_indirect_dma source(%dma_start3A_625 : memref<1000000x32xf32, #tpu.memory_space<hbm>>) target(%dma_start3A_619 : memref<128x32xf32, #tpu.memory_space<vmem>>) offsets(%dma_start3A_622 : memref<128xi32, #tpu.memory_space<vmem>>) semaphore(%dma_start3A_627 : memref<!tpu.dma_semaphore, #tpu.memory_space<semaphore_mem>>)
      } else {
      }
      %dma_wait3A_410 = arith.constant 1 : i32
      %dma_wait3A_411 = arith.constant 1 : i32
      %dma_wait3A_412 = arith.constant 0 : i32
      %dma_wait3A_413 = arith.constant 0 : i32
      %dma_wait3A_414 = tpu.memref_slice %arg6[%dma_wait3A_410, %dma_wait3A_412, %dma_wait3A_413] : memref<2x640x32xf32, #tpu.memory_space<vmem>> -> memref<1x640x32xf32, #tpu.memory_space<vmem>>
      %dma_wait3A_415 = tpu.memref_squeeze %dma_wait3A_414 : memref<1x640x32xf32, #tpu.memory_space<vmem>> -> memref<640x32xf32, #tpu.memory_space<vmem>>
      %dma_wait3A_416 = arith.constant 0 : i32
      %dma_wait3A_417 = arith.constant 0 : i32
      %dma_wait3A_418 = tpu.memref_slice %arg2[%dma_wait3A_416, %dma_wait3A_417] : memref<1000000x32xf32, #tpu.memory_space<hbm>> -> memref<640x32xf32, #tpu.memory_space<hbm>>
      %dma_wait3A_419 = tpu.memref_slice %arg8[%dma_wait3A_411] : memref<2x!tpu.dma_semaphore, #tpu.memory_space<semaphore_mem>> -> memref<1x!tpu.dma_semaphore, #tpu.memory_space<semaphore_mem>>
      %dma_wait3A_420 = tpu.memref_squeeze %dma_wait3A_419 : memref<1x!tpu.dma_semaphore, #tpu.memory_space<semaphore_mem>> -> memref<!tpu.dma_semaphore, #tpu.memory_space<semaphore_mem>>
      %dma_wait3A_421 = arith.constant 0 : i32
      %dma_wait3A_422 = arith.constant 0 : i32
      %dma_wait3A_423 = tpu.memref_slice %arg6[%dma_wait3A_410, %dma_wait3A_421, %dma_wait3A_422] : memref<2x640x32xf32, #tpu.memory_space<vmem>> -> memref<1x640x32xf32, #tpu.memory_space<vmem>>
      %dma_wait3A_424 = tpu.memref_squeeze %dma_wait3A_423 : memref<1x640x32xf32, #tpu.memory_space<vmem>> -> memref<640x32xf32, #tpu.memory_space<vmem>>
      %dma_wait3A_425 = arith.constant 0 : i32
      %dma_wait3A_426 = arith.constant 0 : i32
      %dma_wait3A_427 = tpu.memref_slice %arg2[%dma_wait3A_425, %dma_wait3A_426] : memref<1000000x32xf32, #tpu.memory_space<hbm>> -> memref<640x32xf32, #tpu.memory_space<hbm>>
      tpu.wait_dma2 semaphore(%dma_wait3A_420 : memref<!tpu.dma_semaphore, #tpu.memory_space<semaphore_mem>>) src(%dma_wait3A_427 : memref<640x32xf32, #tpu.memory_space<hbm>>) dst(%dma_wait3A_424 : memref<640x32xf32, #tpu.memory_space<vmem>>)
      %ge3A_428 = arith.constant 2 : i32
      %ge3A_429 = arith.cmpi sge, %add3A_402, %ge3A_428 : i32
      %convert_element_type3A_430 = arith.extui %ge3A_429 : i1 to i32
      %cond3A_431 = arith.constant 0 : i32
      %cond3A_432 = arith.cmpi ne, %convert_element_type3A_430, %cond3A_431 : i32
      scf.if %cond3A_432 {
        %sub3A = arith.constant 2 : i32
        %sub3A_541 = arith.subi %add3A_402, %sub3A : i32
        %mul3A_542 = arith.constant 5 : i32
        %mul3A_543 = arith.muli %sub3A_541, %mul3A_542 : i32
        %mul3A_544 = arith.constant 8 : i32
        %mul3A_545 = arith.muli %add3A, %mul3A_544 : i32
        %mul3A_546 = arith.constant 128 : i32
        %mul3A_547 = arith.muli %mul3A_545, %mul3A_546 : i32
        %add3A_548 = arith.constant 0 : i32
        %add3A_549 = arith.addi %add3A_548, %mul3A_547 : i32
        %mul3A_550 = arith.constant 5 : i32
        %mul3A_551 = arith.muli %sub3A_541, %mul3A_550 : i32
        %mul3A_552 = arith.constant 8 : i32
        %mul3A_553 = arith.muli %add3A, %mul3A_552 : i32
        %mul3A_554 = arith.constant 128 : i32
        %mul3A_555 = arith.muli %mul3A_553, %mul3A_554 : i32
        %add3A_556 = arith.constant 32768 : i32
        %add3A_557 = arith.addi %add3A_556, %mul3A_555 : i32
        %mul3A_558 = arith.constant 5 : i32
        %mul3A_559 = arith.muli %sub3A_541, %mul3A_558 : i32
        %mul3A_560 = arith.constant 8 : i32
        %mul3A_561 = arith.muli %add3A, %mul3A_560 : i32
        %mul3A_562 = arith.constant 128 : i32
        %mul3A_563 = arith.muli %mul3A_561, %mul3A_562 : i32
        %add3A_564 = arith.constant 65536 : i32
        %add3A_565 = arith.addi %add3A_564, %mul3A_563 : i32
        %mul3A_566 = arith.constant 5 : i32
        %mul3A_567 = arith.muli %sub3A_541, %mul3A_566 : i32
        %mul3A_568 = arith.constant 8 : i32
        %mul3A_569 = arith.muli %add3A, %mul3A_568 : i32
        %mul3A_570 = arith.constant 128 : i32
        %mul3A_571 = arith.muli %mul3A_569, %mul3A_570 : i32
        %add3A_572 = arith.constant 98304 : i32
        %add3A_573 = arith.addi %add3A_572, %mul3A_571 : i32
        %dma_wait3A_574 = arith.constant 1 : i32
        %dma_wait3A_575 = arith.constant 1 : i32
        %dma_wait3A_576 = arith.constant 0 : i32
        %dma_wait3A_577 = arith.constant 0 : i32
        %dma_wait3A_578 = tpu.memref_slice %arg7[%dma_wait3A_574, %dma_wait3A_576, %dma_wait3A_577] : memref<2x5x4096xf32, #tpu.memory_space<vmem>> -> memref<1x5x1024xf32, #tpu.memory_space<vmem>>
        %dma_wait3A_579 = tpu.memref_squeeze %dma_wait3A_578 : memref<1x5x1024xf32, #tpu.memory_space<vmem>> -> memref<5x1024xf32, #tpu.memory_space<vmem>>
        %dma_wait3A_580 = tpu.memref_slice %arg4[%mul3A_543, %add3A_549] : memref<200x131072xf32, #tpu.memory_space<hbm>> -> memref<5x1024xf32, #tpu.memory_space<hbm>>
        %dma_wait3A_581 = tpu.memref_slice %arg9[%dma_wait3A_575] : memref<2x!tpu.dma_semaphore, #tpu.memory_space<semaphore_mem>> -> memref<1x!tpu.dma_semaphore, #tpu.memory_space<semaphore_mem>>
        %dma_wait3A_582 = tpu.memref_squeeze %dma_wait3A_581 : memref<1x!tpu.dma_semaphore, #tpu.memory_space<semaphore_mem>> -> memref<!tpu.dma_semaphore, #tpu.memory_space<semaphore_mem>>
        %dma_wait3A_583 = tpu.memref_slice %arg4[%mul3A_543, %add3A_549] : memref<200x131072xf32, #tpu.memory_space<hbm>> -> memref<5x1024xf32, #tpu.memory_space<hbm>>
        %dma_wait3A_584 = arith.constant 0 : i32
        %dma_wait3A_585 = arith.constant 0 : i32
        %dma_wait3A_586 = tpu.memref_slice %arg7[%dma_wait3A_574, %dma_wait3A_584, %dma_wait3A_585] : memref<2x5x4096xf32, #tpu.memory_space<vmem>> -> memref<1x5x1024xf32, #tpu.memory_space<vmem>>
        %dma_wait3A_587 = tpu.memref_squeeze %dma_wait3A_586 : memref<1x5x1024xf32, #tpu.memory_space<vmem>> -> memref<5x1024xf32, #tpu.memory_space<vmem>>
        tpu.wait_dma2 semaphore(%dma_wait3A_582 : memref<!tpu.dma_semaphore, #tpu.memory_space<semaphore_mem>>) src(%dma_wait3A_587 : memref<5x1024xf32, #tpu.memory_space<vmem>>) dst(%dma_wait3A_583 : memref<5x1024xf32, #tpu.memory_space<hbm>>)
        %dma_wait3A_588 = arith.constant 1 : i32
        %dma_wait3A_589 = arith.constant 1 : i32
        %dma_wait3A_590 = arith.constant 0 : i32
        %dma_wait3A_591 = arith.constant 1024 : i32
        %dma_wait3A_592 = tpu.memref_slice %arg7[%dma_wait3A_588, %dma_wait3A_590, %dma_wait3A_591] : memref<2x5x4096xf32, #tpu.memory_space<vmem>> -> memref<1x5x1024xf32, #tpu.memory_space<vmem>>
        %dma_wait3A_593 = tpu.memref_squeeze %dma_wait3A_592 : memref<1x5x1024xf32, #tpu.memory_space<vmem>> -> memref<5x1024xf32, #tpu.memory_space<vmem>>
        %dma_wait3A_594 = tpu.memref_slice %arg4[%mul3A_551, %add3A_557] : memref<200x131072xf32, #tpu.memory_space<hbm>> -> memref<5x1024xf32, #tpu.memory_space<hbm>>
        %dma_wait3A_595 = tpu.memref_slice %arg9[%dma_wait3A_589] : memref<2x!tpu.dma_semaphore, #tpu.memory_space<semaphore_mem>> -> memref<1x!tpu.dma_semaphore, #tpu.memory_space<semaphore_mem>>
        %dma_wait3A_596 = tpu.memref_squeeze %dma_wait3A_595 : memref<1x!tpu.dma_semaphore, #tpu.memory_space<semaphore_mem>> -> memref<!tpu.dma_semaphore, #tpu.memory_space<semaphore_mem>>
        %dma_wait3A_597 = tpu.memref_slice %arg4[%mul3A_551, %add3A_557] : memref<200x131072xf32, #tpu.memory_space<hbm>> -> memref<5x1024xf32, #tpu.memory_space<hbm>>
        %dma_wait3A_598 = arith.constant 0 : i32
        %dma_wait3A_599 = arith.constant 1024 : i32
        %dma_wait3A_600 = tpu.memref_slice %arg7[%dma_wait3A_588, %dma_wait3A_598, %dma_wait3A_599] : memref<2x5x4096xf32, #tpu.memory_space<vmem>> -> memref<1x5x1024xf32, #tpu.memory_space<vmem>>
        %dma_wait3A_601 = tpu.memref_squeeze %dma_wait3A_600 : memref<1x5x1024xf32, #tpu.memory_space<vmem>> -> memref<5x1024xf32, #tpu.memory_space<vmem>>
        tpu.wait_dma2 semaphore(%dma_wait3A_596 : memref<!tpu.dma_semaphore, #tpu.memory_space<semaphore_mem>>) src(%dma_wait3A_601 : memref<5x1024xf32, #tpu.memory_space<vmem>>) dst(%dma_wait3A_597 : memref<5x1024xf32, #tpu.memory_space<hbm>>)
        %dma_wait3A_602 = arith.constant 1 : i32
        %dma_wait3A_603 = arith.constant 1 : i32
        %dma_wait3A_604 = arith.constant 0 : i32
        %dma_wait3A_605 = arith.constant 2048 : i32
        %dma_wait3A_606 = tpu.memref_slice %arg7[%dma_wait3A_602, %dma_wait3A_604, %dma_wait3A_605] : memref<2x5x4096xf32, #tpu.memory_space<vmem>> -> memref<1x5x1024xf32, #tpu.memory_space<vmem>>
        %dma_wait3A_607 = tpu.memref_squeeze %dma_wait3A_606 : memref<1x5x1024xf32, #tpu.memory_space<vmem>> -> memref<5x1024xf32, #tpu.memory_space<vmem>>
        %dma_wait3A_608 = tpu.memref_slice %arg4[%mul3A_559, %add3A_565] : memref<200x131072xf32, #tpu.memory_space<hbm>> -> memref<5x1024xf32, #tpu.memory_space<hbm>>
        %dma_wait3A_609 = tpu.memref_slice %arg9[%dma_wait3A_603] : memref<2x!tpu.dma_semaphore, #tpu.memory_space<semaphore_mem>> -> memref<1x!tpu.dma_semaphore, #tpu.memory_space<semaphore_mem>>
        %dma_wait3A_610 = tpu.memref_squeeze %dma_wait3A_609 : memref<1x!tpu.dma_semaphore, #tpu.memory_space<semaphore_mem>> -> memref<!tpu.dma_semaphore, #tpu.memory_space<semaphore_mem>>
        %dma_wait3A_611 = tpu.memref_slice %arg4[%mul3A_559, %add3A_565] : memref<200x131072xf32, #tpu.memory_space<hbm>> -> memref<5x1024xf32, #tpu.memory_space<hbm>>
        %dma_wait3A_612 = arith.constant 0 : i32
        %dma_wait3A_613 = arith.constant 2048 : i32
        %dma_wait3A_614 = tpu.memref_slice %arg7[%dma_wait3A_602, %dma_wait3A_612, %dma_wait3A_613] : memref<2x5x4096xf32, #tpu.memory_space<vmem>> -> memref<1x5x1024xf32, #tpu.memory_space<vmem>>
        %dma_wait3A_615 = tpu.memref_squeeze %dma_wait3A_614 : memref<1x5x1024xf32, #tpu.memory_space<vmem>> -> memref<5x1024xf32, #tpu.memory_space<vmem>>
        tpu.wait_dma2 semaphore(%dma_wait3A_610 : memref<!tpu.dma_semaphore, #tpu.memory_space<semaphore_mem>>) src(%dma_wait3A_615 : memref<5x1024xf32, #tpu.memory_space<vmem>>) dst(%dma_wait3A_611 : memref<5x1024xf32, #tpu.memory_space<hbm>>)
        %dma_wait3A_616 = arith.constant 1 : i32
        %dma_wait3A_617 = arith.constant 1 : i32
        %dma_wait3A_618 = arith.constant 0 : i32
        %dma_wait3A_619 = arith.constant 3072 : i32
        %dma_wait3A_620 = tpu.memref_slice %arg7[%dma_wait3A_616, %dma_wait3A_618, %dma_wait3A_619] : memref<2x5x4096xf32, #tpu.memory_space<vmem>> -> memref<1x5x1024xf32, #tpu.memory_space<vmem>>
        %dma_wait3A_621 = tpu.memref_squeeze %dma_wait3A_620 : memref<1x5x1024xf32, #tpu.memory_space<vmem>> -> memref<5x1024xf32, #tpu.memory_space<vmem>>
        %dma_wait3A_622 = tpu.memref_slice %arg4[%mul3A_567, %add3A_573] : memref<200x131072xf32, #tpu.memory_space<hbm>> -> memref<5x1024xf32, #tpu.memory_space<hbm>>
        %dma_wait3A_623 = tpu.memref_slice %arg9[%dma_wait3A_617] : memref<2x!tpu.dma_semaphore, #tpu.memory_space<semaphore_mem>> -> memref<1x!tpu.dma_semaphore, #tpu.memory_space<semaphore_mem>>
        %dma_wait3A_624 = tpu.memref_squeeze %dma_wait3A_623 : memref<1x!tpu.dma_semaphore, #tpu.memory_space<semaphore_mem>> -> memref<!tpu.dma_semaphore, #tpu.memory_space<semaphore_mem>>
        %dma_wait3A_625 = tpu.memref_slice %arg4[%mul3A_567, %add3A_573] : memref<200x131072xf32, #tpu.memory_space<hbm>> -> memref<5x1024xf32, #tpu.memory_space<hbm>>
        %dma_wait3A_626 = arith.constant 0 : i32
        %dma_wait3A_627 = arith.constant 3072 : i32
        %dma_wait3A_628 = tpu.memref_slice %arg7[%dma_wait3A_616, %dma_wait3A_626, %dma_wait3A_627] : memref<2x5x4096xf32, #tpu.memory_space<vmem>> -> memref<1x5x1024xf32, #tpu.memory_space<vmem>>
        %dma_wait3A_629 = tpu.memref_squeeze %dma_wait3A_628 : memref<1x5x1024xf32, #tpu.memory_space<vmem>> -> memref<5x1024xf32, #tpu.memory_space<vmem>>
        tpu.wait_dma2 semaphore(%dma_wait3A_624 : memref<!tpu.dma_semaphore, #tpu.memory_space<semaphore_mem>>) src(%dma_wait3A_629 : memref<5x1024xf32, #tpu.memory_space<vmem>>) dst(%dma_wait3A_625 : memref<5x1024xf32, #tpu.memory_space<hbm>>)
      } else {
      }
      %mul3A_433 = arith.constant 128 : i32
      %mul3A_434 = vector.broadcast %mul3A_433 : i32 to vector<16xi32>
      %mul3A_435 = arith.muli %iota3A, %mul3A_434 : vector<16xi32>
      %scan3A_436 = arith.constant 1 : i32
      %scan3A_437 = arith.constant 1 : i32
      %scan3A_438 = arith.constant 0 : i32
      %scan3A_439 = arith.constant 1 : i32
      %scan3A_440 = arith.constant 1 : i32
      %scan3A_441 = arith.constant 1 : i32
      %scan3A_442 = arith.constant 2 : i32
      %scan3A_443 = arith.constant 1 : i32
      %scan3A_444 = arith.constant 3 : i32
      %scan3A_445 = arith.constant 1 : i32
      %scan3A_446 = arith.constant 4 : i32
      %scan3A_447 = arith.constant 0 : i32
      %scan3A_448 = arith.constant 64 : i32
      %scan3A_449 = arith.addi %scan3A_447, %scan3A_448 : i32
      %scan3A_450 = arith.constant 1 : i32
      %scan3A_451 = scf.for %scan3A_541 = %scan3A_447 to %scan3A_449 step %scan3A_450 iter_args(%scan3A_542 = %mul3A_435) -> (vector<16xi32>)  : i32 {
        %mul3A_543 = arith.constant 2 : i32
        %mul3A_544 = arith.muli %scan3A_541, %mul3A_543 : i32
        %add3A_545 = arith.constant 0 : i32
        %add3A_546 = arith.addi %mul3A_544, %add3A_545 : i32
        %add3A_547 = arith.constant 2048 : i32
        %add3A_548 = vector.broadcast %add3A_547 : i32 to vector<16xi32>
        %add3A_549 = arith.addi %scan3A_542, %add3A_548 : vector<16xi32>
        %add3A_550 = arith.constant 0 : i32
        %add3A_551 = arith.addi %add3A_550, %add3A_546 : i32
        %get3A = arith.constant 0 : i32
        %get3A_552 = arith.constant 0 : i32
        %get3A_553 = tpu.memref_slice %arg6[%scan3A_436, %get3A, %get3A_552] : memref<2x640x32xf32, #tpu.memory_space<vmem>> -> memref<1x640x32xf32, #tpu.memory_space<vmem>>
        %get3A_554 = tpu.memref_squeeze %get3A_553 : memref<1x640x32xf32, #tpu.memory_space<vmem>> -> memref<640x32xf32, #tpu.memory_space<vmem>>
        %get3A_555 = arith.index_cast %add3A_551 : i32 to index
        %get3A_556 = arith.constant 0 : index
        %get3A_557 = tpu.vector_load %get3A_554[%get3A_555, %get3A_556] {strides = array<i32>} : memref<640x32xf32, #tpu.memory_space<vmem>>, vector<16xf32>,
        %get3A_558 = arith.constant 0 : i32
        %get3A_559 = arith.constant 0 : i32
        %get3A_560 = tpu.memref_slice %arg6[%scan3A_436, %get3A_558, %get3A_559] : memref<2x640x32xf32, #tpu.memory_space<vmem>> -> memref<1x640x32xf32, #tpu.memory_space<vmem>>
        %get3A_561 = tpu.memref_squeeze %get3A_560 : memref<1x640x32xf32, #tpu.memory_space<vmem>> -> memref<640x32xf32, #tpu.memory_space<vmem>>
        %get3A_562 = arith.index_cast %add3A_551 : i32 to index
        %get3A_563 = arith.constant 16 : index
        %get3A_564 = tpu.vector_load %get3A_561[%get3A_562, %get3A_563] {strides = array<i32>} : memref<640x32xf32, #tpu.memory_space<vmem>>, vector<16xf32>,
        %scatter3A = arith.constant 0 : i32
        %scatter3A_565 = tpu.memref_slice %arg7[%scan3A_437, %scan3A_438, %scatter3A] : memref<2x5x4096xf32, #tpu.memory_space<vmem>> -> memref<1x1x4096xf32, #tpu.memory_space<vmem>>
        %scatter3A_566 = tpu.memref_squeeze %scatter3A_565 : memref<1x1x4096xf32, #tpu.memory_space<vmem>> -> memref<4096xf32, #tpu.memory_space<vmem>>
        tpu.vector_store_idx %scatter3A_566[%scan3A_542], %get3A_557 : memref<4096xf32, #tpu.memory_space<vmem>>[vector<16xi32>], vector<16xf32>,
        %scatter3A_567 = arith.constant 0 : i32
        %scatter3A_568 = tpu.memref_slice %arg7[%scan3A_437, %scan3A_438, %scatter3A_567] : memref<2x5x4096xf32, #tpu.memory_space<vmem>> -> memref<1x1x4096xf32, #tpu.memory_space<vmem>>
        %scatter3A_569 = tpu.memref_squeeze %scatter3A_568 : memref<1x1x4096xf32, #tpu.memory_space<vmem>> -> memref<4096xf32, #tpu.memory_space<vmem>>
        tpu.vector_store_idx %scatter3A_569[%add3A_549], %get3A_564 : memref<4096xf32, #tpu.memory_space<vmem>>[vector<16xi32>], vector<16xf32>,
        %add3A_570 = arith.constant 128 : i32
        %add3A_571 = arith.addi %add3A_570, %add3A_546 : i32
        %get3A_572 = arith.constant 0 : i32
        %get3A_573 = arith.constant 0 : i32
        %get3A_574 = tpu.memref_slice %arg6[%scan3A_436, %get3A_572, %get3A_573] : memref<2x640x32xf32, #tpu.memory_space<vmem>> -> memref<1x640x32xf32, #tpu.memory_space<vmem>>
        %get3A_575 = tpu.memref_squeeze %get3A_574 : memref<1x640x32xf32, #tpu.memory_space<vmem>> -> memref<640x32xf32, #tpu.memory_space<vmem>>
        %get3A_576 = arith.index_cast %add3A_571 : i32 to index
        %get3A_577 = arith.constant 0 : index
        %get3A_578 = tpu.vector_load %get3A_575[%get3A_576, %get3A_577] {strides = array<i32>} : memref<640x32xf32, #tpu.memory_space<vmem>>, vector<16xf32>,
        %get3A_579 = arith.constant 0 : i32
        %get3A_580 = arith.constant 0 : i32
        %get3A_581 = tpu.memref_slice %arg6[%scan3A_436, %get3A_579, %get3A_580] : memref<2x640x32xf32, #tpu.memory_space<vmem>> -> memref<1x640x32xf32, #tpu.memory_space<vmem>>
        %get3A_582 = tpu.memref_squeeze %get3A_581 : memref<1x640x32xf32, #tpu.memory_space<vmem>> -> memref<640x32xf32, #tpu.memory_space<vmem>>
        %get3A_583 = arith.index_cast %add3A_571 : i32 to index
        %get3A_584 = arith.constant 16 : index
        %get3A_585 = tpu.vector_load %get3A_582[%get3A_583, %get3A_584] {strides = array<i32>} : memref<640x32xf32, #tpu.memory_space<vmem>>, vector<16xf32>,
        %scatter3A_586 = arith.constant 0 : i32
        %scatter3A_587 = tpu.memref_slice %arg7[%scan3A_439, %scan3A_440, %scatter3A_586] : memref<2x5x4096xf32, #tpu.memory_space<vmem>> -> memref<1x1x4096xf32, #tpu.memory_space<vmem>>
        %scatter3A_588 = tpu.memref_squeeze %scatter3A_587 : memref<1x1x4096xf32, #tpu.memory_space<vmem>> -> memref<4096xf32, #tpu.memory_space<vmem>>
        tpu.vector_store_idx %scatter3A_588[%scan3A_542], %get3A_578 : memref<4096xf32, #tpu.memory_space<vmem>>[vector<16xi32>], vector<16xf32>,
        %scatter3A_589 = arith.constant 0 : i32
        %scatter3A_590 = tpu.memref_slice %arg7[%scan3A_439, %scan3A_440, %scatter3A_589] : memref<2x5x4096xf32, #tpu.memory_space<vmem>> -> memref<1x1x4096xf32, #tpu.memory_space<vmem>>
        %scatter3A_591 = tpu.memref_squeeze %scatter3A_590 : memref<1x1x4096xf32, #tpu.memory_space<vmem>> -> memref<4096xf32, #tpu.memory_space<vmem>>
        tpu.vector_store_idx %scatter3A_591[%add3A_549], %get3A_585 : memref<4096xf32, #tpu.memory_space<vmem>>[vector<16xi32>], vector<16xf32>,
        %add3A_592 = arith.constant 256 : i32
        %add3A_593 = arith.addi %add3A_592, %add3A_546 : i32
        %get3A_594 = arith.constant 0 : i32
        %get3A_595 = arith.constant 0 : i32
        %get3A_596 = tpu.memref_slice %arg6[%scan3A_436, %get3A_594, %get3A_595] : memref<2x640x32xf32, #tpu.memory_space<vmem>> -> memref<1x640x32xf32, #tpu.memory_space<vmem>>
        %get3A_597 = tpu.memref_squeeze %get3A_596 : memref<1x640x32xf32, #tpu.memory_space<vmem>> -> memref<640x32xf32, #tpu.memory_space<vmem>>
        %get3A_598 = arith.index_cast %add3A_593 : i32 to index
        %get3A_599 = arith.constant 0 : index
        %get3A_600 = tpu.vector_load %get3A_597[%get3A_598, %get3A_599] {strides = array<i32>} : memref<640x32xf32, #tpu.memory_space<vmem>>, vector<16xf32>,
        %get3A_601 = arith.constant 0 : i32
        %get3A_602 = arith.constant 0 : i32
        %get3A_603 = tpu.memref_slice %arg6[%scan3A_436, %get3A_601, %get3A_602] : memref<2x640x32xf32, #tpu.memory_space<vmem>> -> memref<1x640x32xf32, #tpu.memory_space<vmem>>
        %get3A_604 = tpu.memref_squeeze %get3A_603 : memref<1x640x32xf32, #tpu.memory_space<vmem>> -> memref<640x32xf32, #tpu.memory_space<vmem>>
        %get3A_605 = arith.index_cast %add3A_593 : i32 to index
        %get3A_606 = arith.constant 16 : index
        %get3A_607 = tpu.vector_load %get3A_604[%get3A_605, %get3A_606] {strides = array<i32>} : memref<640x32xf32, #tpu.memory_space<vmem>>, vector<16xf32>,
        %scatter3A_608 = arith.constant 0 : i32
        %scatter3A_609 = tpu.memref_slice %arg7[%scan3A_441, %scan3A_442, %scatter3A_608] : memref<2x5x4096xf32, #tpu.memory_space<vmem>> -> memref<1x1x4096xf32, #tpu.memory_space<vmem>>
        %scatter3A_610 = tpu.memref_squeeze %scatter3A_609 : memref<1x1x4096xf32, #tpu.memory_space<vmem>> -> memref<4096xf32, #tpu.memory_space<vmem>>
        tpu.vector_store_idx %scatter3A_610[%scan3A_542], %get3A_600 : memref<4096xf32, #tpu.memory_space<vmem>>[vector<16xi32>], vector<16xf32>,
        %scatter3A_611 = arith.constant 0 : i32
        %scatter3A_612 = tpu.memref_slice %arg7[%scan3A_441, %scan3A_442, %scatter3A_611] : memref<2x5x4096xf32, #tpu.memory_space<vmem>> -> memref<1x1x4096xf32, #tpu.memory_space<vmem>>
        %scatter3A_613 = tpu.memref_squeeze %scatter3A_612 : memref<1x1x4096xf32, #tpu.memory_space<vmem>> -> memref<4096xf32, #tpu.memory_space<vmem>>
        tpu.vector_store_idx %scatter3A_613[%add3A_549], %get3A_607 : memref<4096xf32, #tpu.memory_space<vmem>>[vector<16xi32>], vector<16xf32>,
        %add3A_614 = arith.constant 384 : i32
        %add3A_615 = arith.addi %add3A_614, %add3A_546 : i32
        %get3A_616 = arith.constant 0 : i32
        %get3A_617 = arith.constant 0 : i32
        %get3A_618 = tpu.memref_slice %arg6[%scan3A_436, %get3A_616, %get3A_617] : memref<2x640x32xf32, #tpu.memory_space<vmem>> -> memref<1x640x32xf32, #tpu.memory_space<vmem>>
        %get3A_619 = tpu.memref_squeeze %get3A_618 : memref<1x640x32xf32, #tpu.memory_space<vmem>> -> memref<640x32xf32, #tpu.memory_space<vmem>>
        %get3A_620 = arith.index_cast %add3A_615 : i32 to index
        %get3A_621 = arith.constant 0 : index
        %get3A_622 = tpu.vector_load %get3A_619[%get3A_620, %get3A_621] {strides = array<i32>} : memref<640x32xf32, #tpu.memory_space<vmem>>, vector<16xf32>,
        %get3A_623 = arith.constant 0 : i32
        %get3A_624 = arith.constant 0 : i32
        %get3A_625 = tpu.memref_slice %arg6[%scan3A_436, %get3A_623, %get3A_624] : memref<2x640x32xf32, #tpu.memory_space<vmem>> -> memref<1x640x32xf32, #tpu.memory_space<vmem>>
        %get3A_626 = tpu.memref_squeeze %get3A_625 : memref<1x640x32xf32, #tpu.memory_space<vmem>> -> memref<640x32xf32, #tpu.memory_space<vmem>>
        %get3A_627 = arith.index_cast %add3A_615 : i32 to index
        %get3A_628 = arith.constant 16 : index
        %get3A_629 = tpu.vector_load %get3A_626[%get3A_627, %get3A_628] {strides = array<i32>} : memref<640x32xf32, #tpu.memory_space<vmem>>, vector<16xf32>,
        %scatter3A_630 = arith.constant 0 : i32
        %scatter3A_631 = tpu.memref_slice %arg7[%scan3A_443, %scan3A_444, %scatter3A_630] : memref<2x5x4096xf32, #tpu.memory_space<vmem>> -> memref<1x1x4096xf32, #tpu.memory_space<vmem>>
        %scatter3A_632 = tpu.memref_squeeze %scatter3A_631 : memref<1x1x4096xf32, #tpu.memory_space<vmem>> -> memref<4096xf32, #tpu.memory_space<vmem>>
        tpu.vector_store_idx %scatter3A_632[%scan3A_542], %get3A_622 : memref<4096xf32, #tpu.memory_space<vmem>>[vector<16xi32>], vector<16xf32>,
        %scatter3A_633 = arith.constant 0 : i32
        %scatter3A_634 = tpu.memref_slice %arg7[%scan3A_443, %scan3A_444, %scatter3A_633] : memref<2x5x4096xf32, #tpu.memory_space<vmem>> -> memref<1x1x4096xf32, #tpu.memory_space<vmem>>
        %scatter3A_635 = tpu.memref_squeeze %scatter3A_634 : memref<1x1x4096xf32, #tpu.memory_space<vmem>> -> memref<4096xf32, #tpu.memory_space<vmem>>
        tpu.vector_store_idx %scatter3A_635[%add3A_549], %get3A_629 : memref<4096xf32, #tpu.memory_space<vmem>>[vector<16xi32>], vector<16xf32>,
        %add3A_636 = arith.constant 512 : i32
        %add3A_637 = arith.addi %add3A_636, %add3A_546 : i32
        %get3A_638 = arith.constant 0 : i32
        %get3A_639 = arith.constant 0 : i32
        %get3A_640 = tpu.memref_slice %arg6[%scan3A_436, %get3A_638, %get3A_639] : memref<2x640x32xf32, #tpu.memory_space<vmem>> -> memref<1x640x32xf32, #tpu.memory_space<vmem>>
        %get3A_641 = tpu.memref_squeeze %get3A_640 : memref<1x640x32xf32, #tpu.memory_space<vmem>> -> memref<640x32xf32, #tpu.memory_space<vmem>>
        %get3A_642 = arith.index_cast %add3A_637 : i32 to index
        %get3A_643 = arith.constant 0 : index
        %get3A_644 = tpu.vector_load %get3A_641[%get3A_642, %get3A_643] {strides = array<i32>} : memref<640x32xf32, #tpu.memory_space<vmem>>, vector<16xf32>,
        %get3A_645 = arith.constant 0 : i32
        %get3A_646 = arith.constant 0 : i32
        %get3A_647 = tpu.memref_slice %arg6[%scan3A_436, %get3A_645, %get3A_646] : memref<2x640x32xf32, #tpu.memory_space<vmem>> -> memref<1x640x32xf32, #tpu.memory_space<vmem>>
        %get3A_648 = tpu.memref_squeeze %get3A_647 : memref<1x640x32xf32, #tpu.memory_space<vmem>> -> memref<640x32xf32, #tpu.memory_space<vmem>>
        %get3A_649 = arith.index_cast %add3A_637 : i32 to index
        %get3A_650 = arith.constant 16 : index
        %get3A_651 = tpu.vector_load %get3A_648[%get3A_649, %get3A_650] {strides = array<i32>} : memref<640x32xf32, #tpu.memory_space<vmem>>, vector<16xf32>,
        %scatter3A_652 = arith.constant 0 : i32
        %scatter3A_653 = tpu.memref_slice %arg7[%scan3A_445, %scan3A_446, %scatter3A_652] : memref<2x5x4096xf32, #tpu.memory_space<vmem>> -> memref<1x1x4096xf32, #tpu.memory_space<vmem>>
        %scatter3A_654 = tpu.memref_squeeze %scatter3A_653 : memref<1x1x4096xf32, #tpu.memory_space<vmem>> -> memref<4096xf32, #tpu.memory_space<vmem>>
        tpu.vector_store_idx %scatter3A_654[%scan3A_542], %get3A_644 : memref<4096xf32, #tpu.memory_space<vmem>>[vector<16xi32>], vector<16xf32>,
        %scatter3A_655 = arith.constant 0 : i32
        %scatter3A_656 = tpu.memref_slice %arg7[%scan3A_445, %scan3A_446, %scatter3A_655] : memref<2x5x4096xf32, #tpu.memory_space<vmem>> -> memref<1x1x4096xf32, #tpu.memory_space<vmem>>
        %scatter3A_657 = tpu.memref_squeeze %scatter3A_656 : memref<1x1x4096xf32, #tpu.memory_space<vmem>> -> memref<4096xf32, #tpu.memory_space<vmem>>
        tpu.vector_store_idx %scatter3A_657[%add3A_549], %get3A_651 : memref<4096xf32, #tpu.memory_space<vmem>>[vector<16xi32>], vector<16xf32>,
        %add3A_658 = arith.constant 1 : i32
        %add3A_659 = vector.broadcast %add3A_658 : i32 to vector<16xi32>
        %add3A_660 = arith.addi %scan3A_542, %add3A_659 : vector<16xi32>
        %mul3A_661 = arith.constant 2 : i32
        %mul3A_662 = arith.muli %scan3A_541, %mul3A_661 : i32
        %add3A_663 = arith.constant 1 : i32
        %add3A_664 = arith.addi %mul3A_662, %add3A_663 : i32
        %add3A_665 = arith.constant 2048 : i32
        %add3A_666 = vector.broadcast %add3A_665 : i32 to vector<16xi32>
        %add3A_667 = arith.addi %add3A_660, %add3A_666 : vector<16xi32>
        %add3A_668 = arith.constant 0 : i32
        %add3A_669 = arith.addi %add3A_668, %add3A_664 : i32
        %get3A_670 = arith.constant 0 : i32
        %get3A_671 = arith.constant 0 : i32
        %get3A_672 = tpu.memref_slice %arg6[%scan3A_436, %get3A_670, %get3A_671] : memref<2x640x32xf32, #tpu.memory_space<vmem>> -> memref<1x640x32xf32, #tpu.memory_space<vmem>>
        %get3A_673 = tpu.memref_squeeze %get3A_672 : memref<1x640x32xf32, #tpu.memory_space<vmem>> -> memref<640x32xf32, #tpu.memory_space<vmem>>
        %get3A_674 = arith.index_cast %add3A_669 : i32 to index
        %get3A_675 = arith.constant 0 : index
        %get3A_676 = tpu.vector_load %get3A_673[%get3A_674, %get3A_675] {strides = array<i32>} : memref<640x32xf32, #tpu.memory_space<vmem>>, vector<16xf32>,
        %get3A_677 = arith.constant 0 : i32
        %get3A_678 = arith.constant 0 : i32
        %get3A_679 = tpu.memref_slice %arg6[%scan3A_436, %get3A_677, %get3A_678] : memref<2x640x32xf32, #tpu.memory_space<vmem>> -> memref<1x640x32xf32, #tpu.memory_space<vmem>>
        %get3A_680 = tpu.memref_squeeze %get3A_679 : memref<1x640x32xf32, #tpu.memory_space<vmem>> -> memref<640x32xf32, #tpu.memory_space<vmem>>
        %get3A_681 = arith.index_cast %add3A_669 : i32 to index
        %get3A_682 = arith.constant 16 : index
        %get3A_683 = tpu.vector_load %get3A_680[%get3A_681, %get3A_682] {strides = array<i32>} : memref<640x32xf32, #tpu.memory_space<vmem>>, vector<16xf32>,
        %scatter3A_684 = arith.constant 0 : i32
        %scatter3A_685 = tpu.memref_slice %arg7[%scan3A_437, %scan3A_438, %scatter3A_684] : memref<2x5x4096xf32, #tpu.memory_space<vmem>> -> memref<1x1x4096xf32, #tpu.memory_space<vmem>>
        %scatter3A_686 = tpu.memref_squeeze %scatter3A_685 : memref<1x1x4096xf32, #tpu.memory_space<vmem>> -> memref<4096xf32, #tpu.memory_space<vmem>>
        tpu.vector_store_idx %scatter3A_686[%add3A_660], %get3A_676 : memref<4096xf32, #tpu.memory_space<vmem>>[vector<16xi32>], vector<16xf32>,
        %scatter3A_687 = arith.constant 0 : i32
        %scatter3A_688 = tpu.memref_slice %arg7[%scan3A_437, %scan3A_438, %scatter3A_687] : memref<2x5x4096xf32, #tpu.memory_space<vmem>> -> memref<1x1x4096xf32, #tpu.memory_space<vmem>>
        %scatter3A_689 = tpu.memref_squeeze %scatter3A_688 : memref<1x1x4096xf32, #tpu.memory_space<vmem>> -> memref<4096xf32, #tpu.memory_space<vmem>>
        tpu.vector_store_idx %scatter3A_689[%add3A_667], %get3A_683 : memref<4096xf32, #tpu.memory_space<vmem>>[vector<16xi32>], vector<16xf32>,
        %add3A_690 = arith.constant 128 : i32
        %add3A_691 = arith.addi %add3A_690, %add3A_664 : i32
        %get3A_692 = arith.constant 0 : i32
        %get3A_693 = arith.constant 0 : i32
        %get3A_694 = tpu.memref_slice %arg6[%scan3A_436, %get3A_692, %get3A_693] : memref<2x640x32xf32, #tpu.memory_space<vmem>> -> memref<1x640x32xf32, #tpu.memory_space<vmem>>
        %get3A_695 = tpu.memref_squeeze %get3A_694 : memref<1x640x32xf32, #tpu.memory_space<vmem>> -> memref<640x32xf32, #tpu.memory_space<vmem>>
        %get3A_696 = arith.index_cast %add3A_691 : i32 to index
        %get3A_697 = arith.constant 0 : index
        %get3A_698 = tpu.vector_load %get3A_695[%get3A_696, %get3A_697] {strides = array<i32>} : memref<640x32xf32, #tpu.memory_space<vmem>>, vector<16xf32>,
        %get3A_699 = arith.constant 0 : i32
        %get3A_700 = arith.constant 0 : i32
        %get3A_701 = tpu.memref_slice %arg6[%scan3A_436, %get3A_699, %get3A_700] : memref<2x640x32xf32, #tpu.memory_space<vmem>> -> memref<1x640x32xf32, #tpu.memory_space<vmem>>
        %get3A_702 = tpu.memref_squeeze %get3A_701 : memref<1x640x32xf32, #tpu.memory_space<vmem>> -> memref<640x32xf32, #tpu.memory_space<vmem>>
        %get3A_703 = arith.index_cast %add3A_691 : i32 to index
        %get3A_704 = arith.constant 16 : index
        %get3A_705 = tpu.vector_load %get3A_702[%get3A_703, %get3A_704] {strides = array<i32>} : memref<640x32xf32, #tpu.memory_space<vmem>>, vector<16xf32>,
        %scatter3A_706 = arith.constant 0 : i32
        %scatter3A_707 = tpu.memref_slice %arg7[%scan3A_439, %scan3A_440, %scatter3A_706] : memref<2x5x4096xf32, #tpu.memory_space<vmem>> -> memref<1x1x4096xf32, #tpu.memory_space<vmem>>
        %scatter3A_708 = tpu.memref_squeeze %scatter3A_707 : memref<1x1x4096xf32, #tpu.memory_space<vmem>> -> memref<4096xf32, #tpu.memory_space<vmem>>
        tpu.vector_store_idx %scatter3A_708[%add3A_660], %get3A_698 : memref<4096xf32, #tpu.memory_space<vmem>>[vector<16xi32>], vector<16xf32>,
        %scatter3A_709 = arith.constant 0 : i32
        %scatter3A_710 = tpu.memref_slice %arg7[%scan3A_439, %scan3A_440, %scatter3A_709] : memref<2x5x4096xf32, #tpu.memory_space<vmem>> -> memref<1x1x4096xf32, #tpu.memory_space<vmem>>
        %scatter3A_711 = tpu.memref_squeeze %scatter3A_710 : memref<1x1x4096xf32, #tpu.memory_space<vmem>> -> memref<4096xf32, #tpu.memory_space<vmem>>
        tpu.vector_store_idx %scatter3A_711[%add3A_667], %get3A_705 : memref<4096xf32, #tpu.memory_space<vmem>>[vector<16xi32>], vector<16xf32>,
        %add3A_712 = arith.constant 256 : i32
        %add3A_713 = arith.addi %add3A_712, %add3A_664 : i32
        %get3A_714 = arith.constant 0 : i32
        %get3A_715 = arith.constant 0 : i32
        %get3A_716 = tpu.memref_slice %arg6[%scan3A_436, %get3A_714, %get3A_715] : memref<2x640x32xf32, #tpu.memory_space<vmem>> -> memref<1x640x32xf32, #tpu.memory_space<vmem>>
        %get3A_717 = tpu.memref_squeeze %get3A_716 : memref<1x640x32xf32, #tpu.memory_space<vmem>> -> memref<640x32xf32, #tpu.memory_space<vmem>>
        %get3A_718 = arith.index_cast %add3A_713 : i32 to index
        %get3A_719 = arith.constant 0 : index
        %get3A_720 = tpu.vector_load %get3A_717[%get3A_718, %get3A_719] {strides = array<i32>} : memref<640x32xf32, #tpu.memory_space<vmem>>, vector<16xf32>,
        %get3A_721 = arith.constant 0 : i32
        %get3A_722 = arith.constant 0 : i32
        %get3A_723 = tpu.memref_slice %arg6[%scan3A_436, %get3A_721, %get3A_722] : memref<2x640x32xf32, #tpu.memory_space<vmem>> -> memref<1x640x32xf32, #tpu.memory_space<vmem>>
        %get3A_724 = tpu.memref_squeeze %get3A_723 : memref<1x640x32xf32, #tpu.memory_space<vmem>> -> memref<640x32xf32, #tpu.memory_space<vmem>>
        %get3A_725 = arith.index_cast %add3A_713 : i32 to index
        %get3A_726 = arith.constant 16 : index
        %get3A_727 = tpu.vector_load %get3A_724[%get3A_725, %get3A_726] {strides = array<i32>} : memref<640x32xf32, #tpu.memory_space<vmem>>, vector<16xf32>,
        %scatter3A_728 = arith.constant 0 : i32
        %scatter3A_729 = tpu.memref_slice %arg7[%scan3A_441, %scan3A_442, %scatter3A_728] : memref<2x5x4096xf32, #tpu.memory_space<vmem>> -> memref<1x1x4096xf32, #tpu.memory_space<vmem>>
        %scatter3A_730 = tpu.memref_squeeze %scatter3A_729 : memref<1x1x4096xf32, #tpu.memory_space<vmem>> -> memref<4096xf32, #tpu.memory_space<vmem>>
        tpu.vector_store_idx %scatter3A_730[%add3A_660], %get3A_720 : memref<4096xf32, #tpu.memory_space<vmem>>[vector<16xi32>], vector<16xf32>,
        %scatter3A_731 = arith.constant 0 : i32
        %scatter3A_732 = tpu.memref_slice %arg7[%scan3A_441, %scan3A_442, %scatter3A_731] : memref<2x5x4096xf32, #tpu.memory_space<vmem>> -> memref<1x1x4096xf32, #tpu.memory_space<vmem>>
        %scatter3A_733 = tpu.memref_squeeze %scatter3A_732 : memref<1x1x4096xf32, #tpu.memory_space<vmem>> -> memref<4096xf32, #tpu.memory_space<vmem>>
        tpu.vector_store_idx %scatter3A_733[%add3A_667], %get3A_727 : memref<4096xf32, #tpu.memory_space<vmem>>[vector<16xi32>], vector<16xf32>,
        %add3A_734 = arith.constant 384 : i32
        %add3A_735 = arith.addi %add3A_734, %add3A_664 : i32
        %get3A_736 = arith.constant 0 : i32
        %get3A_737 = arith.constant 0 : i32
        %get3A_738 = tpu.memref_slice %arg6[%scan3A_436, %get3A_736, %get3A_737] : memref<2x640x32xf32, #tpu.memory_space<vmem>> -> memref<1x640x32xf32, #tpu.memory_space<vmem>>
        %get3A_739 = tpu.memref_squeeze %get3A_738 : memref<1x640x32xf32, #tpu.memory_space<vmem>> -> memref<640x32xf32, #tpu.memory_space<vmem>>
        %get3A_740 = arith.index_cast %add3A_735 : i32 to index
        %get3A_741 = arith.constant 0 : index
        %get3A_742 = tpu.vector_load %get3A_739[%get3A_740, %get3A_741] {strides = array<i32>} : memref<640x32xf32, #tpu.memory_space<vmem>>, vector<16xf32>,
        %get3A_743 = arith.constant 0 : i32
        %get3A_744 = arith.constant 0 : i32
        %get3A_745 = tpu.memref_slice %arg6[%scan3A_436, %get3A_743, %get3A_744] : memref<2x640x32xf32, #tpu.memory_space<vmem>> -> memref<1x640x32xf32, #tpu.memory_space<vmem>>
        %get3A_746 = tpu.memref_squeeze %get3A_745 : memref<1x640x32xf32, #tpu.memory_space<vmem>> -> memref<640x32xf32, #tpu.memory_space<vmem>>
        %get3A_747 = arith.index_cast %add3A_735 : i32 to index
        %get3A_748 = arith.constant 16 : index
        %get3A_749 = tpu.vector_load %get3A_746[%get3A_747, %get3A_748] {strides = array<i32>} : memref<640x32xf32, #tpu.memory_space<vmem>>, vector<16xf32>,
        %scatter3A_750 = arith.constant 0 : i32
        %scatter3A_751 = tpu.memref_slice %arg7[%scan3A_443, %scan3A_444, %scatter3A_750] : memref<2x5x4096xf32, #tpu.memory_space<vmem>> -> memref<1x1x4096xf32, #tpu.memory_space<vmem>>
        %scatter3A_752 = tpu.memref_squeeze %scatter3A_751 : memref<1x1x4096xf32, #tpu.memory_space<vmem>> -> memref<4096xf32, #tpu.memory_space<vmem>>
        tpu.vector_store_idx %scatter3A_752[%add3A_660], %get3A_742 : memref<4096xf32, #tpu.memory_space<vmem>>[vector<16xi32>], vector<16xf32>,
        %scatter3A_753 = arith.constant 0 : i32
        %scatter3A_754 = tpu.memref_slice %arg7[%scan3A_443, %scan3A_444, %scatter3A_753] : memref<2x5x4096xf32, #tpu.memory_space<vmem>> -> memref<1x1x4096xf32, #tpu.memory_space<vmem>>
        %scatter3A_755 = tpu.memref_squeeze %scatter3A_754 : memref<1x1x4096xf32, #tpu.memory_space<vmem>> -> memref<4096xf32, #tpu.memory_space<vmem>>
        tpu.vector_store_idx %scatter3A_755[%add3A_667], %get3A_749 : memref<4096xf32, #tpu.memory_space<vmem>>[vector<16xi32>], vector<16xf32>,
        %add3A_756 = arith.constant 512 : i32
        %add3A_757 = arith.addi %add3A_756, %add3A_664 : i32
        %get3A_758 = arith.constant 0 : i32
        %get3A_759 = arith.constant 0 : i32
        %get3A_760 = tpu.memref_slice %arg6[%scan3A_436, %get3A_758, %get3A_759] : memref<2x640x32xf32, #tpu.memory_space<vmem>> -> memref<1x640x32xf32, #tpu.memory_space<vmem>>
        %get3A_761 = tpu.memref_squeeze %get3A_760 : memref<1x640x32xf32, #tpu.memory_space<vmem>> -> memref<640x32xf32, #tpu.memory_space<vmem>>
        %get3A_762 = arith.index_cast %add3A_757 : i32 to index
        %get3A_763 = arith.constant 0 : index
        %get3A_764 = tpu.vector_load %get3A_761[%get3A_762, %get3A_763] {strides = array<i32>} : memref<640x32xf32, #tpu.memory_space<vmem>>, vector<16xf32>,
        %get3A_765 = arith.constant 0 : i32
        %get3A_766 = arith.constant 0 : i32
        %get3A_767 = tpu.memref_slice %arg6[%scan3A_436, %get3A_765, %get3A_766] : memref<2x640x32xf32, #tpu.memory_space<vmem>> -> memref<1x640x32xf32, #tpu.memory_space<vmem>>
        %get3A_768 = tpu.memref_squeeze %get3A_767 : memref<1x640x32xf32, #tpu.memory_space<vmem>> -> memref<640x32xf32, #tpu.memory_space<vmem>>
        %get3A_769 = arith.index_cast %add3A_757 : i32 to index
        %get3A_770 = arith.constant 16 : index
        %get3A_771 = tpu.vector_load %get3A_768[%get3A_769, %get3A_770] {strides = array<i32>} : memref<640x32xf32, #tpu.memory_space<vmem>>, vector<16xf32>,
        %scatter3A_772 = arith.constant 0 : i32
        %scatter3A_773 = tpu.memref_slice %arg7[%scan3A_445, %scan3A_446, %scatter3A_772] : memref<2x5x4096xf32, #tpu.memory_space<vmem>> -> memref<1x1x4096xf32, #tpu.memory_space<vmem>>
        %scatter3A_774 = tpu.memref_squeeze %scatter3A_773 : memref<1x1x4096xf32, #tpu.memory_space<vmem>> -> memref<4096xf32, #tpu.memory_space<vmem>>
        tpu.vector_store_idx %scatter3A_774[%add3A_660], %get3A_764 : memref<4096xf32, #tpu.memory_space<vmem>>[vector<16xi32>], vector<16xf32>,
        %scatter3A_775 = arith.constant 0 : i32
        %scatter3A_776 = tpu.memref_slice %arg7[%scan3A_445, %scan3A_446, %scatter3A_775] : memref<2x5x4096xf32, #tpu.memory_space<vmem>> -> memref<1x1x4096xf32, #tpu.memory_space<vmem>>
        %scatter3A_777 = tpu.memref_squeeze %scatter3A_776 : memref<1x1x4096xf32, #tpu.memory_space<vmem>> -> memref<4096xf32, #tpu.memory_space<vmem>>
        tpu.vector_store_idx %scatter3A_777[%add3A_667], %get3A_771 : memref<4096xf32, #tpu.memory_space<vmem>>[vector<16xi32>], vector<16xf32>,
        %add3A_778 = arith.constant 1 : i32
        %add3A_779 = vector.broadcast %add3A_778 : i32 to vector<16xi32>
        %add3A_780 = arith.addi %add3A_660, %add3A_779 : vector<16xi32>
        scf.yield %add3A_780 : vector<16xi32>
      }
      %scan3A_452 = arith.constant 64 : i32
      %mul3A_453 = arith.constant 5 : i32
      %mul3A_454 = arith.muli %add3A_402, %mul3A_453 : i32
      %mul3A_455 = arith.constant 8 : i32
      %mul3A_456 = arith.muli %add3A, %mul3A_455 : i32
      %mul3A_457 = arith.constant 128 : i32
      %mul3A_458 = arith.muli %mul3A_456, %mul3A_457 : i32
      %add3A_459 = arith.constant 0 : i32
      %add3A_460 = arith.addi %add3A_459, %mul3A_458 : i32
      %mul3A_461 = arith.constant 5 : i32
      %mul3A_462 = arith.muli %add3A_402, %mul3A_461 : i32
      %mul3A_463 = arith.constant 8 : i32
      %mul3A_464 = arith.muli %add3A, %mul3A_463 : i32
      %mul3A_465 = arith.constant 128 : i32
      %mul3A_466 = arith.muli %mul3A_464, %mul3A_465 : i32
      %add3A_467 = arith.constant 32768 : i32
      %add3A_468 = arith.addi %add3A_467, %mul3A_466 : i32
      %mul3A_469 = arith.constant 5 : i32
      %mul3A_470 = arith.muli %add3A_402, %mul3A_469 : i32
      %mul3A_471 = arith.constant 8 : i32
      %mul3A_472 = arith.muli %add3A, %mul3A_471 : i32
      %mul3A_473 = arith.constant 128 : i32
      %mul3A_474 = arith.muli %mul3A_472, %mul3A_473 : i32
      %add3A_475 = arith.constant 65536 : i32
      %add3A_476 = arith.addi %add3A_475, %mul3A_474 : i32
      %mul3A_477 = arith.constant 5 : i32
      %mul3A_478 = arith.muli %add3A_402, %mul3A_477 : i32
      %mul3A_479 = arith.constant 8 : i32
      %mul3A_480 = arith.muli %add3A, %mul3A_479 : i32
      %mul3A_481 = arith.constant 128 : i32
      %mul3A_482 = arith.muli %mul3A_480, %mul3A_481 : i32
      %add3A_483 = arith.constant 98304 : i32
      %add3A_484 = arith.addi %add3A_483, %mul3A_482 : i32
      %dma_start3A_485 = arith.constant 1 : i32
      %dma_start3A_486 = arith.constant 1 : i32
      %dma_start3A_487 = arith.constant 0 : i32
      %dma_start3A_488 = arith.constant 0 : i32
      %dma_start3A_489 = tpu.memref_slice %arg7[%dma_start3A_485, %dma_start3A_487, %dma_start3A_488] : memref<2x5x4096xf32, #tpu.memory_space<vmem>> -> memref<1x5x1024xf32, #tpu.memory_space<vmem>>
      %dma_start3A_490 = tpu.memref_squeeze %dma_start3A_489 : memref<1x5x1024xf32, #tpu.memory_space<vmem>> -> memref<5x1024xf32, #tpu.memory_space<vmem>>
      %dma_start3A_491 = tpu.memref_slice %arg4[%mul3A_454, %add3A_460] : memref<200x131072xf32, #tpu.memory_space<hbm>> -> memref<5x1024xf32, #tpu.memory_space<hbm>>
      %dma_start3A_492 = tpu.memref_slice %arg9[%dma_start3A_486] : memref<2x!tpu.dma_semaphore, #tpu.memory_space<semaphore_mem>> -> memref<1x!tpu.dma_semaphore, #tpu.memory_space<semaphore_mem>>
      %dma_start3A_493 = tpu.memref_squeeze %dma_start3A_492 : memref<1x!tpu.dma_semaphore, #tpu.memory_space<semaphore_mem>> -> memref<!tpu.dma_semaphore, #tpu.memory_space<semaphore_mem>>
      %dma_start3A_494 = tpu.memref_slice %arg4[%mul3A_454, %add3A_460] : memref<200x131072xf32, #tpu.memory_space<hbm>> -> memref<5x1024xf32, #tpu.memory_space<hbm>>
      %dma_start3A_495 = arith.constant 0 : i32
      %dma_start3A_496 = arith.constant 0 : i32
      %dma_start3A_497 = tpu.memref_slice %arg7[%dma_start3A_485, %dma_start3A_495, %dma_start3A_496] : memref<2x5x4096xf32, #tpu.memory_space<vmem>> -> memref<1x5x1024xf32, #tpu.memory_space<vmem>>
      %dma_start3A_498 = tpu.memref_squeeze %dma_start3A_497 : memref<1x5x1024xf32, #tpu.memory_space<vmem>> -> memref<5x1024xf32, #tpu.memory_space<vmem>>
      tpu.enqueue_dma source(%dma_start3A_498 : memref<5x1024xf32, #tpu.memory_space<vmem>>) target(%dma_start3A_494 : memref<5x1024xf32, #tpu.memory_space<hbm>>) target_semaphore(%dma_start3A_493 : memref<!tpu.dma_semaphore, #tpu.memory_space<semaphore_mem>>)
      %dma_start3A_499 = arith.constant 1 : i32
      %dma_start3A_500 = arith.constant 1 : i32
      %dma_start3A_501 = arith.constant 0 : i32
      %dma_start3A_502 = arith.constant 1024 : i32
      %dma_start3A_503 = tpu.memref_slice %arg7[%dma_start3A_499, %dma_start3A_501, %dma_start3A_502] : memref<2x5x4096xf32, #tpu.memory_space<vmem>> -> memref<1x5x1024xf32, #tpu.memory_space<vmem>>
      %dma_start3A_504 = tpu.memref_squeeze %dma_start3A_503 : memref<1x5x1024xf32, #tpu.memory_space<vmem>> -> memref<5x1024xf32, #tpu.memory_space<vmem>>
      %dma_start3A_505 = tpu.memref_slice %arg4[%mul3A_462, %add3A_468] : memref<200x131072xf32, #tpu.memory_space<hbm>> -> memref<5x1024xf32, #tpu.memory_space<hbm>>
      %dma_start3A_506 = tpu.memref_slice %arg9[%dma_start3A_500] : memref<2x!tpu.dma_semaphore, #tpu.memory_space<semaphore_mem>> -> memref<1x!tpu.dma_semaphore, #tpu.memory_space<semaphore_mem>>
      %dma_start3A_507 = tpu.memref_squeeze %dma_start3A_506 : memref<1x!tpu.dma_semaphore, #tpu.memory_space<semaphore_mem>> -> memref<!tpu.dma_semaphore, #tpu.memory_space<semaphore_mem>>
      %dma_start3A_508 = tpu.memref_slice %arg4[%mul3A_462, %add3A_468] : memref<200x131072xf32, #tpu.memory_space<hbm>> -> memref<5x1024xf32, #tpu.memory_space<hbm>>
      %dma_start3A_509 = arith.constant 0 : i32
      %dma_start3A_510 = arith.constant 1024 : i32
      %dma_start3A_511 = tpu.memref_slice %arg7[%dma_start3A_499, %dma_start3A_509, %dma_start3A_510] : memref<2x5x4096xf32, #tpu.memory_space<vmem>> -> memref<1x5x1024xf32, #tpu.memory_space<vmem>>
      %dma_start3A_512 = tpu.memref_squeeze %dma_start3A_511 : memref<1x5x1024xf32, #tpu.memory_space<vmem>> -> memref<5x1024xf32, #tpu.memory_space<vmem>>
      tpu.enqueue_dma source(%dma_start3A_512 : memref<5x1024xf32, #tpu.memory_space<vmem>>) target(%dma_start3A_508 : memref<5x1024xf32, #tpu.memory_space<hbm>>) target_semaphore(%dma_start3A_507 : memref<!tpu.dma_semaphore, #tpu.memory_space<semaphore_mem>>)
      %dma_start3A_513 = arith.constant 1 : i32
      %dma_start3A_514 = arith.constant 1 : i32
      %dma_start3A_515 = arith.constant 0 : i32
      %dma_start3A_516 = arith.constant 2048 : i32
      %dma_start3A_517 = tpu.memref_slice %arg7[%dma_start3A_513, %dma_start3A_515, %dma_start3A_516] : memref<2x5x4096xf32, #tpu.memory_space<vmem>> -> memref<1x5x1024xf32, #tpu.memory_space<vmem>>
      %dma_start3A_518 = tpu.memref_squeeze %dma_start3A_517 : memref<1x5x1024xf32, #tpu.memory_space<vmem>> -> memref<5x1024xf32, #tpu.memory_space<vmem>>
      %dma_start3A_519 = tpu.memref_slice %arg4[%mul3A_470, %add3A_476] : memref<200x131072xf32, #tpu.memory_space<hbm>> -> memref<5x1024xf32, #tpu.memory_space<hbm>>
      %dma_start3A_520 = tpu.memref_slice %arg9[%dma_start3A_514] : memref<2x!tpu.dma_semaphore, #tpu.memory_space<semaphore_mem>> -> memref<1x!tpu.dma_semaphore, #tpu.memory_space<semaphore_mem>>
      %dma_start3A_521 = tpu.memref_squeeze %dma_start3A_520 : memref<1x!tpu.dma_semaphore, #tpu.memory_space<semaphore_mem>> -> memref<!tpu.dma_semaphore, #tpu.memory_space<semaphore_mem>>
      %dma_start3A_522 = tpu.memref_slice %arg4[%mul3A_470, %add3A_476] : memref<200x131072xf32, #tpu.memory_space<hbm>> -> memref<5x1024xf32, #tpu.memory_space<hbm>>
      %dma_start3A_523 = arith.constant 0 : i32
      %dma_start3A_524 = arith.constant 2048 : i32
      %dma_start3A_525 = tpu.memref_slice %arg7[%dma_start3A_513, %dma_start3A_523, %dma_start3A_524] : memref<2x5x4096xf32, #tpu.memory_space<vmem>> -> memref<1x5x1024xf32, #tpu.memory_space<vmem>>
      %dma_start3A_526 = tpu.memref_squeeze %dma_start3A_525 : memref<1x5x1024xf32, #tpu.memory_space<vmem>> -> memref<5x1024xf32, #tpu.memory_space<vmem>>
      tpu.enqueue_dma source(%dma_start3A_526 : memref<5x1024xf32, #tpu.memory_space<vmem>>) target(%dma_start3A_522 : memref<5x1024xf32, #tpu.memory_space<hbm>>) target_semaphore(%dma_start3A_521 : memref<!tpu.dma_semaphore, #tpu.memory_space<semaphore_mem>>)
      %dma_start3A_527 = arith.constant 1 : i32
      %dma_start3A_528 = arith.constant 1 : i32
      %dma_start3A_529 = arith.constant 0 : i32
      %dma_start3A_530 = arith.constant 3072 : i32
      %dma_start3A_531 = tpu.memref_slice %arg7[%dma_start3A_527, %dma_start3A_529, %dma_start3A_530] : memref<2x5x4096xf32, #tpu.memory_space<vmem>> -> memref<1x5x1024xf32, #tpu.memory_space<vmem>>
      %dma_start3A_532 = tpu.memref_squeeze %dma_start3A_531 : memref<1x5x1024xf32, #tpu.memory_space<vmem>> -> memref<5x1024xf32, #tpu.memory_space<vmem>>
      %dma_start3A_533 = tpu.memref_slice %arg4[%mul3A_478, %add3A_484] : memref<200x131072xf32, #tpu.memory_space<hbm>> -> memref<5x1024xf32, #tpu.memory_space<hbm>>
      %dma_start3A_534 = tpu.memref_slice %arg9[%dma_start3A_528] : memref<2x!tpu.dma_semaphore, #tpu.memory_space<semaphore_mem>> -> memref<1x!tpu.dma_semaphore, #tpu.memory_space<semaphore_mem>>
      %dma_start3A_535 = tpu.memref_squeeze %dma_start3A_534 : memref<1x!tpu.dma_semaphore, #tpu.memory_space<semaphore_mem>> -> memref<!tpu.dma_semaphore, #tpu.memory_space<semaphore_mem>>
      %dma_start3A_536 = tpu.memref_slice %arg4[%mul3A_478, %add3A_484] : memref<200x131072xf32, #tpu.memory_space<hbm>> -> memref<5x1024xf32, #tpu.memory_space<hbm>>
      %dma_start3A_537 = arith.constant 0 : i32
      %dma_start3A_538 = arith.constant 3072 : i32
      %dma_start3A_539 = tpu.memref_slice %arg7[%dma_start3A_527, %dma_start3A_537, %dma_start3A_538] : memref<2x5x4096xf32, #tpu.memory_space<vmem>> -> memref<1x5x1024xf32, #tpu.memory_space<vmem>>
      %dma_start3A_540 = tpu.memref_squeeze %dma_start3A_539 : memref<1x5x1024xf32, #tpu.memory_space<vmem>> -> memref<5x1024xf32, #tpu.memory_space<vmem>>
      tpu.enqueue_dma source(%dma_start3A_540 : memref<5x1024xf32, #tpu.memory_space<vmem>>) target(%dma_start3A_536 : memref<5x1024xf32, #tpu.memory_space<hbm>>) target_semaphore(%dma_start3A_535 : memref<!tpu.dma_semaphore, #tpu.memory_space<semaphore_mem>>)
    }
    %scan3A_86 = arith.constant 20 : i32
    %mul3A_87 = arith.constant 8 : i32
    %mul3A_88 = arith.muli %add3A, %mul3A_87 : i32
    %mul3A_89 = arith.constant 128 : i32
    %mul3A_90 = arith.muli %mul3A_88, %mul3A_89 : i32
    %add3A_91 = arith.constant 0 : i32
    %add3A_92 = arith.addi %add3A_91, %mul3A_90 : i32
    %mul3A_93 = arith.constant 8 : i32
    %mul3A_94 = arith.muli %add3A, %mul3A_93 : i32
    %mul3A_95 = arith.constant 128 : i32
    %mul3A_96 = arith.muli %mul3A_94, %mul3A_95 : i32
    %add3A_97 = arith.constant 32768 : i32
    %add3A_98 = arith.addi %add3A_97, %mul3A_96 : i32
    %mul3A_99 = arith.constant 8 : i32
    %mul3A_100 = arith.muli %add3A, %mul3A_99 : i32
    %mul3A_101 = arith.constant 128 : i32
    %mul3A_102 = arith.muli %mul3A_100, %mul3A_101 : i32
    %add3A_103 = arith.constant 65536 : i32
    %add3A_104 = arith.addi %add3A_103, %mul3A_102 : i32
    %mul3A_105 = arith.constant 8 : i32
    %mul3A_106 = arith.muli %add3A, %mul3A_105 : i32
    %mul3A_107 = arith.constant 128 : i32
    %mul3A_108 = arith.muli %mul3A_106, %mul3A_107 : i32
    %add3A_109 = arith.constant 98304 : i32
    %add3A_110 = arith.addi %add3A_109, %mul3A_108 : i32
    %dma_wait3A = arith.constant 0 : i32
    %dma_wait3A_111 = arith.constant 0 : i32
    %dma_wait3A_112 = arith.constant 0 : i32
    %dma_wait3A_113 = arith.constant 0 : i32
    %dma_wait3A_114 = tpu.memref_slice %arg7[%dma_wait3A, %dma_wait3A_112, %dma_wait3A_113] : memref<2x5x4096xf32, #tpu.memory_space<vmem>> -> memref<1x5x1024xf32, #tpu.memory_space<vmem>>
    %dma_wait3A_115 = tpu.memref_squeeze %dma_wait3A_114 : memref<1x5x1024xf32, #tpu.memory_space<vmem>> -> memref<5x1024xf32, #tpu.memory_space<vmem>>
    %dma_wait3A_116 = arith.constant 190 : i32
    %dma_wait3A_117 = tpu.memref_slice %arg4[%dma_wait3A_116, %add3A_92] : memref<200x131072xf32, #tpu.memory_space<hbm>> -> memref<5x1024xf32, #tpu.memory_space<hbm>>
    %dma_wait3A_118 = tpu.memref_slice %arg9[%dma_wait3A_111] : memref<2x!tpu.dma_semaphore, #tpu.memory_space<semaphore_mem>> -> memref<1x!tpu.dma_semaphore, #tpu.memory_space<semaphore_mem>>
    %dma_wait3A_119 = tpu.memref_squeeze %dma_wait3A_118 : memref<1x!tpu.dma_semaphore, #tpu.memory_space<semaphore_mem>> -> memref<!tpu.dma_semaphore, #tpu.memory_space<semaphore_mem>>
    %dma_wait3A_120 = arith.constant 190 : i32
    %dma_wait3A_121 = tpu.memref_slice %arg4[%dma_wait3A_120, %add3A_92] : memref<200x131072xf32, #tpu.memory_space<hbm>> -> memref<5x1024xf32, #tpu.memory_space<hbm>>
    %dma_wait3A_122 = arith.constant 0 : i32
    %dma_wait3A_123 = arith.constant 0 : i32
    %dma_wait3A_124 = tpu.memref_slice %arg7[%dma_wait3A, %dma_wait3A_122, %dma_wait3A_123] : memref<2x5x4096xf32, #tpu.memory_space<vmem>> -> memref<1x5x1024xf32, #tpu.memory_space<vmem>>
    %dma_wait3A_125 = tpu.memref_squeeze %dma_wait3A_124 : memref<1x5x1024xf32, #tpu.memory_space<vmem>> -> memref<5x1024xf32, #tpu.memory_space<vmem>>
    tpu.wait_dma2 semaphore(%dma_wait3A_119 : memref<!tpu.dma_semaphore, #tpu.memory_space<semaphore_mem>>) src(%dma_wait3A_125 : memref<5x1024xf32, #tpu.memory_space<vmem>>) dst(%dma_wait3A_121 : memref<5x1024xf32, #tpu.memory_space<hbm>>)
    %dma_wait3A_126 = arith.constant 0 : i32
    %dma_wait3A_127 = arith.constant 0 : i32
    %dma_wait3A_128 = arith.constant 0 : i32
    %dma_wait3A_129 = arith.constant 1024 : i32
    %dma_wait3A_130 = tpu.memref_slice %arg7[%dma_wait3A_126, %dma_wait3A_128, %dma_wait3A_129] : memref<2x5x4096xf32, #tpu.memory_space<vmem>> -> memref<1x5x1024xf32, #tpu.memory_space<vmem>>
    %dma_wait3A_131 = tpu.memref_squeeze %dma_wait3A_130 : memref<1x5x1024xf32, #tpu.memory_space<vmem>> -> memref<5x1024xf32, #tpu.memory_space<vmem>>
    %dma_wait3A_132 = arith.constant 190 : i32
    %dma_wait3A_133 = tpu.memref_slice %arg4[%dma_wait3A_132, %add3A_98] : memref<200x131072xf32, #tpu.memory_space<hbm>> -> memref<5x1024xf32, #tpu.memory_space<hbm>>
    %dma_wait3A_134 = tpu.memref_slice %arg9[%dma_wait3A_127] : memref<2x!tpu.dma_semaphore, #tpu.memory_space<semaphore_mem>> -> memref<1x!tpu.dma_semaphore, #tpu.memory_space<semaphore_mem>>
    %dma_wait3A_135 = tpu.memref_squeeze %dma_wait3A_134 : memref<1x!tpu.dma_semaphore, #tpu.memory_space<semaphore_mem>> -> memref<!tpu.dma_semaphore, #tpu.memory_space<semaphore_mem>>
    %dma_wait3A_136 = arith.constant 190 : i32
    %dma_wait3A_137 = tpu.memref_slice %arg4[%dma_wait3A_136, %add3A_98] : memref<200x131072xf32, #tpu.memory_space<hbm>> -> memref<5x1024xf32, #tpu.memory_space<hbm>>
    %dma_wait3A_138 = arith.constant 0 : i32
    %dma_wait3A_139 = arith.constant 1024 : i32
    %dma_wait3A_140 = tpu.memref_slice %arg7[%dma_wait3A_126, %dma_wait3A_138, %dma_wait3A_139] : memref<2x5x4096xf32, #tpu.memory_space<vmem>> -> memref<1x5x1024xf32, #tpu.memory_space<vmem>>
    %dma_wait3A_141 = tpu.memref_squeeze %dma_wait3A_140 : memref<1x5x1024xf32, #tpu.memory_space<vmem>> -> memref<5x1024xf32, #tpu.memory_space<vmem>>
    tpu.wait_dma2 semaphore(%dma_wait3A_135 : memref<!tpu.dma_semaphore, #tpu.memory_space<semaphore_mem>>) src(%dma_wait3A_141 : memref<5x1024xf32, #tpu.memory_space<vmem>>) dst(%dma_wait3A_137 : memref<5x1024xf32, #tpu.memory_space<hbm>>)
    %dma_wait3A_142 = arith.constant 0 : i32
    %dma_wait3A_143 = arith.constant 0 : i32
    %dma_wait3A_144 = arith.constant 0 : i32
    %dma_wait3A_145 = arith.constant 2048 : i32
    %dma_wait3A_146 = tpu.memref_slice %arg7[%dma_wait3A_142, %dma_wait3A_144, %dma_wait3A_145] : memref<2x5x4096xf32, #tpu.memory_space<vmem>> -> memref<1x5x1024xf32, #tpu.memory_space<vmem>>
    %dma_wait3A_147 = tpu.memref_squeeze %dma_wait3A_146 : memref<1x5x1024xf32, #tpu.memory_space<vmem>> -> memref<5x1024xf32, #tpu.memory_space<vmem>>
    %dma_wait3A_148 = arith.constant 190 : i32
    %dma_wait3A_149 = tpu.memref_slice %arg4[%dma_wait3A_148, %add3A_104] : memref<200x131072xf32, #tpu.memory_space<hbm>> -> memref<5x1024xf32, #tpu.memory_space<hbm>>
    %dma_wait3A_150 = tpu.memref_slice %arg9[%dma_wait3A_143] : memref<2x!tpu.dma_semaphore, #tpu.memory_space<semaphore_mem>> -> memref<1x!tpu.dma_semaphore, #tpu.memory_space<semaphore_mem>>
    %dma_wait3A_151 = tpu.memref_squeeze %dma_wait3A_150 : memref<1x!tpu.dma_semaphore, #tpu.memory_space<semaphore_mem>> -> memref<!tpu.dma_semaphore, #tpu.memory_space<semaphore_mem>>
    %dma_wait3A_152 = arith.constant 190 : i32
    %dma_wait3A_153 = tpu.memref_slice %arg4[%dma_wait3A_152, %add3A_104] : memref<200x131072xf32, #tpu.memory_space<hbm>> -> memref<5x1024xf32, #tpu.memory_space<hbm>>
    %dma_wait3A_154 = arith.constant 0 : i32
    %dma_wait3A_155 = arith.constant 2048 : i32
    %dma_wait3A_156 = tpu.memref_slice %arg7[%dma_wait3A_142, %dma_wait3A_154, %dma_wait3A_155] : memref<2x5x4096xf32, #tpu.memory_space<vmem>> -> memref<1x5x1024xf32, #tpu.memory_space<vmem>>
    %dma_wait3A_157 = tpu.memref_squeeze %dma_wait3A_156 : memref<1x5x1024xf32, #tpu.memory_space<vmem>> -> memref<5x1024xf32, #tpu.memory_space<vmem>>
    tpu.wait_dma2 semaphore(%dma_wait3A_151 : memref<!tpu.dma_semaphore, #tpu.memory_space<semaphore_mem>>) src(%dma_wait3A_157 : memref<5x1024xf32, #tpu.memory_space<vmem>>) dst(%dma_wait3A_153 : memref<5x1024xf32, #tpu.memory_space<hbm>>)
    %dma_wait3A_158 = arith.constant 0 : i32
    %dma_wait3A_159 = arith.constant 0 : i32
    %dma_wait3A_160 = arith.constant 0 : i32
    %dma_wait3A_161 = arith.constant 3072 : i32
    %dma_wait3A_162 = tpu.memref_slice %arg7[%dma_wait3A_158, %dma_wait3A_160, %dma_wait3A_161] : memref<2x5x4096xf32, #tpu.memory_space<vmem>> -> memref<1x5x1024xf32, #tpu.memory_space<vmem>>
    %dma_wait3A_163 = tpu.memref_squeeze %dma_wait3A_162 : memref<1x5x1024xf32, #tpu.memory_space<vmem>> -> memref<5x1024xf32, #tpu.memory_space<vmem>>
    %dma_wait3A_164 = arith.constant 190 : i32
    %dma_wait3A_165 = tpu.memref_slice %arg4[%dma_wait3A_164, %add3A_110] : memref<200x131072xf32, #tpu.memory_space<hbm>> -> memref<5x1024xf32, #tpu.memory_space<hbm>>
    %dma_wait3A_166 = tpu.memref_slice %arg9[%dma_wait3A_159] : memref<2x!tpu.dma_semaphore, #tpu.memory_space<semaphore_mem>> -> memref<1x!tpu.dma_semaphore, #tpu.memory_space<semaphore_mem>>
    %dma_wait3A_167 = tpu.memref_squeeze %dma_wait3A_166 : memref<1x!tpu.dma_semaphore, #tpu.memory_space<semaphore_mem>> -> memref<!tpu.dma_semaphore, #tpu.memory_space<semaphore_mem>>
    %dma_wait3A_168 = arith.constant 190 : i32
    %dma_wait3A_169 = tpu.memref_slice %arg4[%dma_wait3A_168, %add3A_110] : memref<200x131072xf32, #tpu.memory_space<hbm>> -> memref<5x1024xf32, #tpu.memory_space<hbm>>
    %dma_wait3A_170 = arith.constant 0 : i32
    %dma_wait3A_171 = arith.constant 3072 : i32
    %dma_wait3A_172 = tpu.memref_slice %arg7[%dma_wait3A_158, %dma_wait3A_170, %dma_wait3A_171] : memref<2x5x4096xf32, #tpu.memory_space<vmem>> -> memref<1x5x1024xf32, #tpu.memory_space<vmem>>
    %dma_wait3A_173 = tpu.memref_squeeze %dma_wait3A_172 : memref<1x5x1024xf32, #tpu.memory_space<vmem>> -> memref<5x1024xf32, #tpu.memory_space<vmem>>
    tpu.wait_dma2 semaphore(%dma_wait3A_167 : memref<!tpu.dma_semaphore, #tpu.memory_space<semaphore_mem>>) src(%dma_wait3A_173 : memref<5x1024xf32, #tpu.memory_space<vmem>>) dst(%dma_wait3A_169 : memref<5x1024xf32, #tpu.memory_space<hbm>>)
    %mul3A_174 = arith.constant 8 : i32
    %mul3A_175 = arith.muli %add3A, %mul3A_174 : i32
    %mul3A_176 = arith.constant 128 : i32
    %mul3A_177 = arith.muli %mul3A_175, %mul3A_176 : i32
    %add3A_178 = arith.constant 0 : i32
    %add3A_179 = arith.addi %add3A_178, %mul3A_177 : i32
    %mul3A_180 = arith.constant 8 : i32
    %mul3A_181 = arith.muli %add3A, %mul3A_180 : i32
    %mul3A_182 = arith.constant 128 : i32
    %mul3A_183 = arith.muli %mul3A_181, %mul3A_182 : i32
    %add3A_184 = arith.constant 32768 : i32
    %add3A_185 = arith.addi %add3A_184, %mul3A_183 : i32
    %mul3A_186 = arith.constant 8 : i32
    %mul3A_187 = arith.muli %add3A, %mul3A_186 : i32
    %mul3A_188 = arith.constant 128 : i32
    %mul3A_189 = arith.muli %mul3A_187, %mul3A_188 : i32
    %add3A_190 = arith.constant 65536 : i32
    %add3A_191 = arith.addi %add3A_190, %mul3A_189 : i32
    %mul3A_192 = arith.constant 8 : i32
    %mul3A_193 = arith.muli %add3A, %mul3A_192 : i32
    %mul3A_194 = arith.constant 128 : i32
    %mul3A_195 = arith.muli %mul3A_193, %mul3A_194 : i32
    %add3A_196 = arith.constant 98304 : i32
    %add3A_197 = arith.addi %add3A_196, %mul3A_195 : i32
    %dma_wait3A_198 = arith.constant 1 : i32
    %dma_wait3A_199 = arith.constant 1 : i32
    %dma_wait3A_200 = arith.constant 0 : i32
    %dma_wait3A_201 = arith.constant 0 : i32
    %dma_wait3A_202 = tpu.memref_slice %arg7[%dma_wait3A_198, %dma_wait3A_200, %dma_wait3A_201] : memref<2x5x4096xf32, #tpu.memory_space<vmem>> -> memref<1x5x1024xf32, #tpu.memory_space<vmem>>
    %dma_wait3A_203 = tpu.memref_squeeze %dma_wait3A_202 : memref<1x5x1024xf32, #tpu.memory_space<vmem>> -> memref<5x1024xf32, #tpu.memory_space<vmem>>
    %dma_wait3A_204 = arith.constant 195 : i32
    %dma_wait3A_205 = tpu.memref_slice %arg4[%dma_wait3A_204, %add3A_179] : memref<200x131072xf32, #tpu.memory_space<hbm>> -> memref<5x1024xf32, #tpu.memory_space<hbm>>
    %dma_wait3A_206 = tpu.memref_slice %arg9[%dma_wait3A_199] : memref<2x!tpu.dma_semaphore, #tpu.memory_space<semaphore_mem>> -> memref<1x!tpu.dma_semaphore, #tpu.memory_space<semaphore_mem>>
    %dma_wait3A_207 = tpu.memref_squeeze %dma_wait3A_206 : memref<1x!tpu.dma_semaphore, #tpu.memory_space<semaphore_mem>> -> memref<!tpu.dma_semaphore, #tpu.memory_space<semaphore_mem>>
    %dma_wait3A_208 = arith.constant 195 : i32
    %dma_wait3A_209 = tpu.memref_slice %arg4[%dma_wait3A_208, %add3A_179] : memref<200x131072xf32, #tpu.memory_space<hbm>> -> memref<5x1024xf32, #tpu.memory_space<hbm>>
    %dma_wait3A_210 = arith.constant 0 : i32
    %dma_wait3A_211 = arith.constant 0 : i32
    %dma_wait3A_212 = tpu.memref_slice %arg7[%dma_wait3A_198, %dma_wait3A_210, %dma_wait3A_211] : memref<2x5x4096xf32, #tpu.memory_space<vmem>> -> memref<1x5x1024xf32, #tpu.memory_space<vmem>>
    %dma_wait3A_213 = tpu.memref_squeeze %dma_wait3A_212 : memref<1x5x1024xf32, #tpu.memory_space<vmem>> -> memref<5x1024xf32, #tpu.memory_space<vmem>>
    tpu.wait_dma2 semaphore(%dma_wait3A_207 : memref<!tpu.dma_semaphore, #tpu.memory_space<semaphore_mem>>) src(%dma_wait3A_213 : memref<5x1024xf32, #tpu.memory_space<vmem>>) dst(%dma_wait3A_209 : memref<5x1024xf32, #tpu.memory_space<hbm>>)
    %dma_wait3A_214 = arith.constant 1 : i32
    %dma_wait3A_215 = arith.constant 1 : i32
    %dma_wait3A_216 = arith.constant 0 : i32
    %dma_wait3A_217 = arith.constant 1024 : i32
    %dma_wait3A_218 = tpu.memref_slice %arg7[%dma_wait3A_214, %dma_wait3A_216, %dma_wait3A_217] : memref<2x5x4096xf32, #tpu.memory_space<vmem>> -> memref<1x5x1024xf32, #tpu.memory_space<vmem>>
    %dma_wait3A_219 = tpu.memref_squeeze %dma_wait3A_218 : memref<1x5x1024xf32, #tpu.memory_space<vmem>> -> memref<5x1024xf32, #tpu.memory_space<vmem>>
    %dma_wait3A_220 = arith.constant 195 : i32
    %dma_wait3A_221 = tpu.memref_slice %arg4[%dma_wait3A_220, %add3A_185] : memref<200x131072xf32, #tpu.memory_space<hbm>> -> memref<5x1024xf32, #tpu.memory_space<hbm>>
    %dma_wait3A_222 = tpu.memref_slice %arg9[%dma_wait3A_215] : memref<2x!tpu.dma_semaphore, #tpu.memory_space<semaphore_mem>> -> memref<1x!tpu.dma_semaphore, #tpu.memory_space<semaphore_mem>>
    %dma_wait3A_223 = tpu.memref_squeeze %dma_wait3A_222 : memref<1x!tpu.dma_semaphore, #tpu.memory_space<semaphore_mem>> -> memref<!tpu.dma_semaphore, #tpu.memory_space<semaphore_mem>>
    %dma_wait3A_224 = arith.constant 195 : i32
    %dma_wait3A_225 = tpu.memref_slice %arg4[%dma_wait3A_224, %add3A_185] : memref<200x131072xf32, #tpu.memory_space<hbm>> -> memref<5x1024xf32, #tpu.memory_space<hbm>>
    %dma_wait3A_226 = arith.constant 0 : i32
    %dma_wait3A_227 = arith.constant 1024 : i32
    %dma_wait3A_228 = tpu.memref_slice %arg7[%dma_wait3A_214, %dma_wait3A_226, %dma_wait3A_227] : memref<2x5x4096xf32, #tpu.memory_space<vmem>> -> memref<1x5x1024xf32, #tpu.memory_space<vmem>>
    %dma_wait3A_229 = tpu.memref_squeeze %dma_wait3A_228 : memref<1x5x1024xf32, #tpu.memory_space<vmem>> -> memref<5x1024xf32, #tpu.memory_space<vmem>>
    tpu.wait_dma2 semaphore(%dma_wait3A_223 : memref<!tpu.dma_semaphore, #tpu.memory_space<semaphore_mem>>) src(%dma_wait3A_229 : memref<5x1024xf32, #tpu.memory_space<vmem>>) dst(%dma_wait3A_225 : memref<5x1024xf32, #tpu.memory_space<hbm>>)
    %dma_wait3A_230 = arith.constant 1 : i32
    %dma_wait3A_231 = arith.constant 1 : i32
    %dma_wait3A_232 = arith.constant 0 : i32
    %dma_wait3A_233 = arith.constant 2048 : i32
    %dma_wait3A_234 = tpu.memref_slice %arg7[%dma_wait3A_230, %dma_wait3A_232, %dma_wait3A_233] : memref<2x5x4096xf32, #tpu.memory_space<vmem>> -> memref<1x5x1024xf32, #tpu.memory_space<vmem>>
    %dma_wait3A_235 = tpu.memref_squeeze %dma_wait3A_234 : memref<1x5x1024xf32, #tpu.memory_space<vmem>> -> memref<5x1024xf32, #tpu.memory_space<vmem>>
    %dma_wait3A_236 = arith.constant 195 : i32
    %dma_wait3A_237 = tpu.memref_slice %arg4[%dma_wait3A_236, %add3A_191] : memref<200x131072xf32, #tpu.memory_space<hbm>> -> memref<5x1024xf32, #tpu.memory_space<hbm>>
    %dma_wait3A_238 = tpu.memref_slice %arg9[%dma_wait3A_231] : memref<2x!tpu.dma_semaphore, #tpu.memory_space<semaphore_mem>> -> memref<1x!tpu.dma_semaphore, #tpu.memory_space<semaphore_mem>>
    %dma_wait3A_239 = tpu.memref_squeeze %dma_wait3A_238 : memref<1x!tpu.dma_semaphore, #tpu.memory_space<semaphore_mem>> -> memref<!tpu.dma_semaphore, #tpu.memory_space<semaphore_mem>>
    %dma_wait3A_240 = arith.constant 195 : i32
    %dma_wait3A_241 = tpu.memref_slice %arg4[%dma_wait3A_240, %add3A_191] : memref<200x131072xf32, #tpu.memory_space<hbm>> -> memref<5x1024xf32, #tpu.memory_space<hbm>>
    %dma_wait3A_242 = arith.constant 0 : i32
    %dma_wait3A_243 = arith.constant 2048 : i32
    %dma_wait3A_244 = tpu.memref_slice %arg7[%dma_wait3A_230, %dma_wait3A_242, %dma_wait3A_243] : memref<2x5x4096xf32, #tpu.memory_space<vmem>> -> memref<1x5x1024xf32, #tpu.memory_space<vmem>>
    %dma_wait3A_245 = tpu.memref_squeeze %dma_wait3A_244 : memref<1x5x1024xf32, #tpu.memory_space<vmem>> -> memref<5x1024xf32, #tpu.memory_space<vmem>>
    tpu.wait_dma2 semaphore(%dma_wait3A_239 : memref<!tpu.dma_semaphore, #tpu.memory_space<semaphore_mem>>) src(%dma_wait3A_245 : memref<5x1024xf32, #tpu.memory_space<vmem>>) dst(%dma_wait3A_241 : memref<5x1024xf32, #tpu.memory_space<hbm>>)
    %dma_wait3A_246 = arith.constant 1 : i32
    %dma_wait3A_247 = arith.constant 1 : i32
    %dma_wait3A_248 = arith.constant 0 : i32
    %dma_wait3A_249 = arith.constant 3072 : i32
    %dma_wait3A_250 = tpu.memref_slice %arg7[%dma_wait3A_246, %dma_wait3A_248, %dma_wait3A_249] : memref<2x5x4096xf32, #tpu.memory_space<vmem>> -> memref<1x5x1024xf32, #tpu.memory_space<vmem>>
    %dma_wait3A_251 = tpu.memref_squeeze %dma_wait3A_250 : memref<1x5x1024xf32, #tpu.memory_space<vmem>> -> memref<5x1024xf32, #tpu.memory_space<vmem>>
    %dma_wait3A_252 = arith.constant 195 : i32
    %dma_wait3A_253 = tpu.memref_slice %arg4[%dma_wait3A_252, %add3A_197] : memref<200x131072xf32, #tpu.memory_space<hbm>> -> memref<5x1024xf32, #tpu.memory_space<hbm>>
    %dma_wait3A_254 = tpu.memref_slice %arg9[%dma_wait3A_247] : memref<2x!tpu.dma_semaphore, #tpu.memory_space<semaphore_mem>> -> memref<1x!tpu.dma_semaphore, #tpu.memory_space<semaphore_mem>>
    %dma_wait3A_255 = tpu.memref_squeeze %dma_wait3A_254 : memref<1x!tpu.dma_semaphore, #tpu.memory_space<semaphore_mem>> -> memref<!tpu.dma_semaphore, #tpu.memory_space<semaphore_mem>>
    %dma_wait3A_256 = arith.constant 195 : i32
    %dma_wait3A_257 = tpu.memref_slice %arg4[%dma_wait3A_256, %add3A_197] : memref<200x131072xf32, #tpu.memory_space<hbm>> -> memref<5x1024xf32, #tpu.memory_space<hbm>>
    %dma_wait3A_258 = arith.constant 0 : i32
    %dma_wait3A_259 = arith.constant 3072 : i32
    %dma_wait3A_260 = tpu.memref_slice %arg7[%dma_wait3A_246, %dma_wait3A_258, %dma_wait3A_259] : memref<2x5x4096xf32, #tpu.memory_space<vmem>> -> memref<1x5x1024xf32, #tpu.memory_space<vmem>>
    %dma_wait3A_261 = tpu.memref_squeeze %dma_wait3A_260 : memref<1x5x1024xf32, #tpu.memory_space<vmem>> -> memref<5x1024xf32, #tpu.memory_space<vmem>>
    tpu.wait_dma2 semaphore(%dma_wait3A_255 : memref<!tpu.dma_semaphore, #tpu.memory_space<semaphore_mem>>) src(%dma_wait3A_261 : memref<5x1024xf32, #tpu.memory_space<vmem>>) dst(%dma_wait3A_257 : memref<5x1024xf32, #tpu.memory_space<hbm>>)
    return
  }
}

</mosaic_0001>

<sc_bundles>
// kernel: kernel.3.cloned.1.call-start
scs
__scs_entry_jumppad:
0x0: {  	(pc) =	sbr.rel $0x88, $3  }
0x1: {  	(tag) =	ssettag $0x0;
	lr =	simm.s32 $0x1  }
0x2: {  	[smem:$0x3F9F] =	sst lr;
	_ =	strace $0xD0000000  }
0x3: {  	_ = 	snop  }
0x4: {  	_ = 	snop  }
0x5: {  	_ = 	snop  }
0x6: {  	_ = 	snop  }
0x7: {  	_ = 	snop  }
__scs_overlays_trampoline_lowered:
0x8: {  	[smem:$0x3FAE] =	sst s0  }
0x9: {  	[smem:$0x3FAF] =	sst s1  }
0xa: {  	[smem:$0x3FB0] =	sst s2  }
0xb: {  	[smem:$0x3FB1] =	sst s3  }
0xc: {  	[smem:$0x3FB2] =	sst s4  }
0xd: {  	[smem:$0x3FB3] =	sst s5  }
0xe: {  	[smem:$0x3FB4] =	sst s6  }
0xf: {  	[smem:$0x3FB5] =	sst s7  }
0x10: {  	[smem:$0x3FB6] =	sst s8  }
0x11: {  	[smem:$0x3FB7] =	sst s9;
	s0 =	simm.s32 @!p0 $0x0  }
0x12: {  	s1 =	sld [smem:$0x3F9D];
	s0 =	simm.s32 @p0 $0x1  }
0x13: {  	[smem:$0x3FB8] =	sst s0;
	s0 =	simm.s32 @!p1 $0x0  }
0x14: {  	s2 =	sld [smem:$0x3F9C];
	s0 =	simm.s32 @p1 $0x1  }
0x15: {  	[smem:$0x3FB9] =	sst s0;
	s0 =	simm.s32 @!p2 $0x0  }
0x16: {  	s3 =	sld [smem:$0x3FDB];
	s0 =	simm.s32 @p2 $0x1  }
0x17: {  	s4 =	simm.s32 $0x1BF5;
	[smem:$0x3FBB] =	sst s0  }
0x18: {  	s0 =	sld [smem:$0x3F9E];
	_ =	swait.ge [sflag:s4], $0x0  }
0x19: {  	s7 =	sld [smem:$0x3F9F]  }
0x1a: {  	s8 =	sadd.s32 $0xFFFFE003, lr  }
0x1b: {  	s9 =	sadd.s32 $0xFFFFFEF7, lr;
	s5 =	simm.s32 $0xFFFFFFFF;
	p2 =	slt.u32 s8, $0xFFFFF086  }
0x1c: {  	p1 =	slt.u32 s9, $0xF7A;
	s5 =	simm.s32 @!p2 $0x0  }
0x1d: {  	s5 =	simm.s32 @p1 $0x1;
	p0 =	seq.s32 s7, s2  }
0x1e: {  	s7 =	smul.u32 @!p0 $0xF7A, s2;
	p2 =	seq.s32 @!p0 s5, $0x0  }
0x1f: {  	s9 =	smul.u32 $0xF7A, s1;
	s8 =	simm.s32 @!p0 $0x1BF5;
	p2 =	por !p2, p0  }
0x20: {  	[sflag:s8] =	ssyncset.s32 @!p0 $0xFFFFF086;
	s6 =	sadd.s32 @!p0 s3, s7;
	s7 =	simm.s32 @!p0 $0x108  }
0x21: {  	s3 =	sadd.s32 s3, s9;
	s6 =	sadd.s32 @!p0 $0x88, s6;
	s7 =	simm.s32 @p2 $0x1082  }
0x22: {  	[simem:s7], [sflag:s8] =	dma.local @!p0 [hbm:s6], $0xF7A  }
0x23: {  	s9 =	sor.u32 $0xD0000000, s2;
	s6 =	simm.s32 $0x108;
	_ =	swait.ge @!p0 [sflag:s8], $0x0  }
0x24: {  	s3 =	sadd.s32 $0x88, s3;
	s6 =	simm.s32 @!p1 $0x1082;
	[sflag:s4] =	ssyncset.s32 $0xFFFFF086  }
0x25: {  	[simem:s6], [sflag:s4] =	dma.local [hbm:s3], $0xF7A  }
0x26: {  	[smem:$0x3F9F] =	sst s1;
	(tag) =	ssettag s2;
	_ =	strace s9  }
0x27: {  	s1 =	sld [smem:$0x3FAF]  }
0x28: {  	s2 =	sld [smem:$0x3FB0]  }
0x29: {  	s4 =	sld [smem:$0x3FB2]  }
0x2a: {  	p0 =	seq.s32 s5, $0x0;
	s5 =	sld [smem:$0x3FB3]  }
0x2b: {  	s6 =	sld [smem:$0x3FB4]  }
0x2c: {  	s7 =	sld [smem:$0x3FB5]  }
0x2d: {  	s3 =	simm.s32 $0x108;
	s8 =	sld [smem:$0x3FB6]  }
0x2e: {  	s3 =	simm.s32 @!p0 $0x1082;
	s9 =	sld [smem:$0x3FB7]  }
0x2f: {  	lr =	sadd.s32 s0, s3;
	s0 =	sld [smem:$0x3FAE]  }
0x30: {  	s3 =	sld [smem:$0x3FB1]  }
0x31: {  	[smem:$0x3FBA] =	sst s10  }
0x32: {  	s10 =	sld [smem:$0x3FB8];
	_ =	sdelay $0x3  }
0x33: {  	p0 =	seq.s32 s10, $0x1;
	s10 =	sld [smem:$0x3FBA];
	_ =	sdelay $0x3  }
0x34: {  	[smem:$0x3FBA] =	sst s10  }
0x35: {  	s10 =	sld [smem:$0x3FB9];
	_ =	sdelay $0x3  }
0x36: {  	p1 =	seq.s32 s10, $0x1;
	s10 =	sld [smem:$0x3FBA];
	_ =	sdelay $0x3  }
0x37: {  	[smem:$0x3FBA] =	sst s10  }
0x38: {  	s10 =	sld [smem:$0x3FBB]  }
0x39: {  	_ = 	snop;
	(pc) =	sbr.ind lr, $3  }
0x3a: {  	_ = 	snop  }
0x3b: {  	_ = 	snop  }
0x3c: {  	p2 =	seq.s32 s10, $0x1;
	s10 =	sld [smem:$0x3FBA]  }
0x3d: {  	_ =	shalt  }
0x3e: {  	_ =	shalt  }
0x3f: {  	_ =	shalt  }
0x40: {  	_ =	shalt  }
0x41: {  	_ =	shalt  }
0x42: {  	_ =	shalt  }
0x43: {  	_ =	shalt  }
0x44: {  	_ =	shalt  }
0x45: {  	_ =	shalt  }
0x46: {  	_ =	shalt  }
0x47: {  	_ =	shalt  }
0x48: {  	_ =	shalt  }
0x49: {  	_ =	shalt  }
0x4a: {  	_ =	shalt  }
0x4b: {  	_ =	shalt  }
0x4c: {  	_ =	shalt  }
0x4d: {  	_ =	shalt  }
0x4e: {  	_ =	shalt  }
0x4f: {  	_ =	shalt  }
0x50: {  	_ =	shalt  }
0x51: {  	_ =	shalt  }
0x52: {  	_ =	shalt  }
0x53: {  	_ =	shalt  }
0x54: {  	_ =	shalt  }
0x55: {  	_ =	shalt  }
0x56: {  	_ =	shalt  }
0x57: {  	_ =	shalt  }
0x58: {  	_ =	shalt  }
0x59: {  	_ =	shalt  }
0x5a: {  	_ =	shalt  }
0x5b: {  	_ =	shalt  }
0x5c: {  	_ =	shalt  }
0x5d: {  	_ =	shalt  }
0x5e: {  	_ =	shalt  }
0x5f: {  	_ =	shalt  }
0x60: {  	_ =	shalt  }
0x61: {  	_ =	shalt  }
0x62: {  	_ =	shalt  }
0x63: {  	_ =	shalt  }
0x64: {  	_ =	shalt  }
0x65: {  	_ =	shalt  }
0x66: {  	_ =	shalt  }
0x67: {  	_ =	shalt  }
0x68: {  	_ =	shalt  }
0x69: {  	_ =	shalt  }
0x6a: {  	_ =	shalt  }
0x6b: {  	_ =	shalt  }
0x6c: {  	_ =	shalt  }
0x6d: {  	_ =	shalt  }
0x6e: {  	_ =	shalt  }
0x6f: {  	_ =	shalt  }
0x70: {  	_ =	shalt  }
0x71: {  	_ =	shalt  }
0x72: {  	_ =	shalt  }
0x73: {  	_ =	shalt  }
0x74: {  	_ =	shalt  }
0x75: {  	_ =	shalt  }
0x76: {  	_ =	shalt  }
0x77: {  	_ =	shalt  }
0x78: {  	_ =	shalt  }
0x79: {  	_ =	shalt  }
0x7a: {  	_ =	shalt  }
0x7b: {  	_ =	shalt  }
0x7c: {  	_ =	shalt  }
0x7d: {  	_ =	shalt  }
0x7e: {  	_ =	shalt  }
0x7f: {  	_ =	shalt  }
0x80: {  	_ =	shalt  }
0x81: {  	_ =	shalt  }
0x82: {  	_ =	shalt  }
0x83: {  	_ =	shalt  }
0x84: {  	_ =	shalt  }
0x85: {  	_ =	shalt  }
0x86: {  	_ =	shalt  }
0x87: {  	_ =	shalt  }
.Lfunc_end0:
.L_simem_size_0:
called_computation_lowered:
.L_overlay_start_0:
0x88: {  	s2 =	sld [smem:$0x3FD9]  }
0x89: {  	s3 =	sld [smem:$0x3FFE];
	_ =	sdelay $0x1  }
0x8a: {  	s1 =	srdreg.scid  }
0x8b: {  	s0 =	sand.u32 $0x1, s1  }
0x8c: {  	s17 =	sshll.u32 s0, $0xA;
	s2 =	sadd.s32 s3, s2  }
0x8d: {  	s2 =	sadd.s32 s2, s17  }
0x8e: {  	[smem:$0x3FC6] =	sst s2  }
0x8f: {  	_ = 	snop  }
0x90: {  	s2 =	sld [smem:$0x3FD0];
	(tm) =	ssettm $0x1  }
0x91: {  	s18 =	sld [smem:$0x3FFB];
	_ =	sdelay $0x3  }
0x92: {  	_ =	strace s18  }
0x93: {  	s3 =	sld [smem:$0x3FFC];
	_ =	sdelay $0x3  }
0x94: {  	_ =	strace s3  }
0x95: {  	s3 =	sld [smem:$0x3FFD];
	_ =	sdelay $0x3  }
0x96: {  	_ =	strace s3  }
0x97: {  	_ =	strace $0x8FFFFFFF  }
0x98: {  	s19 =	sld [smem:$0x3FDB];
	_ =	sdelay $0x1  }
0x99: {  	s4 =	simm.s32 $_scs_section_size  }
0x9a: {  	s5 =	simm.s32 $_size__tile_overlayer_lowered;
	s6 =	simm.s32 $_tile_overlayer_lowered  }
0x9b: {  	s22 =	simm.s32 $0x1BFF;
	s21 =	sshll.u32 s6, $0x1;
	s3 =	sadd.s32 s4, s19  }
0x9c: {  	s7 =	simm.s32 $0x0;
	s20 =	sshll.u32 s5, $0x1;
	s5 =	sadd.s32 s21, s3  }
0x9d: {  	[timem:s7], [sflag:s22] =	dma.local [hbm:s5], s20  }
0x9e: {  	_ =	swait.ge [sflag:s22], s20  }
0x9f: {  	s4 =	ssub.s32 $0x0, s20;
	[sflag:s22] =	ssyncset.done $0x0  }
0xa0: {  	[sflag:s22] =	ssyncadd.s32 s4;
	_ =	sdelay $0x1  }
0xa1: {  	s23 =	simm.s32 $0x1B8B  }
0xa2: {  	_ =	swait.ge [sflag:s23], $0x1  }
0xa3: {  	[sflag:s23] =	ssyncset.done $0x0  }
0xa4: {  	s25 =	simm.s32 $0x1B8E;
	s24 =	sld [smem:$0x3FFE];
	[sflag:s23] =	ssyncadd.s32 $0xFFFFFFFF  }
0xa5: {  	s26 =	simm.s32 $execute0_lowered;
	[smem:$0x3FD2] =	sst s25  }
0xa6: {  	s5 =	sshll.u32 s26, $0x1;
	_ =	strace $0x80000046;
	[dreg:$0x1] =	wrdreg $0xFFFFFFFF  }
0xa7: {  	s28 =	simm.s32 $_size_execute0_lowered;
	s3 =	sadd.s32 s3, s5;
	[dreg:$0x0] =	wrdreg $0x0  }
0xa8: {  	s5 =	sshll.u32 s28, $0x1;
	[dreg:$0x2] =	wrdreg s3  }
0xa9: {  	[dreg:$0x3] =	wrdreg s5  }
0xaa: {  	[dreg:$0x4] =	wrdreg $0xC0  }
0xab: {  	_ =	task [dreg:s7], $0x5FFFF  }
0xac: {  	[dreg:$0x1] =	wrdreg $0xFFFFFFFF  }
0xad: {  	[dreg:$0x0] =	wrdreg $0x60  }
0xae: {  	[dreg:$0x2] =	wrdreg s24  }
0xaf: {  	[dreg:$0x3] =	wrdreg s2  }
0xb0: {  	[dreg:$0x4] =	wrdreg $0x9  }
0xb1: {  	_ =	task.clear_ibuf [dreg:s7], $0x5FFFF;
	_ =	strace $0x90000046  }
0xb2: {  	s29 =	simm.s32 $0x9;
	_ =	strace $0x80000048  }
0xb3: {  	_ =	swait.ge [sflag:s29], $0x1  }
0xb4: {  	[sflag:s29] =	ssyncadd.s32 $0xFFFFFFFF  }
0xb5: {  	_ =	strace $0x90000048  }
0xb6: {  	_ =	sfence  }
0xb7: {  	s30 =	sld [smem:$0x0];
	_ =	sdelay $0x2  }
0xb8: {  	s31 =	sshll.u32 s1, $0xD;
	s1 =	sshrl.u32 s1, $0x2  }
0xb9: {  	s3 =	sand.u32 $0x4000, s31;
	s1 =	sadd.s32 s1, s30  }
0xba: {  	s0 =	sor.u32 s3, s0;
	s1 =	sshll.u32 s1, $0x11  }
0xbb: {  	s0 =	sor.u32 s1, s0  }
0xbc: {  	s0 =	sadd.s32 $0x8F2B, s0  }
0xbd: {  	[sflag:s0] =	ssyncadd.remote.s32 $0x1  }
0xbe: {  	_ =	sfence.sel $0xFFFF  }
0xbf: {  	[dreg:$0x0] =	wrdreg $0xFFFFFFFF;
	(pc) =	sbr.abs _section_cstart, $3  }
0xc0: {  	[dreg:$0x1] =	wrdreg $0xFFFFFFFF  }
0xc1: {  	_ =	task.clear_ibuf [dreg:s7], $0x2FFFF;
	_ =	strace $0x9FFFFFFF  }
0xc2: {  	(tm) =	ssettm $0x7FFFFFFF  }
0xc3: {  	_ =	shalt  }
tec
execute0_lowered:
.L_overlay_start_1:
0x0: {  	(tag) =	ssettag $0x1  }
0x1: {  	s0 =	rddreg [dreg:$0x0]  }
0x2: {  	s2 =	rddreg [dreg:$0x1]  }
0x3: {  	s1 =	srdreg.scid;
	s4 =	stileid.u32;
	s3 =	simm.s32 $0x0  }
0x4: {  	s14 =	simm.s32 $0x5;
	s15 =	simm.s32 $0x80;
	s24 =	simm.s32 $0x280  }
0x5: {  	s13 =	simm.s32 $0x1;
	s16 =	simm.s32 $0xA500;
	s17 =	simm.s32 $0xB500  }
0x6: {  	s18 =	simm.s32 $0xC500;
	s19 =	simm.s32 $0xD500;
	s20 =	simm.s32 $0xE500  }
0x7: {  	s23 =	simm.s32 $0x2;
	s12 =	simm.s32 $0x4;
	s28 =	simm.s32 $0x11500  }
0x8: {  	s29 =	simm.s32 $0x12500;
	s30 =	simm.s32 $0x13500;
	s1 =	sand.u32 $0x1, s1  }
0x9: {  	s4 =	sshll.u32 s4, $0x1;
	[smem:$0x7FF] =	sst s3;
	s5 =	sadd.s32 $0xF42A00, s0  }
0xa: {  	s6 =	sadd.s32 $0x600, s0;
	s7 =	sor.u32 s1, s4;
	s25 =	ssub.s32 $0x2, s1  }
0xb: {  	s4 =	smul.u32 $0x6400, s7;
	s1 =	sshrl.u32 s25, $0x1;
	s7 =	sshll.u32 s7, $0xA  }
0xc: {  	_ =	strace $0x80000047;
	s0 =	ssub.s32 s25, s1;
	s9 =	sor.u32 $0x8000, s7  }
0xd: {  	s10 =	sor.u32 $0x10000, s7;
	s11 =	sor.u32 $0x18000, s7;
	s31 =	sadd.s32 $0x500, s4  }
0xe: {  	s8 =	sshrl.u32 s4, $0x3;
	s0 =	smax.u32 s0, $0x1;
	[dreg:$0x4] =	wrdreg s31  }
0xf: {  	v0 =	vlaneseq.u32;
	s25 =	simm.s32 $0xF500;
	s26 =	sadd.s32 s6, s8;
	[dreg:$0x5] =	wrdreg s0  }
0x10: {  	v0 =	vmul.u32 $0x80, v0;
	s1 =	simm.s32 $0x0;
	[dreg:$0x3] =	wrdreg s26;
	s26 =	simm.s32 $0x10500  }
.LBB2_1:
0x11: {  	[dreg:$0x6] =	wrdreg s1  }
0x12: {  	s0 =	rddreg [dreg:$0x3]  }
0x13: {  	[tilespmem:s3], [sflag:$0x5] =	stream.linear.gather [hbm4b:s0+s3], $0x280, $0x38;
	[tilespmem:$0x14500] =	vst v63  }
0x14: {  	_ =	swait.ge [sflag:s14], $0x280  }
0x15: {  	[sflag:s14] =	ssyncset.done $0x0  }
0x16: {  	s22 =	simm.s32 $0x500;
	[sflag:s14] =	ssyncadd.s32 $0xFFFFFD80  }
0x17: {  	[tilespmem:s22], [sflag:$0x1] =	stream.indirect.gather [hbm4b:s5+s15], $0x20, s3, s15, $0xb8;
	[tilespmem:$0x14500] =	vst v63  }
0x18: {  	s31 =	simm.s32 $0x1500  }
0x19: {  	[tilespmem:s31], [sflag:$0x1] =	stream.indirect.gather [hbm4b:s5+s15], $0x20, s15, s15, $0xb8;
	[tilespmem:$0x14500] =	vst v63  }
0x1a: {  	s1 =	simm.s32 $0x100;
	s8 =	simm.s32 $0x2500  }
0x1b: {  	[tilespmem:s8], [sflag:$0x1] =	stream.indirect.gather [hbm4b:s5+s15], $0x20, s1, s15, $0xb8;
	[tilespmem:$0x14500] =	vst v63  }
0x1c: {  	s21 =	simm.s32 $0x3500;
	s8 =	simm.s32 $0x180  }
0x1d: {  	[tilespmem:s21], [sflag:$0x1] =	stream.indirect.gather [hbm4b:s5+s15], $0x20, s8, s15, $0xb8;
	[tilespmem:$0x14500] =	vst v63  }
0x1e: {  	s22 =	simm.s32 $0x200;
	s31 =	simm.s32 $0x4500;
	s8 =	simm.s32 $0x0  }
0x1f: {  	[tilespmem:s31], [sflag:$0x1] =	stream.indirect.gather [hbm4b:s5+s15], $0x20, s22, s15, $0xb8;
	[tilespmem:$0x14500] =	vst v63  }
.LBB2_2:
0x20: {  	s21 =	sshllo.u32 s8, $0x1  }
0x21: {  	s0 =	smul.u32 $0x280, s21;
	_ =	sdelay $0x1  }
0x22: {  	s0 =	sadd.s32 s4, s0  }
0x23: {  	s0 =	sshrl.u32 s0, $0x3  }
0x24: {  	s0 =	sadd.s32 s6, s0  }
0x25: {  	[tilespmem:s24], [sflag:$0x5] =	stream.linear.gather [hbm4b:s0+s3], $0x280, $0x38;
	[tilespmem:$0x14500] =	vst v63  }
0x26: {  	_ =	swait.ge [sflag:s14], $0x280  }
0x27: {  	[sflag:s14] =	ssyncset.done $0x0  }
0x28: {  	s22 =	simm.s32 $0x5500;
	[sflag:s14] =	ssyncadd.s32 $0xFFFFFD80  }
0x29: {  	[tilespmem:s22], [sflag:$0x2] =	stream.indirect.gather [hbm4b:s5+s15], $0x20, s24, s15, $0xb8;
	[tilespmem:$0x14500] =	vst v63  }
0x2a: {  	s1 =	simm.s32 $0x300;
	s22 =	simm.s32 $0x6500  }
0x2b: {  	[tilespmem:s22], [sflag:$0x2] =	stream.indirect.gather [hbm4b:s5+s15], $0x20, s1, s15, $0xb8;
	[tilespmem:$0x14500] =	vst v63  }
0x2c: {  	s22 =	simm.s32 $0x380;
	s1 =	simm.s32 $0x7500  }
0x2d: {  	[tilespmem:s1], [sflag:$0x2] =	stream.indirect.gather [hbm4b:s5+s15], $0x20, s22, s15, $0xb8;
	[tilespmem:$0x14500] =	vst v63  }
0x2e: {  	s22 =	simm.s32 $0x400;
	s1 =	simm.s32 $0x8500  }
0x2f: {  	[tilespmem:s1], [sflag:$0x2] =	stream.indirect.gather [hbm4b:s5+s15], $0x20, s22, s15, $0xb8;
	[tilespmem:$0x14500] =	vst v63  }
0x30: {  	s22 =	simm.s32 $0x480;
	s1 =	simm.s32 $0x9500  }
0x31: {  	[tilespmem:s1], [sflag:$0x2] =	stream.indirect.gather [hbm4b:s5+s15], $0x20, s22, s15, $0xb8;
	[tilespmem:$0x14500] =	vst v63  }
0x32: {  	_ =	swait.ge [sflag:s13], $0x5000  }
0x33: {  	p0 =	seq.s32 s8, $0x0;
	[sflag:s13] =	ssyncset.done $0x0  }
0x34: {  	s0 =	simm.s32 @!p0 $0x3;
	[sflag:s13] =	ssyncadd.s32 $0xFFFFB000  }
0x35: {  	_ =	swait.ge @!p0 [sflag:s0], $0x1400  }
0x36: {  	[sflag:s0] =	ssyncset.done @!p0 $0x0  }
0x37: {  	[sflag:s0] =	ssyncadd.s32 @!p0 $0xFFFFEC00  }
0x38: {  	_ =	swait.ge @!p0 [sflag:s0], $0x1400  }
0x39: {  	[sflag:s0] =	ssyncset.done @!p0 $0x0  }
0x3a: {  	[sflag:s0] =	ssyncadd.s32 @!p0 $0xFFFFEC00  }
0x3b: {  	_ =	swait.ge @!p0 [sflag:s0], $0x1400  }
0x3c: {  	[sflag:s0] =	ssyncset.done @!p0 $0x0  }
0x3d: {  	[sflag:s0] =	ssyncadd.s32 @!p0 $0xFFFFEC00  }
0x3e: {  	_ =	swait.ge @!p0 [sflag:s0], $0x1400  }
0x3f: {  	[sflag:s0] =	ssyncset.done @!p0 $0x0  }
0x40: {  	s22 =	simm.s32 $0x0;
	[sflag:s0] =	ssyncadd.s32 @!p0 $0xFFFFEC00  }
0x41: {  	v2 =	vand.u32 $0xFFFFFFFE, v0;
	v1 =	vld [tilespmem:s22+$0x500]  }
0x42: {  	v2 =	vadd.s32 $0x800, v2;
	v3 =	vld [tilespmem:s22+$0x510];
	_ =	sdelay $0x3  }
0x43: {  	[tilespmem:v0+s16+$0x0] =	vst.idx.msk $0xffff, v1  }
0x44: {  	[tilespmem:v2+s16+$0x0] =	vst.idx.msk $0xffff, v3  }
0x45: {  	v1 =	vld [tilespmem:s22+$0x1500]  }
0x46: {  	v3 =	vld [tilespmem:s22+$0x1510];
	_ =	sdelay $0x3  }
0x47: {  	[tilespmem:v0+s17+$0x0] =	vst.idx.msk $0xffff, v1  }
0x48: {  	[tilespmem:v2+s17+$0x0] =	vst.idx.msk $0xffff, v3  }
0x49: {  	v1 =	vld [tilespmem:s22+$0x2500]  }
0x4a: {  	v3 =	vld [tilespmem:s22+$0x2510];
	_ =	sdelay $0x3  }
0x4b: {  	[tilespmem:v0+s18+$0x0] =	vst.idx.msk $0xffff, v1  }
0x4c: {  	[tilespmem:v2+s18+$0x0] =	vst.idx.msk $0xffff, v3  }
0x4d: {  	v1 =	vld [tilespmem:s22+$0x3500]  }
0x4e: {  	v3 =	vld [tilespmem:s22+$0x3510];
	_ =	sdelay $0x3  }
0x4f: {  	[tilespmem:v0+s19+$0x0] =	vst.idx.msk $0xffff, v1  }
0x50: {  	[tilespmem:v2+s19+$0x0] =	vst.idx.msk $0xffff, v3  }
0x51: {  	v1 =	vld [tilespmem:s22+$0x4500]  }
0x52: {  	v3 =	vld [tilespmem:s22+$0x4510];
	_ =	sdelay $0x3  }
0x53: {  	[tilespmem:v0+s20+$0x0] =	vst.idx.msk $0xffff, v1  }
0x54: {  	[tilespmem:v2+s20+$0x0] =	vst.idx.msk $0xffff, v3  }
0x55: {  	v1 =	vor.u32 $0x1, v0;
	v3 =	vld [tilespmem:s22+$0x520]  }
0x56: {  	v4 =	vadd.s32 $0x801, v0;
	v5 =	vld [tilespmem:s22+$0x530];
	_ =	sdelay $0x3  }
0x57: {  	[tilespmem:v1+s16+$0x0] =	vst.idx.msk $0xffff, v3  }
0x58: {  	[tilespmem:v4+s16+$0x0] =	vst.idx.msk $0xffff, v5  }
0x59: {  	v3 =	vld [tilespmem:s22+$0x1520]  }
0x5a: {  	v5 =	vld [tilespmem:s22+$0x1530];
	_ =	sdelay $0x3  }
0x5b: {  	[tilespmem:v1+s17+$0x0] =	vst.idx.msk $0xffff, v3  }
0x5c: {  	[tilespmem:v4+s17+$0x0] =	vst.idx.msk $0xffff, v5  }
0x5d: {  	v3 =	vld [tilespmem:s22+$0x2520]  }
0x5e: {  	v5 =	vld [tilespmem:s22+$0x2530];
	_ =	sdelay $0x3  }
0x5f: {  	[tilespmem:v1+s18+$0x0] =	vst.idx.msk $0xffff, v3  }
0x60: {  	[tilespmem:v4+s18+$0x0] =	vst.idx.msk $0xffff, v5  }
0x61: {  	v3 =	vld [tilespmem:s22+$0x3520]  }
0x62: {  	v5 =	vld [tilespmem:s22+$0x3530];
	_ =	sdelay $0x3  }
0x63: {  	[tilespmem:v1+s19+$0x0] =	vst.idx.msk $0xffff, v3  }
0x64: {  	[tilespmem:v4+s19+$0x0] =	vst.idx.msk $0xffff, v5  }
0x65: {  	v3 =	vld [tilespmem:s22+$0x4520];
	_ =	sdelay $0x1  }
0x66: {  	v5 =	vld [tilespmem:s22+$0x4530];
	_ =	sdelay $0x2  }
0x67: {  	s31 =	simm.s32 $0x100;
	s22 =	simm.s32 $0x200;
	[tilespmem:v1+s20+$0x0] =	vst.idx.msk $0xffff, v3;
	v3 =	vmov v0  }
.LBB2_3:
0x68: {  	p1 =	sne.s32 s22, $0x3F00  }
0x69: {  	s0 =	sshra.s32 s31, $0x2;
	[tilespmem:v4+s20+$0x0] =	vst.idx.msk $0xffff, v5;
	v3 =	vadd.s32 $0x2, v3;
	s31 =	smov.u32 s22;
	s22 =	sadd.s32 $0x100, s22  }
0x6a: {  	v4 =	vld [tilespmem:s0+$0x500];
	v5 =	vand.u32 $0xFFFFFFFE, v3  }
0x6b: {  	v6 =	vld [tilespmem:s0+$0x510];
	v5 =	vadd.s32 $0x800, v5;
	_ =	sdelay $0x3  }
0x6c: {  	[tilespmem:v3+s16+$0x0] =	vst.idx.msk $0xffff, v4  }
0x6d: {  	[tilespmem:v5+s16+$0x0] =	vst.idx.msk $0xffff, v6  }
0x6e: {  	v4 =	vld [tilespmem:s0+$0x1500]  }
0x6f: {  	v6 =	vld [tilespmem:s0+$0x1510];
	_ =	sdelay $0x3  }
0x70: {  	[tilespmem:v3+s17+$0x0] =	vst.idx.msk $0xffff, v4  }
0x71: {  	[tilespmem:v5+s17+$0x0] =	vst.idx.msk $0xffff, v6  }
0x72: {  	v4 =	vld [tilespmem:s0+$0x2500]  }
0x73: {  	v6 =	vld [tilespmem:s0+$0x2510];
	_ =	sdelay $0x3  }
0x74: {  	[tilespmem:v3+s18+$0x0] =	vst.idx.msk $0xffff, v4  }
0x75: {  	[tilespmem:v5+s18+$0x0] =	vst.idx.msk $0xffff, v6  }
0x76: {  	v4 =	vld [tilespmem:s0+$0x3500]  }
0x77: {  	v6 =	vld [tilespmem:s0+$0x3510];
	_ =	sdelay $0x3  }
0x78: {  	[tilespmem:v3+s19+$0x0] =	vst.idx.msk $0xffff, v4  }
0x79: {  	[tilespmem:v5+s19+$0x0] =	vst.idx.msk $0xffff, v6  }
0x7a: {  	v4 =	vld [tilespmem:s0+$0x4500]  }
0x7b: {  	v6 =	vld [tilespmem:s0+$0x4510];
	_ =	sdelay $0x3  }
0x7c: {  	[tilespmem:v3+s20+$0x0] =	vst.idx.msk $0xffff, v4  }
0x7d: {  	[tilespmem:v5+s20+$0x0] =	vst.idx.msk $0xffff, v6  }
0x7e: {  	v6 =	vor.u32 $0x1, v3;
	v5 =	vld [tilespmem:s0+$0x520]  }
0x7f: {  	v4 =	vadd.s32 $0x801, v3;
	v7 =	vld [tilespmem:s0+$0x530];
	_ =	sdelay $0x3  }
0x80: {  	[tilespmem:v6+s16+$0x0] =	vst.idx.msk $0xffff, v5  }
0x81: {  	[tilespmem:v4+s16+$0x0] =	vst.idx.msk $0xffff, v7  }
0x82: {  	v5 =	vld [tilespmem:s0+$0x1520]  }
0x83: {  	v7 =	vld [tilespmem:s0+$0x1530];
	_ =	sdelay $0x3  }
0x84: {  	[tilespmem:v6+s17+$0x0] =	vst.idx.msk $0xffff, v5  }
0x85: {  	[tilespmem:v4+s17+$0x0] =	vst.idx.msk $0xffff, v7  }
0x86: {  	v5 =	vld [tilespmem:s0+$0x2520]  }
0x87: {  	v7 =	vld [tilespmem:s0+$0x2530];
	_ =	sdelay $0x3  }
0x88: {  	[tilespmem:v6+s18+$0x0] =	vst.idx.msk $0xffff, v5  }
0x89: {  	[tilespmem:v4+s18+$0x0] =	vst.idx.msk $0xffff, v7  }
0x8a: {  	v5 =	vld [tilespmem:s0+$0x3520]  }
0x8b: {  	v7 =	vld [tilespmem:s0+$0x3530];
	_ =	sdelay $0x3  }
0x8c: {  	[tilespmem:v6+s19+$0x0] =	vst.idx.msk $0xffff, v5  }
0x8d: {  	[tilespmem:v4+s19+$0x0] =	vst.idx.msk $0xffff, v7  }
0x8e: {  	v7 =	vld [tilespmem:s0+$0x4520]  }
.Ltmp0:
0x8f: {  	v5 =	vld [tilespmem:s0+$0x4530];
	(pc) =	sbr.rel @p1 .LBB2_3-.Ltmp0, $2  }
0x90: {  	_ =	sdelay $0x2  }
0x91: {  	[tilespmem:v6+s20+$0x0] =	vst.idx.msk $0xffff, v7  }
0x92: {  	_ =	sdelay $0x3  }
0x93: {  	s0 =	sshra.s32 s31, $0x2;
	[tilespmem:v4+s20+$0x0] =	vst.idx.msk $0xffff, v5;
	v3 =	vadd.s32 $0x2, v3  }
0x94: {  	v4 =	vld [tilespmem:s0+$0x500];
	v62 =	vand.u32 $0xFFFFFFFE, v3  }
0x95: {  	v6 =	vld [tilespmem:s0+$0x510];
	v5 =	vadd.s32 $0x800, v62;
	_ =	sdelay $0x3  }
0x96: {  	[tilespmem:v3+s16+$0x0] =	vst.idx.msk $0xffff, v4  }
0x97: {  	[tilespmem:v5+s16+$0x0] =	vst.idx.msk $0xffff, v6  }
0x98: {  	v4 =	vld [tilespmem:s0+$0x1500]  }
0x99: {  	v6 =	vld [tilespmem:s0+$0x1510];
	_ =	sdelay $0x3  }
0x9a: {  	[tilespmem:v3+s17+$0x0] =	vst.idx.msk $0xffff, v4  }
0x9b: {  	[tilespmem:v5+s17+$0x0] =	vst.idx.msk $0xffff, v6  }
0x9c: {  	v4 =	vld [tilespmem:s0+$0x2500]  }
0x9d: {  	v6 =	vld [tilespmem:s0+$0x2510];
	_ =	sdelay $0x3  }
0x9e: {  	[tilespmem:v3+s18+$0x0] =	vst.idx.msk $0xffff, v4  }
0x9f: {  	[tilespmem:v5+s18+$0x0] =	vst.idx.msk $0xffff, v6  }
0xa0: {  	v4 =	vld [tilespmem:s0+$0x3500]  }
0xa1: {  	v6 =	vld [tilespmem:s0+$0x3510];
	_ =	sdelay $0x3  }
0xa2: {  	[tilespmem:v3+s19+$0x0] =	vst.idx.msk $0xffff, v4  }
0xa3: {  	[tilespmem:v5+s19+$0x0] =	vst.idx.msk $0xffff, v6  }
0xa4: {  	v4 =	vld [tilespmem:s0+$0x4500]  }
0xa5: {  	v6 =	vld [tilespmem:s0+$0x4510];
	_ =	sdelay $0x3  }
0xa6: {  	[tilespmem:v3+s20+$0x0] =	vst.idx.msk $0xffff, v4  }
0xa7: {  	[tilespmem:v5+s20+$0x0] =	vst.idx.msk $0xffff, v6  }
0xa8: {  	v63 =	vor.u32 $0x1, v3;
	v5 =	vld [tilespmem:s0+$0x520]  }
0xa9: {  	v3 =	vadd.s32 $0x801, v3;
	v6 =	vld [tilespmem:s0+$0x530];
	_ =	sdelay $0x3  }
0xaa: {  	[tilespmem:v63+s16+$0x0] =	vst.idx.msk $0xffff, v5  }
0xab: {  	[tilespmem:v3+s16+$0x0] =	vst.idx.msk $0xffff, v6  }
0xac: {  	v5 =	vld [tilespmem:s0+$0x1520]  }
0xad: {  	v6 =	vld [tilespmem:s0+$0x1530];
	_ =	sdelay $0x3  }
0xae: {  	[tilespmem:v63+s17+$0x0] =	vst.idx.msk $0xffff, v5  }
0xaf: {  	[tilespmem:v3+s17+$0x0] =	vst.idx.msk $0xffff, v6  }
0xb0: {  	v5 =	vld [tilespmem:s0+$0x2520]  }
0xb1: {  	v6 =	vld [tilespmem:s0+$0x2530];
	_ =	sdelay $0x3  }
0xb2: {  	[tilespmem:v63+s18+$0x0] =	vst.idx.msk $0xffff, v5  }
0xb3: {  	[tilespmem:v3+s18+$0x0] =	vst.idx.msk $0xffff, v6  }
0xb4: {  	v5 =	vld [tilespmem:s0+$0x3520]  }
0xb5: {  	v6 =	vld [tilespmem:s0+$0x3530];
	_ =	sdelay $0x3  }
0xb6: {  	[tilespmem:v63+s19+$0x0] =	vst.idx.msk $0xffff, v5  }
0xb7: {  	[tilespmem:v3+s19+$0x0] =	vst.idx.msk $0xffff, v6  }
0xb8: {  	v5 =	vld [tilespmem:s0+$0x4520]  }
0xb9: {  	v6 =	vld [tilespmem:s0+$0x4530]  }
0xba: {  	s0 =	smul.u32 $0x140000, s8;
	_ =	sdelay $0x1  }
0xbb: {  	s22 =	sor.u32 s7, s0  }
0xbc: {  	s22 =	sshrl.u32 s22, $0x3;
	[tilespmem:v63+s20+$0x0] =	vst.idx.msk $0xffff, v5  }
0xbd: {  	s22 =	sadd.s32 s2, s22;
	[tilespmem:v3+s20+$0x0] =	vst.idx.msk $0xffff, v6  }
0xbe: {  	[hbm4b:s22+s3] =	stream.linear.scatter [tilespmem:s16], [sflag:$0x3], $0x400, $0x38;
	[tilespmem:$0x14500] =	vst v63  }
0xbf: {  	s1 =	sadd.s32 $0x4000, s22  }
0xc0: {  	[hbm4b:s1+s3] =	stream.linear.scatter [tilespmem:s17], [sflag:$0x3], $0x400, $0x38;
	[tilespmem:$0x14500] =	vst v63  }
0xc1: {  	s1 =	sadd.s32 $0x8000, s22  }
0xc2: {  	[hbm4b:s1+s3] =	stream.linear.scatter [tilespmem:s18], [sflag:$0x3], $0x400, $0x38;
	[tilespmem:$0x14500] =	vst v63  }
0xc3: {  	s1 =	sadd.s32 $0xC000, s22  }
0xc4: {  	[hbm4b:s1+s3] =	stream.linear.scatter [tilespmem:s19], [sflag:$0x3], $0x400, $0x38;
	[tilespmem:$0x14500] =	vst v63  }
0xc5: {  	s31 =	sor.u32 s9, s0;
	s22 =	sadd.s32 $0x10000, s22  }
0xc6: {  	[hbm4b:s22+s3] =	stream.linear.scatter [tilespmem:s20], [sflag:$0x3], $0x400, $0x38;
	[tilespmem:$0x14500] =	vst v63  }
0xc7: {  	s22 =	sshrl.u32 s31, $0x3  }
0xc8: {  	s1 =	simm.s32 $0xA900;
	s22 =	sadd.s32 s2, s22  }
0xc9: {  	[hbm4b:s22+s3] =	stream.linear.scatter [tilespmem:s1], [sflag:$0x3], $0x400, $0x38;
	[tilespmem:$0x14500] =	vst v63  }
0xca: {  	s31 =	sadd.s32 $0x4000, s22;
	s1 =	simm.s32 $0xB900  }
0xcb: {  	[hbm4b:s31+s3] =	stream.linear.scatter [tilespmem:s1], [sflag:$0x3], $0x400, $0x38;
	[tilespmem:$0x14500] =	vst v63  }
0xcc: {  	s31 =	sadd.s32 $0x8000, s22;
	s1 =	simm.s32 $0xC900  }
0xcd: {  	[hbm4b:s31+s3] =	stream.linear.scatter [tilespmem:s1], [sflag:$0x3], $0x400, $0x38;
	[tilespmem:$0x14500] =	vst v63  }
0xce: {  	s31 =	sadd.s32 $0xC000, s22;
	s1 =	simm.s32 $0xD900  }
0xcf: {  	[hbm4b:s31+s3] =	stream.linear.scatter [tilespmem:s1], [sflag:$0x3], $0x400, $0x38;
	[tilespmem:$0x14500] =	vst v63  }
0xd0: {  	s22 =	sadd.s32 $0x10000, s22;
	s31 =	simm.s32 $0xE900;
	s1 =	sor.u32 s10, s0  }
0xd1: {  	[hbm4b:s22+s3] =	stream.linear.scatter [tilespmem:s31], [sflag:$0x3], $0x400, $0x38;
	[tilespmem:$0x14500] =	vst v63  }
0xd2: {  	s22 =	sshrl.u32 s1, $0x3  }
0xd3: {  	s31 =	simm.s32 $0xAD00;
	s22 =	sadd.s32 s2, s22  }
0xd4: {  	[hbm4b:s22+s3] =	stream.linear.scatter [tilespmem:s31], [sflag:$0x3], $0x400, $0x38;
	[tilespmem:$0x14500] =	vst v63  }
0xd5: {  	s1 =	simm.s32 $0xBD00;
	s31 =	sadd.s32 $0x4000, s22  }
0xd6: {  	[hbm4b:s31+s3] =	stream.linear.scatter [tilespmem:s1], [sflag:$0x3], $0x400, $0x38;
	[tilespmem:$0x14500] =	vst v63  }
0xd7: {  	s31 =	sadd.s32 $0x8000, s22;
	s1 =	simm.s32 $0xCD00  }
0xd8: {  	[hbm4b:s31+s3] =	stream.linear.scatter [tilespmem:s1], [sflag:$0x3], $0x400, $0x38;
	[tilespmem:$0x14500] =	vst v63  }
0xd9: {  	s0 =	sor.u32 s11, s0;
	s31 =	sadd.s32 $0xC000, s22;
	s1 =	simm.s32 $0xDD00  }
0xda: {  	[hbm4b:s31+s3] =	stream.linear.scatter [tilespmem:s1], [sflag:$0x3], $0x400, $0x38;
	[tilespmem:$0x14500] =	vst v63  }
0xdb: {  	s0 =	sshrl.u32 s0, $0x3;
	s22 =	sadd.s32 $0x10000, s22;
	s31 =	simm.s32 $0xED00  }
0xdc: {  	[hbm4b:s22+s3] =	stream.linear.scatter [tilespmem:s31], [sflag:$0x3], $0x400, $0x38;
	[tilespmem:$0x14500] =	vst v63  }
0xdd: {  	s0 =	sadd.s32 s2, s0;
	s31 =	simm.s32 $0xB100  }
0xde: {  	[hbm4b:s0+s3] =	stream.linear.scatter [tilespmem:s31], [sflag:$0x3], $0x400, $0x38;
	[tilespmem:$0x14500] =	vst v63  }
0xdf: {  	s1 =	sadd.s32 $0x4000, s0;
	s31 =	simm.s32 $0xC100  }
0xe0: {  	[hbm4b:s1+s3] =	stream.linear.scatter [tilespmem:s31], [sflag:$0x3], $0x400, $0x38;
	[tilespmem:$0x14500] =	vst v63  }
0xe1: {  	p1 =	sne.s32 s8, $0x13;
	s1 =	sadd.s32 $0x8000, s0;
	s31 =	simm.s32 $0xD100  }
0xe2: {  	[hbm4b:s1+s3] =	stream.linear.scatter [tilespmem:s31], [sflag:$0x3], $0x400, $0x38;
	[tilespmem:$0x14500] =	vst v63  }
.Ltmp1:
0xe3: {  	_ = 	snop;
	(pc) =	sbr.rel @p1 .LBB2_6-.Ltmp1, $4  }
0xe4: {  	s1 =	sadd.s32 $0xC000, s0;
	s31 =	simm.s32 $0xE100  }
0xe5: {  	[hbm4b:s1+s3] =	stream.linear.scatter [tilespmem:s31], [sflag:$0x3], $0x400, $0x38;
	[tilespmem:$0x14500] =	vst v63  }
0xe6: {  	s0 =	sadd.s32 $0x10000, s0;
	s31 =	simm.s32 $0xF100  }
0xe7: {  	[hbm4b:s0+s3] =	stream.linear.scatter [tilespmem:s31], [sflag:$0x3], $0x400, $0x38;
	[tilespmem:$0x14500] =	vst v63  }
.Ltmp2:
0xe8: {  	(pc) =	sbr.rel .LBB2_7-.Ltmp2, $4  }
0xe9: {  	_ = 	snop  }
0xea: {  	_ =	swait.ge [sflag:s23], $0x5000  }
0xeb: {  	[sflag:s23] =	ssyncset.done $0x0  }
0xec: {  	[sflag:s23] =	ssyncadd.s32 $0xFFFFB000  }
.LBB2_6:
0xed: {  	s0 =	smul.u32 $0x500, s8  }
0xee: {  	s22 =	rddreg [dreg:$0x4]  }
0xef: {  	s0 =	sadd.s32 s0, s22  }
0xf0: {  	s0 =	sshrl.u32 s0, $0x3  }
0xf1: {  	s0 =	sadd.s32 s6, s0  }
0xf2: {  	[tilespmem:s3], [sflag:$0x5] =	stream.linear.gather [hbm4b:s0+s3], $0x280, $0x38;
	[tilespmem:$0x14500] =	vst v63  }
0xf3: {  	_ =	swait.ge [sflag:s14], $0x280  }
0xf4: {  	[sflag:s14] =	ssyncset.done $0x0  }
0xf5: {  	s1 =	simm.s32 $0x500;
	[sflag:s14] =	ssyncadd.s32 $0xFFFFFD80  }
0xf6: {  	[tilespmem:s1], [sflag:$0x1] =	stream.indirect.gather [hbm4b:s5+s15], $0x20, s3, s15, $0xb8;
	[tilespmem:$0x14500] =	vst v63  }
0xf7: {  	s22 =	simm.s32 $0x1500  }
0xf8: {  	[tilespmem:s22], [sflag:$0x1] =	stream.indirect.gather [hbm4b:s5+s15], $0x20, s15, s15, $0xb8;
	[tilespmem:$0x14500] =	vst v63  }
0xf9: {  	s31 =	simm.s32 $0x100;
	s1 =	simm.s32 $0x2500  }
0xfa: {  	[tilespmem:s1], [sflag:$0x1] =	stream.indirect.gather [hbm4b:s5+s15], $0x20, s31, s15, $0xb8;
	[tilespmem:$0x14500] =	vst v63  }
0xfb: {  	s31 =	simm.s32 $0x180;
	s1 =	simm.s32 $0x3500  }
0xfc: {  	[tilespmem:s1], [sflag:$0x1] =	stream.indirect.gather [hbm4b:s5+s15], $0x20, s31, s15, $0xb8;
	[tilespmem:$0x14500] =	vst v63  }
.Ltmp3:
0xfd: {  	s22 =	simm.s32 $0x200;
	s31 =	simm.s32 $0x4500;
	(pc) =	sbr.rel @p0 .LBB2_8-.Ltmp3, $4  }
0xfe: {  	[tilespmem:s31], [sflag:$0x1] =	stream.indirect.gather [hbm4b:s5+s15], $0x20, s22, s15, $0xb8;
	[tilespmem:$0x14500] =	vst v63  }
0xff: {  	_ =	swait.ge [sflag:s23], $0x5000  }
0x100: {  	[sflag:s23] =	ssyncset.done $0x0  }
0x101: {  	[sflag:s23] =	ssyncadd.s32 $0xFFFFB000  }
.LBB2_7:
0x102: {  	_ =	swait.ge [sflag:s12], $0x1400  }
0x103: {  	[sflag:s12] =	ssyncset.done $0x0  }
0x104: {  	[sflag:s12] =	ssyncadd.s32 $0xFFFFEC00  }
0x105: {  	_ =	swait.ge [sflag:s12], $0x1400  }
0x106: {  	[sflag:s12] =	ssyncset.done $0x0  }
0x107: {  	[sflag:s12] =	ssyncadd.s32 $0xFFFFEC00  }
0x108: {  	_ =	swait.ge [sflag:s12], $0x1400  }
0x109: {  	[sflag:s12] =	ssyncset.done $0x0  }
0x10a: {  	[sflag:s12] =	ssyncadd.s32 $0xFFFFEC00  }
0x10b: {  	_ =	swait.ge [sflag:s12], $0x1400  }
0x10c: {  	[sflag:s12] =	ssyncset.done $0x0  }
0x10d: {  	[sflag:s12] =	ssyncadd.s32 $0xFFFFEC00  }
.LBB2_8:
0x10e: {  	s0 =	simm.s32 $0x0  }
0x10f: {  	v3 =	vld [tilespmem:s0+$0x5500]  }
0x110: {  	v4 =	vld [tilespmem:s0+$0x5510];
	_ =	sdelay $0x3  }
0x111: {  	[tilespmem:v0+s25+$0x0] =	vst.idx.msk $0xffff, v3  }
0x112: {  	[tilespmem:v2+s25+$0x0] =	vst.idx.msk $0xffff, v4  }
0x113: {  	v3 =	vld [tilespmem:s0+$0x6500]  }
0x114: {  	v4 =	vld [tilespmem:s0+$0x6510];
	_ =	sdelay $0x3  }
0x115: {  	[tilespmem:v0+s26+$0x0] =	vst.idx.msk $0xffff, v3  }
0x116: {  	[tilespmem:v2+s26+$0x0] =	vst.idx.msk $0xffff, v4  }
0x117: {  	v3 =	vld [tilespmem:s0+$0x7500]  }
0x118: {  	v4 =	vld [tilespmem:s0+$0x7510];
	_ =	sdelay $0x3  }
0x119: {  	[tilespmem:v0+s28+$0x0] =	vst.idx.msk $0xffff, v3  }
0x11a: {  	[tilespmem:v2+s28+$0x0] =	vst.idx.msk $0xffff, v4  }
0x11b: {  	v3 =	vld [tilespmem:s0+$0x8500]  }
0x11c: {  	v4 =	vld [tilespmem:s0+$0x8510];
	_ =	sdelay $0x3  }
0x11d: {  	[tilespmem:v0+s29+$0x0] =	vst.idx.msk $0xffff, v3  }
0x11e: {  	[tilespmem:v2+s29+$0x0] =	vst.idx.msk $0xffff, v4  }
0x11f: {  	v3 =	vld [tilespmem:s0+$0x9500]  }
0x120: {  	v4 =	vld [tilespmem:s0+$0x9510];
	_ =	sdelay $0x3  }
0x121: {  	[tilespmem:v0+s30+$0x0] =	vst.idx.msk $0xffff, v3  }
0x122: {  	[tilespmem:v2+s30+$0x0] =	vst.idx.msk $0xffff, v4  }
0x123: {  	v3 =	vld [tilespmem:s0+$0x5520]  }
0x124: {  	v2 =	vadd.s32 $0x801, v0;
	v4 =	vld [tilespmem:s0+$0x5530];
	_ =	sdelay $0x3  }
0x125: {  	[tilespmem:v1+s25+$0x0] =	vst.idx.msk $0xffff, v3  }
0x126: {  	[tilespmem:v2+s25+$0x0] =	vst.idx.msk $0xffff, v4  }
0x127: {  	v3 =	vld [tilespmem:s0+$0x6520]  }
0x128: {  	v4 =	vld [tilespmem:s0+$0x6530];
	_ =	sdelay $0x3  }
0x129: {  	[tilespmem:v1+s26+$0x0] =	vst.idx.msk $0xffff, v3  }
0x12a: {  	[tilespmem:v2+s26+$0x0] =	vst.idx.msk $0xffff, v4  }
0x12b: {  	v3 =	vld [tilespmem:s0+$0x7520]  }
0x12c: {  	v4 =	vld [tilespmem:s0+$0x7530];
	_ =	sdelay $0x3  }
0x12d: {  	[tilespmem:v1+s28+$0x0] =	vst.idx.msk $0xffff, v3  }
0x12e: {  	[tilespmem:v2+s28+$0x0] =	vst.idx.msk $0xffff, v4  }
0x12f: {  	v3 =	vld [tilespmem:s0+$0x8520]  }
0x130: {  	v4 =	vld [tilespmem:s0+$0x8530];
	_ =	sdelay $0x3  }
0x131: {  	[tilespmem:v1+s29+$0x0] =	vst.idx.msk $0xffff, v3  }
0x132: {  	[tilespmem:v2+s29+$0x0] =	vst.idx.msk $0xffff, v4  }
0x133: {  	v4 =	vld [tilespmem:s0+$0x9520];
	_ =	sdelay $0x1  }
0x134: {  	v3 =	vld [tilespmem:s0+$0x9530];
	_ =	sdelay $0x2  }
0x135: {  	s31 =	simm.s32 $0x100;
	s22 =	simm.s32 $0x200;
	[tilespmem:v1+s30+$0x0] =	vst.idx.msk $0xffff, v4;
	v1 =	vmov v0  }
.LBB2_9:
0x136: {  	p0 =	sne.s32 s22, $0x3F00  }
0x137: {  	s0 =	sshra.s32 s31, $0x2;
	[tilespmem:v2+s30+$0x0] =	vst.idx.msk $0xffff, v3;
	v1 =	vadd.s32 $0x2, v1;
	s31 =	smov.u32 s22;
	s22 =	sadd.s32 $0x100, s22  }
0x138: {  	v2 =	vld [tilespmem:s0+$0x5500];
	v3 =	vand.u32 $0xFFFFFFFE, v1  }
0x139: {  	v4 =	vld [tilespmem:s0+$0x5510];
	v3 =	vadd.s32 $0x800, v3;
	_ =	sdelay $0x3  }
0x13a: {  	[tilespmem:v1+s25+$0x0] =	vst.idx.msk $0xffff, v2  }
0x13b: {  	[tilespmem:v3+s25+$0x0] =	vst.idx.msk $0xffff, v4  }
0x13c: {  	v2 =	vld [tilespmem:s0+$0x6500]  }
0x13d: {  	v4 =	vld [tilespmem:s0+$0x6510];
	_ =	sdelay $0x3  }
0x13e: {  	[tilespmem:v1+s26+$0x0] =	vst.idx.msk $0xffff, v2  }
0x13f: {  	[tilespmem:v3+s26+$0x0] =	vst.idx.msk $0xffff, v4  }
0x140: {  	v2 =	vld [tilespmem:s0+$0x7500]  }
0x141: {  	v4 =	vld [tilespmem:s0+$0x7510];
	_ =	sdelay $0x3  }
0x142: {  	[tilespmem:v1+s28+$0x0] =	vst.idx.msk $0xffff, v2  }
0x143: {  	[tilespmem:v3+s28+$0x0] =	vst.idx.msk $0xffff, v4  }
0x144: {  	v2 =	vld [tilespmem:s0+$0x8500]  }
0x145: {  	v4 =	vld [tilespmem:s0+$0x8510];
	_ =	sdelay $0x3  }
0x146: {  	[tilespmem:v1+s29+$0x0] =	vst.idx.msk $0xffff, v2  }
0x147: {  	[tilespmem:v3+s29+$0x0] =	vst.idx.msk $0xffff, v4  }
0x148: {  	v2 =	vld [tilespmem:s0+$0x9500]  }
0x149: {  	v4 =	vld [tilespmem:s0+$0x9510];
	_ =	sdelay $0x3  }
0x14a: {  	[tilespmem:v1+s30+$0x0] =	vst.idx.msk $0xffff, v2  }
0x14b: {  	[tilespmem:v3+s30+$0x0] =	vst.idx.msk $0xffff, v4  }
0x14c: {  	v4 =	vor.u32 $0x1, v1;
	v3 =	vld [tilespmem:s0+$0x5520]  }
0x14d: {  	v2 =	vadd.s32 $0x801, v1;
	v5 =	vld [tilespmem:s0+$0x5530];
	_ =	sdelay $0x3  }
0x14e: {  	[tilespmem:v4+s25+$0x0] =	vst.idx.msk $0xffff, v3  }
0x14f: {  	[tilespmem:v2+s25+$0x0] =	vst.idx.msk $0xffff, v5  }
0x150: {  	v3 =	vld [tilespmem:s0+$0x6520]  }
0x151: {  	v5 =	vld [tilespmem:s0+$0x6530];
	_ =	sdelay $0x3  }
0x152: {  	[tilespmem:v4+s26+$0x0] =	vst.idx.msk $0xffff, v3  }
0x153: {  	[tilespmem:v2+s26+$0x0] =	vst.idx.msk $0xffff, v5  }
0x154: {  	v3 =	vld [tilespmem:s0+$0x7520]  }
0x155: {  	v5 =	vld [tilespmem:s0+$0x7530];
	_ =	sdelay $0x3  }
0x156: {  	[tilespmem:v4+s28+$0x0] =	vst.idx.msk $0xffff, v3  }
0x157: {  	[tilespmem:v2+s28+$0x0] =	vst.idx.msk $0xffff, v5  }
0x158: {  	v3 =	vld [tilespmem:s0+$0x8520]  }
0x159: {  	v5 =	vld [tilespmem:s0+$0x8530];
	_ =	sdelay $0x3  }
0x15a: {  	[tilespmem:v4+s29+$0x0] =	vst.idx.msk $0xffff, v3  }
0x15b: {  	[tilespmem:v2+s29+$0x0] =	vst.idx.msk $0xffff, v5  }
0x15c: {  	v5 =	vld [tilespmem:s0+$0x9520]  }
.Ltmp4:
0x15d: {  	v3 =	vld [tilespmem:s0+$0x9530];
	(pc) =	sbr.rel @p0 .LBB2_9-.Ltmp4, $2  }
0x15e: {  	_ =	sdelay $0x2  }
0x15f: {  	[tilespmem:v4+s30+$0x0] =	vst.idx.msk $0xffff, v5  }
0x160: {  	_ =	sdelay $0x3  }
0x161: {  	s0 =	sshra.s32 s31, $0x2;
	[tilespmem:v2+s30+$0x0] =	vst.idx.msk $0xffff, v3;
	v1 =	vadd.s32 $0x2, v1  }
0x162: {  	v2 =	vld [tilespmem:s0+$0x5500];
	v3 =	vand.u32 $0xFFFFFFFE, v1  }
0x163: {  	v4 =	vld [tilespmem:s0+$0x5510];
	v3 =	vadd.s32 $0x800, v3;
	_ =	sdelay $0x3  }
0x164: {  	[tilespmem:v1+s25+$0x0] =	vst.idx.msk $0xffff, v2  }
0x165: {  	[tilespmem:v3+s25+$0x0] =	vst.idx.msk $0xffff, v4  }
0x166: {  	v2 =	vld [tilespmem:s0+$0x6500]  }
0x167: {  	v4 =	vld [tilespmem:s0+$0x6510];
	_ =	sdelay $0x3  }
0x168: {  	[tilespmem:v1+s26+$0x0] =	vst.idx.msk $0xffff, v2  }
0x169: {  	[tilespmem:v3+s26+$0x0] =	vst.idx.msk $0xffff, v4  }
0x16a: {  	v2 =	vld [tilespmem:s0+$0x7500]  }
0x16b: {  	v4 =	vld [tilespmem:s0+$0x7510];
	_ =	sdelay $0x3  }
0x16c: {  	[tilespmem:v1+s28+$0x0] =	vst.idx.msk $0xffff, v2  }
0x16d: {  	[tilespmem:v3+s28+$0x0] =	vst.idx.msk $0xffff, v4  }
0x16e: {  	v2 =	vld [tilespmem:s0+$0x8500]  }
0x16f: {  	v4 =	vld [tilespmem:s0+$0x8510];
	_ =	sdelay $0x3  }
0x170: {  	[tilespmem:v1+s29+$0x0] =	vst.idx.msk $0xffff, v2  }
0x171: {  	[tilespmem:v3+s29+$0x0] =	vst.idx.msk $0xffff, v4  }
0x172: {  	v2 =	vld [tilespmem:s0+$0x9500]  }
0x173: {  	v4 =	vld [tilespmem:s0+$0x9510];
	_ =	sdelay $0x3  }
0x174: {  	[tilespmem:v1+s30+$0x0] =	vst.idx.msk $0xffff, v2  }
0x175: {  	[tilespmem:v3+s30+$0x0] =	vst.idx.msk $0xffff, v4  }
0x176: {  	v2 =	vor.u32 $0x1, v1;
	v3 =	vld [tilespmem:s0+$0x5520]  }
0x177: {  	v1 =	vadd.s32 $0x801, v1;
	v4 =	vld [tilespmem:s0+$0x5530];
	_ =	sdelay $0x3  }
0x178: {  	[tilespmem:v2+s25+$0x0] =	vst.idx.msk $0xffff, v3  }
0x179: {  	[tilespmem:v1+s25+$0x0] =	vst.idx.msk $0xffff, v4  }
0x17a: {  	v3 =	vld [tilespmem:s0+$0x6520]  }
0x17b: {  	v4 =	vld [tilespmem:s0+$0x6530];
	_ =	sdelay $0x3  }
0x17c: {  	[tilespmem:v2+s26+$0x0] =	vst.idx.msk $0xffff, v3  }
0x17d: {  	[tilespmem:v1+s26+$0x0] =	vst.idx.msk $0xffff, v4  }
0x17e: {  	v3 =	vld [tilespmem:s0+$0x7520]  }
0x17f: {  	v4 =	vld [tilespmem:s0+$0x7530];
	_ =	sdelay $0x3  }
0x180: {  	[tilespmem:v2+s28+$0x0] =	vst.idx.msk $0xffff, v3  }
0x181: {  	[tilespmem:v1+s28+$0x0] =	vst.idx.msk $0xffff, v4  }
0x182: {  	v3 =	vld [tilespmem:s0+$0x8520]  }
0x183: {  	v4 =	vld [tilespmem:s0+$0x8530];
	_ =	sdelay $0x3  }
0x184: {  	[tilespmem:v2+s29+$0x0] =	vst.idx.msk $0xffff, v3  }
0x185: {  	[tilespmem:v1+s29+$0x0] =	vst.idx.msk $0xffff, v4  }
0x186: {  	v3 =	vld [tilespmem:s0+$0x9520]  }
0x187: {  	v4 =	vld [tilespmem:s0+$0x9530]  }
0x188: {  	s0 =	smul.u32 $0xA0000, s21;
	_ =	sdelay $0x1  }
0x189: {  	s21 =	sor.u32 s7, s0  }
0x18a: {  	s21 =	sshrl.u32 s21, $0x3;
	[tilespmem:v2+s30+$0x0] =	vst.idx.msk $0xffff, v3  }
0x18b: {  	s21 =	sadd.s32 s2, s21;
	[tilespmem:v1+s30+$0x0] =	vst.idx.msk $0xffff, v4  }
0x18c: {  	[hbm4b:s21+s3] =	stream.linear.scatter [tilespmem:s25], [sflag:$0x4], $0x400, $0x38;
	[tilespmem:$0x14500] =	vst v63  }
0x18d: {  	s22 =	sadd.s32 $0x4000, s21  }
0x18e: {  	[hbm4b:s22+s3] =	stream.linear.scatter [tilespmem:s26], [sflag:$0x4], $0x400, $0x38;
	[tilespmem:$0x14500] =	vst v63  }
0x18f: {  	s31 =	sadd.s32 $0x8000, s21  }
0x190: {  	[hbm4b:s31+s3] =	stream.linear.scatter [tilespmem:s28], [sflag:$0x4], $0x400, $0x38;
	[tilespmem:$0x14500] =	vst v63  }
0x191: {  	s1 =	sadd.s32 $0xC000, s21  }
0x192: {  	[hbm4b:s1+s3] =	stream.linear.scatter [tilespmem:s29], [sflag:$0x4], $0x400, $0x38;
	[tilespmem:$0x14500] =	vst v63  }
0x193: {  	s21 =	sadd.s32 $0x10000, s21;
	s31 =	sor.u32 s9, s0  }
0x194: {  	[hbm4b:s21+s3] =	stream.linear.scatter [tilespmem:s30], [sflag:$0x4], $0x400, $0x38;
	[tilespmem:$0x14500] =	vst v63  }
0x195: {  	s21 =	sshrl.u32 s31, $0x3  }
0x196: {  	s1 =	simm.s32 $0xF900;
	s21 =	sadd.s32 s2, s21  }
0x197: {  	[hbm4b:s21+s3] =	stream.linear.scatter [tilespmem:s1], [sflag:$0x4], $0x400, $0x38;
	[tilespmem:$0x14500] =	vst v63  }
0x198: {  	s31 =	simm.s32 $0x10900;
	s1 =	sadd.s32 $0x4000, s21  }
0x199: {  	[hbm4b:s1+s3] =	stream.linear.scatter [tilespmem:s31], [sflag:$0x4], $0x400, $0x38;
	[tilespmem:$0x14500] =	vst v63  }
0x19a: {  	s1 =	sadd.s32 $0x8000, s21;
	s31 =	simm.s32 $0x11900  }
0x19b: {  	[hbm4b:s1+s3] =	stream.linear.scatter [tilespmem:s31], [sflag:$0x4], $0x400, $0x38;
	[tilespmem:$0x14500] =	vst v63  }
0x19c: {  	s1 =	sadd.s32 $0xC000, s21;
	s31 =	simm.s32 $0x12900  }
0x19d: {  	[hbm4b:s1+s3] =	stream.linear.scatter [tilespmem:s31], [sflag:$0x4], $0x400, $0x38;
	[tilespmem:$0x14500] =	vst v63  }
0x19e: {  	s22 =	sor.u32 s10, s0;
	s21 =	sadd.s32 $0x10000, s21;
	s31 =	simm.s32 $0x13900  }
0x19f: {  	[hbm4b:s21+s3] =	stream.linear.scatter [tilespmem:s31], [sflag:$0x4], $0x400, $0x38;
	[tilespmem:$0x14500] =	vst v63  }
0x1a0: {  	s21 =	sshrl.u32 s22, $0x3  }
0x1a1: {  	s31 =	simm.s32 $0xFD00;
	s21 =	sadd.s32 s2, s21  }
0x1a2: {  	[hbm4b:s21+s3] =	stream.linear.scatter [tilespmem:s31], [sflag:$0x4], $0x400, $0x38;
	[tilespmem:$0x14500] =	vst v63  }
0x1a3: {  	s1 =	sadd.s32 $0x4000, s21;
	s31 =	simm.s32 $0x10D00  }
0x1a4: {  	[hbm4b:s1+s3] =	stream.linear.scatter [tilespmem:s31], [sflag:$0x4], $0x400, $0x38;
	[tilespmem:$0x14500] =	vst v63  }
0x1a5: {  	s1 =	sadd.s32 $0x8000, s21;
	s31 =	simm.s32 $0x11D00  }
0x1a6: {  	[hbm4b:s1+s3] =	stream.linear.scatter [tilespmem:s31], [sflag:$0x4], $0x400, $0x38;
	[tilespmem:$0x14500] =	vst v63  }
0x1a7: {  	s0 =	sor.u32 s11, s0;
	s1 =	sadd.s32 $0xC000, s21;
	s31 =	simm.s32 $0x12D00  }
0x1a8: {  	[hbm4b:s1+s3] =	stream.linear.scatter [tilespmem:s31], [sflag:$0x4], $0x400, $0x38;
	[tilespmem:$0x14500] =	vst v63  }
0x1a9: {  	s0 =	sshrl.u32 s0, $0x3;
	s21 =	sadd.s32 $0x10000, s21;
	s31 =	simm.s32 $0x13D00  }
0x1aa: {  	[hbm4b:s21+s3] =	stream.linear.scatter [tilespmem:s31], [sflag:$0x4], $0x400, $0x38;
	[tilespmem:$0x14500] =	vst v63  }
0x1ab: {  	s0 =	sadd.s32 s2, s0;
	s21 =	simm.s32 $0x10100  }
0x1ac: {  	[hbm4b:s0+s3] =	stream.linear.scatter [tilespmem:s21], [sflag:$0x4], $0x400, $0x38;
	[tilespmem:$0x14500] =	vst v63  }
0x1ad: {  	s8 =	sadd.s32 $0x1, s8;
	s22 =	sadd.s32 $0x4000, s0;
	s31 =	simm.s32 $0x11100  }
0x1ae: {  	[hbm4b:s22+s3] =	stream.linear.scatter [tilespmem:s31], [sflag:$0x4], $0x400, $0x38;
	[tilespmem:$0x14500] =	vst v63  }
0x1af: {  	p0 =	sne.s32 s8, $0x14;
	s22 =	sadd.s32 $0x8000, s0;
	s31 =	simm.s32 $0x12100  }
0x1b0: {  	[hbm4b:s22+s3] =	stream.linear.scatter [tilespmem:s31], [sflag:$0x4], $0x400, $0x38;
	[tilespmem:$0x14500] =	vst v63  }
.Ltmp5:
0x1b1: {  	_ = 	snop;
	(pc) =	sbr.rel @p0 .LBB2_2-.Ltmp5, $4  }
0x1b2: {  	s1 =	sadd.s32 $0xC000, s0;
	s22 =	simm.s32 $0x13100  }
0x1b3: {  	[hbm4b:s1+s3] =	stream.linear.scatter [tilespmem:s22], [sflag:$0x4], $0x400, $0x38;
	[tilespmem:$0x14500] =	vst v63  }
0x1b4: {  	s0 =	sadd.s32 $0x10000, s0;
	s31 =	simm.s32 $0x14100  }
0x1b5: {  	[hbm4b:s0+s3] =	stream.linear.scatter [tilespmem:s31], [sflag:$0x4], $0x400, $0x38;
	[tilespmem:$0x14500] =	vst v63  }
0x1b6: {  	s0 =	simm.s32 $0x3  }
0x1b7: {  	_ =	swait.ge [sflag:s0], $0x1400  }
0x1b8: {  	[sflag:s0] =	ssyncset.done $0x0  }
0x1b9: {  	[sflag:s0] =	ssyncadd.s32 $0xFFFFEC00  }
0x1ba: {  	_ =	swait.ge [sflag:s0], $0x1400  }
0x1bb: {  	[sflag:s0] =	ssyncset.done $0x0  }
0x1bc: {  	[sflag:s0] =	ssyncadd.s32 $0xFFFFEC00  }
0x1bd: {  	_ =	swait.ge [sflag:s0], $0x1400  }
0x1be: {  	[sflag:s0] =	ssyncset.done $0x0  }
0x1bf: {  	[sflag:s0] =	ssyncadd.s32 $0xFFFFEC00  }
0x1c0: {  	_ =	swait.ge [sflag:s0], $0x1400  }
0x1c1: {  	[sflag:s0] =	ssyncset.done $0x0  }
0x1c2: {  	[sflag:s0] =	ssyncadd.s32 $0xFFFFEC00  }
0x1c3: {  	_ =	swait.ge [sflag:s12], $0x1400  }
0x1c4: {  	[sflag:s12] =	ssyncset.done $0x0  }
0x1c5: {  	[sflag:s12] =	ssyncadd.s32 $0xFFFFEC00  }
0x1c6: {  	_ =	swait.ge [sflag:s12], $0x1400  }
0x1c7: {  	[sflag:s12] =	ssyncset.done $0x0  }
0x1c8: {  	[sflag:s12] =	ssyncadd.s32 $0xFFFFEC00  }
0x1c9: {  	_ =	swait.ge [sflag:s12], $0x1400  }
0x1ca: {  	[sflag:s12] =	ssyncset.done $0x0  }
0x1cb: {  	[sflag:s12] =	ssyncadd.s32 $0xFFFFEC00  }
0x1cc: {  	_ =	swait.ge [sflag:s12], $0x1400  }
0x1cd: {  	s1 =	rddreg [dreg:$0x6]  }
0x1ce: {  	s31 =	rddreg [dreg:$0x5];
	s1 =	sadd.s32 $0x1, s1  }
0x1cf: {  	p0 =	sne.s32 s1, s31  }
.Ltmp6:
0x1d0: {  	_ = 	snop;
	(pc) =	sbr.rel @p0 .LBB2_1-.Ltmp6, $3  }
0x1d1: {  	_ =	sdelay $0x1  }
0x1d2: {  	[sflag:s12] =	ssyncset.done $0x0  }
0x1d3: {  	[sflag:s12] =	ssyncadd.s32 $0xFFFFEC00  }
0x1d4: {  	_ =	sfence.sel $0x180000  }
0x1d5: {  	[bflag:$0x0] =	sbarrier.arrive $0xFFFF  }
0x1d6: {  	_ =	strace $0x90000047  }
0x1d7: {  	s0 =	stileid.u32;
	[bflag:$0x2] =	sbarrier.arrive $0xFFFF  }
0x1d8: {  	p0 =	sne.s32 s0, $0x0;
	s0 =	rddreg [dreg:$0x2]  }
0x1d9: {  	s0 =	sadd.s32 @!p0 $0x100000, s0  }
0x1da: {  	[sflag:s0] =	ssyncadd.tile.s32 @!p0 $0x1;
	_ =	shalt  }
.Lfunc_end2:
_tile_overlayer_lowered:
.L_overlay_start_2:
0x1db: {  	(tag) =	ssettag $0x2  }
0x1dc: {  	s0 =	rddreg [dreg:$0x0];
	s2 =	stileid.u32  }
0x1dd: {  	s1 =	rddreg [dreg:$0x1];
	p0 =	sne.s32 s2, $0x0  }
0x1de: {  	s3 =	rddreg [dreg:$0x2];
	[bflag:$0x3] =	sbarrier.arrive $0xFFFF;
	s2 =	simm.s32 @!p0 $0x1C05  }
0x1df: {  	[timem:s3], [sflag:s2] =	dma.local @!p0 [hbm:s0], s1  }
0x1e0: {  	s0 =	simm.s32 @!p0 $0x5  }
0x1e1: {  	_ =	swait.ge @!p0 [sflag:s0], s1  }
0x1e2: {  	s1 =	ssub.s32 @!p0 $0x0, s1;
	[sflag:s0] =	ssyncset.done @!p0 $0x0  }
0x1e3: {  	[sflag:s0] =	ssyncadd.s32 @!p0 s1  }
0x1e4: {  	[bflag:$0x3] =	sbarrier.arrive $0xFFFF  }
0x1e5: {  	_ =	shalt  }

</sc_bundles>
